<compile_context>
chip_gen: v7x
topology: tpu7x:2x2x1
jax: 0.10.2.dev20260603
libtpu: 0.0.44.dev20260713+nightly
codegen_flags: <defaults>
</compile_context>

<pallas_src>
import functools
import math

import jax
import jax.numpy as jnp
from jax import lax
from jax.experimental import pallas as pl
from jax.experimental.pallas import tpu as pltpu
from jax.experimental.pallas import tpu_sc as plsc

_N = 10000
_D = 128
_ALPHA = 0.1
_LAMBDA = 1.0

_NC = 2
_NS = 16
_NW = _NC * _NS
_C = 128

_NPAD = 10112
_C0 = 120
_C1 = 40
_ZROWS = _NPAD // _NS
def _ceil_to(x, m):
    return (x + m - 1) // m * m


def _sc_degrees(dst3):
    ch = dst3.shape[1]
    mesh = plsc.VectorSubcoreMesh(core_axis_name="c", subcore_axis_name="s")

    @functools.partial(
        pl.kernel,
        mesh=mesh,
        out_type=jax.ShapeDtypeStruct((_NC, _NPAD, _D), jnp.float32),
        scratch_types=[
            pltpu.VMEM((ch, _C), jnp.int32),
            pltpu.VMEM((_C, _D), jnp.float32),
            pltpu.VMEM((8, _D), jnp.float32),
            pltpu.VMEM_SHARED((_NPAD, _D), jnp.float32),
        ],
    )
    def k(dst_hbm, out_hbm, idx_v, ones_v, z_v, deg_sh):
        cid = lax.axis_index("c")
        sid = lax.axis_index("s")
        wid = cid * _NS + sid

        pltpu.sync_copy(dst_hbm.at[wid], idx_v)

        ones16 = jnp.ones((16,), jnp.float32)
        zeros16 = jnp.zeros((16,), jnp.float32)

        def fill_ones(i, _):
            r = i // 8
            p = i - r * 8
            ones_v[r, pl.ds(p * 16, 16)] = ones16
            return 0

        lax.fori_loop(0, _C * 8, fill_ones, 0)

        def fill_zero(i, _):
            for p in range(_D // 16):
                z_v[i, pl.ds(p * 16, 16)] = zeros16
            return 0

        lax.fori_loop(0, 8, fill_zero, 0)

        base = sid * _ZROWS

        def zero_sh(q, _):
            pltpu.sync_copy(z_v, deg_sh.at[pl.ds(base + q * 8, 8)])
            return 0

        lax.fori_loop(0, _ZROWS // 8, zero_sh, 0)
        plsc.subcore_barrier()

        def body(j, _):
            pltpu.sync_copy(ones_v, deg_sh.at[idx_v.at[j]], add=True)
            return 0

        lax.fori_loop(0, ch, body, 0)
        plsc.subcore_barrier()

        pltpu.sync_copy(deg_sh.at[pl.ds(base, _ZROWS)],
                        out_hbm.at[cid, pl.ds(base, _ZROWS)])

    return k(dst3)


def _sc_aggregate(hn, src3, dst3, c0, c1):
    w = 40
    mesh = plsc.VectorSubcoreMesh(core_axis_name="c", subcore_axis_name="s")

    @functools.partial(
        pl.kernel,
        mesh=mesh,
        out_type=jax.ShapeDtypeStruct((_NC, _NPAD, _D), jnp.float32),
        scratch_types=[
            pltpu.VMEM((w, _C), jnp.int32),
            pltpu.VMEM((w, _C), jnp.int32),
            pltpu.VMEM((_C, _D), jnp.float32),
            pltpu.VMEM((_C, _D), jnp.float32),
            pltpu.VMEM((8, _D), jnp.float32),
            pltpu.VMEM_SHARED((_NPAD, _D), jnp.float32),
            pltpu.SemaphoreType.DMA,
            pltpu.SemaphoreType.DMA,
            pltpu.SemaphoreType.DMA,
            pltpu.SemaphoreType.DMA,
        ],
    )
    def k(hn_hbm, src_hbm, dst_hbm, out_hbm,
          sidx_v, didx_v, rows0, rows1, z_v, agg_sh, gs0, gs1, ss0, ss1):
        cid = lax.axis_index("c")
        sid = lax.axis_index("s")
        wid = cid * _NS + sid
        nwin = lax.select(cid == 0, c0 // w, c1 // w)

        def fill_zero(i, _):
            for p in range(_D // 16):
                z_v[i, pl.ds(p * 16, 16)] = jnp.zeros((16,), jnp.float32)
            return 0

        lax.fori_loop(0, 8, fill_zero, 0)

        base = sid * _ZROWS

        def zero_sh(q, _):
            pltpu.sync_copy(z_v, agg_sh.at[pl.ds(base + q * 8, 8)])
            return 0

        lax.fori_loop(0, _ZROWS // 8, zero_sh, 0)
        plsc.subcore_barrier()

        def window(h, _):
            pltpu.sync_copy(src_hbm.at[wid, pl.ds(h * w, w)], sidx_v)
            pltpu.sync_copy(dst_hbm.at[wid, pl.ds(h * w, w)], didx_v)
            pltpu.async_copy(hn_hbm.at[sidx_v.at[0]], rows0, gs0)
            pltpu.async_copy(hn_hbm.at[sidx_v.at[1]], rows1, gs1)

            def body(i, _):
                j0 = 2 * i
                j1 = 2 * i + 1
                n0 = lax.rem(j0 + 2, w)
                n1 = lax.rem(j1 + 2, w)
                pltpu.make_async_copy(hn_hbm.at[sidx_v.at[j0]], rows0, gs0).wait()
                pltpu.async_copy(rows0, agg_sh.at[didx_v.at[j0]], ss0, add=True)
                pltpu.make_async_copy(hn_hbm.at[sidx_v.at[j1]], rows1, gs1).wait()
                pltpu.async_copy(rows1, agg_sh.at[didx_v.at[j1]], ss1, add=True)
                pltpu.make_async_copy(rows0, agg_sh.at[didx_v.at[j0]], ss0).wait()
                pltpu.async_copy(hn_hbm.at[sidx_v.at[n0]], rows0, gs0)
                pltpu.make_async_copy(rows1, agg_sh.at[didx_v.at[j1]], ss1).wait()
                pltpu.async_copy(hn_hbm.at[sidx_v.at[n1]], rows1, gs1)
                return 0

            lax.fori_loop(0, w // 2, body, 0)
            pltpu.make_async_copy(hn_hbm.at[sidx_v.at[0]], rows0, gs0).wait()
            pltpu.make_async_copy(hn_hbm.at[sidx_v.at[1]], rows1, gs1).wait()
            return 0

        lax.fori_loop(0, nwin, window, 0)
        plsc.subcore_barrier()

        pltpu.sync_copy(agg_sh.at[pl.ds(base, _ZROWS)],
                        out_hbm.at[cid, pl.ds(base, _ZROWS)])

    return k(hn, src3, dst3)


_R = 2000


def _fc_body(x_ref, w_ref, b_ref, o_ref):
    x = x_ref[...]
    w = w_ref[...]
    o = lax.dot_general(x, w, (((1,), (1,)), ((), ())),
                        preferred_element_type=jnp.float32)
    o_ref[...] = o + b_ref[...]


def _tc_fc(feat, w_fc, b_fc):
    grid = (_N // _R,)
    return pl.pallas_call(
        _fc_body,
        grid=grid,
        in_specs=[
            pl.BlockSpec((_R, _D), lambda i: (i, 0)),
            pl.BlockSpec((_D, _D), lambda i: (0, 0)),
            pl.BlockSpec((1, _D), lambda i: (0, 0)),
        ],
        out_specs=pl.BlockSpec((_R, _D), lambda i: (i, 0)),
        out_shape=jax.ShapeDtypeStruct((_N, _D), jnp.float32),
    )(feat, w_fc, b_fc.reshape(1, _D))


def _prep_body(h0_ref, d_ref, norm_ref, hn_ref):
    deg = d_ref[0, :, 0:1] + d_ref[1, :, 0:1]
    norm = lax.rsqrt(jnp.maximum(deg, 1.0))
    norm_ref[...] = norm
    hn_ref[...] = h0_ref[...] * norm


def _tc_prep(h0, deg2):
    grid = (_N // _R,)
    return pl.pallas_call(
        _prep_body,
        grid=grid,
        in_specs=[
            pl.BlockSpec((_R, _D), lambda i: (i, 0)),
            pl.BlockSpec((2, _R, _D), lambda i: (0, i, 0)),
        ],
        out_specs=[
            pl.BlockSpec((_R, 1), lambda i: (i, 0)),
            pl.BlockSpec((_R, _D), lambda i: (i, 0)),
        ],
        out_shape=[
            jax.ShapeDtypeStruct((_N, 1), jnp.float32),
            jax.ShapeDtypeStruct((_N, _D), jnp.float32),
        ],
    )(h0, deg2)


def _layer_core(agg_ref, norm_ref, f0_ref, w_ref, b_ref, beta):
    a = agg_ref[0] + agg_ref[1]
    norm = norm_ref[...]
    h = a * norm * (1.0 - _ALPHA) + _ALPHA * f0_ref[...]
    row = lax.broadcasted_iota(jnp.int32, (_D, _D), 0)
    col = lax.broadcasted_iota(jnp.int32, (_D, _D), 1)
    eye = jnp.where(row == col, 1.0 - beta, 0.0).astype(jnp.float32)
    wmod = eye + beta * w_ref[...]
    o = lax.dot_general(h, wmod, (((1,), (0,)), ((), ())),
                        preferred_element_type=jnp.float32)
    return jnp.maximum(o + b_ref[...], 0.0), norm


def _layer1_body(agg_ref, norm_ref, f0_ref, w_ref, b_ref, o_ref, hn_ref, *,
                 beta):
    o, norm = _layer_core(agg_ref, norm_ref, f0_ref, w_ref, b_ref, beta)
    o_ref[...] = o
    hn_ref[...] = o * norm


def _layer2_body(agg_ref, norm_ref, f0_ref, w_ref, b_ref, o_ref, *, beta):
    o, _ = _layer_core(agg_ref, norm_ref, f0_ref, w_ref, b_ref, beta)
    o_ref[...] = o


def _tc_layer(agg2, norm, f0, w, b, beta, want_hn):
    grid = (_N // _R,)
    in_specs = [
        pl.BlockSpec((2, _R, _D), lambda i: (0, i, 0)),
        pl.BlockSpec((_R, 1), lambda i: (i, 0)),
        pl.BlockSpec((_R, _D), lambda i: (i, 0)),
        pl.BlockSpec((_D, _D), lambda i: (0, 0)),
        pl.BlockSpec((1, _D), lambda i: (0, 0)),
    ]
    if want_hn:
        return pl.pallas_call(
            functools.partial(_layer1_body, beta=beta),
            grid=grid,
            in_specs=in_specs,
            out_specs=[
                pl.BlockSpec((_R, _D), lambda i: (i, 0)),
                pl.BlockSpec((_R, _D), lambda i: (i, 0)),
            ],
            out_shape=[
                jax.ShapeDtypeStruct((_N, _D), jnp.float32),
                jax.ShapeDtypeStruct((_N, _D), jnp.float32),
            ],
        )(agg2, norm, f0, w, b.reshape(1, _D))
    return pl.pallas_call(
        functools.partial(_layer2_body, beta=beta),
        grid=grid,
        in_specs=in_specs,
        out_specs=pl.BlockSpec((_R, _D), lambda i: (i, 0)),
        out_shape=jax.ShapeDtypeStruct((_N, _D), jnp.float32),
    )(agg2, norm, f0, w, b.reshape(1, _D))


@jax.jit
def kernel(feat, edge_index, W_fc, b_fc, W1, b1, W2, b2):
    e = edge_index.shape[1]
    ch = _ceil_to(_ceil_to(e, _NW * _C) // (_NW * _C), 2)
    e_pad = _NW * ch * _C

    src = edge_index[0]
    dst = edge_index[1]
    pad = e_pad - e
    src_p = jnp.concatenate([src, jnp.zeros((pad,), jnp.int32)])
    dst_p = jnp.concatenate([dst, jnp.full((pad,), _N, jnp.int32)])
    src3 = src_p.reshape(_NW, ch, _C)
    dst3 = dst_p.reshape(_NW, ch, _C)

    c0, c1 = _C0, _C1
    cmax = max(c0, c1)
    n0 = _NS * c0 * _C

    def slab(flat, fill):
        a = jnp.full((_NW, cmax, _C), fill, jnp.int32)
        a = a.at[:_NS, :c0].set(flat[:n0].reshape(_NS, c0, _C))
        a = a.at[_NS:, :c1].set(flat[n0:].reshape(_NS, c1, _C))
        return a

    src3a = slab(src_p, 0)
    dst3a = slab(dst_p, _N)

    deg2 = _sc_degrees(dst3)
    h0 = _tc_fc(feat, W_fc, b_fc)
    norm, hn1 = _tc_prep(h0, deg2)

    beta1 = math.log(_LAMBDA / 1.0 + 1.0)
    beta2 = math.log(_LAMBDA / 2.0 + 1.0)

    agg1 = _sc_aggregate(hn1, src3a, dst3a, c0, c1)
    res, hn2 = _tc_layer(agg1, norm, h0, W1, b1, beta1, True)
    agg2 = _sc_aggregate(hn2, src3a, dst3a, c0, c1)
    out = _tc_layer(agg2, norm, h0, W2, b2, beta2, False)
    return out

# --- scband reference (transcript-rebuilt; emitter-appended) ---
"""Pipeline reference for scband-gcnii-53145925321199 (READ-ONLY COPY).

The authoritative reference and input builder live on the scoring server;
editing this copy changes nothing except your own understanding.
"""

import jax, jax.numpy as jnp
import numpy as np
import math

N = 10000
E = 320000
D_IN = 128
D_H = 128
ALPHA = 0.1
LAMBDA = 1.0


def setup_inputs(seed: int = 0):
    key = jax.random.key(seed)
    k1, k2, k3, k4, k5 = jax.random.split(key, 5)
    feat = jax.random.normal(k1, (N, D_IN), dtype=jnp.float32)
    edge_index = jax.random.randint(k2, (2, E), 0, N, dtype=jnp.int32)
    W_fc = jax.random.normal(k3, (D_H, D_IN), dtype=jnp.float32) * (1.0 / math.sqrt(D_IN))
    b_fc = jnp.zeros((D_H,), dtype=jnp.float32)
    W1 = jax.random.normal(k4, (D_H, D_H), dtype=jnp.float32) * (1.0 / math.sqrt(D_H))
    b1 = jnp.zeros((D_H,), dtype=jnp.float32)
    W2 = jax.random.normal(k5, (D_H, D_H), dtype=jnp.float32) * (1.0 / math.sqrt(D_H))
    b2 = jnp.zeros((D_H,), dtype=jnp.float32)
    return {"feat": feat, "edge_index": edge_index, "W_fc": W_fc, "b_fc": b_fc,
            "W1": W1, "b1": b1, "W2": W2, "b2": b2}


def _gcn2_layer(feat, feat0, src, dst, W, b, beta):
    # DGL GCN2Conv semantics (project_initial_features=True, bias=True, activation=relu)
    degs = jnp.zeros((N,), dtype=feat.dtype).at[dst].add(1.0)
    degs = jnp.clip(degs, 1.0, None)
    norm = jnp.power(degs, -0.5)[:, None]
    h = feat * norm
    # message passing: copy_u -> sum at dst
    agg = jnp.zeros_like(h).at[dst].add(h[src])
    h = agg * norm
    # initial residual
    h = (1.0 - ALPHA) * h + ALPHA * feat0
    # identity mapping: rst = (1-beta)*h + beta*(h @ W)
    rst = (1.0 - beta) * h + beta * (h @ W)
    rst = rst + b
    return jax.nn.relu(rst)


def reference(feat, edge_index, W_fc, b_fc, W1, b1, W2, b2):
    src = edge_index[0]
    dst = edge_index[1]
    h = feat @ W_fc.T + b_fc
    beta1 = math.log(LAMBDA / 1.0 + 1.0)
    beta2 = math.log(LAMBDA / 2.0 + 1.0)
    res = _gcn2_layer(h, h, src, dst, W1, b1, beta1)
    out = _gcn2_layer(res, h, src, dst, W2, b2, beta2)
    return out


if False:  # reference __main__ guard neutralized (emitter)
    inp = setup_inputs()
    out = reference(**inp)
    print(out.shape, out.dtype)

if __name__ == "__main__":
    import jax
    _d = setup_inputs()
    print(jax.jit(kernel)(*tuple(_d.values())))

</pallas_src>

<mosaic_0001>
#map = affine_map<(d0, d1) -> (0, 0, 0)>
module attributes {stable_mosaic.version = 14 : i64} {
  func.func @k(%arg0: i32, %arg1: i32, %arg2: memref<32x80x128xi32, #tpu.memory_space<hbm>>, %arg3: memref<2x10112x128xf32, #tpu.memory_space<hbm>>, %arg4: memref<80x128xi32, #tpu.memory_space<vmem>>, %arg5: memref<128x128xf32, #tpu.memory_space<vmem>>, %arg6: memref<8x128xf32, #tpu.memory_space<vmem>>, %arg7: memref<10112x128xf32, #tpu.memory_space<vmem_shared>>) attributes {dimension_semantics = [#tpu.dimension_semantics<core_parallel>, #tpu.dimension_semantics<subcore_parallel>], iteration_bounds = array<i64: 2, 16>, scalar_prefetch = 0 : i64, scratch_operands = 4 : i64, tpu.core_type = #tpu.core_type<sc_vector_subcore>, window_params = [{transform_indices = #map}, {transform_indices = #map}]} {
    %mul3A = arith.constant 16 : i32
    %mul3A_0 = arith.muli %arg0, %mul3A : i32
    %add3A = arith.addi %mul3A_0, %arg1 : i32
    "tpu.region"() ({
      %run_scoped3A = tpu.sem_alloc : memref<!tpu.dma_semaphore, #tpu.memory_space<semaphore_mem>>
      %dma_start3A = arith.constant 0 : i32
      %dma_start3A_34 = arith.constant 0 : i32
      %dma_start3A_35 = tpu.memref_slice %arg2[%add3A, %dma_start3A, %dma_start3A_34] : memref<32x80x128xi32, #tpu.memory_space<hbm>> -> memref<1x80x128xi32, #tpu.memory_space<hbm>>
      %dma_start3A_36 = tpu.memref_squeeze %dma_start3A_35 : memref<1x80x128xi32, #tpu.memory_space<hbm>> -> memref<80x128xi32, #tpu.memory_space<hbm>>
      %dma_start3A_37 = arith.constant 0 : i32
      %dma_start3A_38 = arith.constant 0 : i32
      %dma_start3A_39 = tpu.memref_slice %arg2[%add3A, %dma_start3A_37, %dma_start3A_38] : memref<32x80x128xi32, #tpu.memory_space<hbm>> -> memref<1x80x128xi32, #tpu.memory_space<hbm>>
      %dma_start3A_40 = tpu.memref_squeeze %dma_start3A_39 : memref<1x80x128xi32, #tpu.memory_space<hbm>> -> memref<80x128xi32, #tpu.memory_space<hbm>>
      tpu.enqueue_dma source(%dma_start3A_40 : memref<80x128xi32, #tpu.memory_space<hbm>>) target(%arg4 : memref<80x128xi32, #tpu.memory_space<vmem>>) target_semaphore(%run_scoped3A : memref<!tpu.dma_semaphore, #tpu.memory_space<semaphore_mem>>)
      %dma_wait3A = arith.constant 0 : i32
      %dma_wait3A_41 = arith.constant 0 : i32
      %dma_wait3A_42 = tpu.memref_slice %arg2[%add3A, %dma_wait3A, %dma_wait3A_41] : memref<32x80x128xi32, #tpu.memory_space<hbm>> -> memref<1x80x128xi32, #tpu.memory_space<hbm>>
      %dma_wait3A_43 = tpu.memref_squeeze %dma_wait3A_42 : memref<1x80x128xi32, #tpu.memory_space<hbm>> -> memref<80x128xi32, #tpu.memory_space<hbm>>
      %dma_wait3A_44 = arith.constant 0 : i32
      %dma_wait3A_45 = arith.constant 0 : i32
      %dma_wait3A_46 = tpu.memref_slice %arg2[%add3A, %dma_wait3A_44, %dma_wait3A_45] : memref<32x80x128xi32, #tpu.memory_space<hbm>> -> memref<1x80x128xi32, #tpu.memory_space<hbm>>
      %dma_wait3A_47 = tpu.memref_squeeze %dma_wait3A_46 : memref<1x80x128xi32, #tpu.memory_space<hbm>> -> memref<80x128xi32, #tpu.memory_space<hbm>>
      tpu.wait_dma2 semaphore(%run_scoped3A : memref<!tpu.dma_semaphore, #tpu.memory_space<semaphore_mem>>) src(%dma_wait3A_47 : memref<80x128xi32, #tpu.memory_space<hbm>>) dst(%arg4 : memref<80x128xi32, #tpu.memory_space<vmem>>)
      tpu.yield
    }) : () -> ()
    %broadcast_in_dim3A = arith.constant 1.000000e+00 : f32
    %broadcast_in_dim3A_1 = vector.broadcast %broadcast_in_dim3A : f32 to vector<16xf32>
    %broadcast_in_dim3A_2 = arith.constant 0.000000e+00 : f32
    %broadcast_in_dim3A_3 = vector.broadcast %broadcast_in_dim3A_2 : f32 to vector<16xf32>
    %scan3A = arith.constant 0 : i32
    %scan3A_4 = arith.constant 0 : i32
    %scan3A_5 = arith.constant 1024 : i32
    %scan3A_6 = arith.addi %scan3A_4, %scan3A_5 : i32
    %scan3A_7 = arith.constant 1 : i32
    %scan3A_8 = scf.for %scan3A_34 = %scan3A_4 to %scan3A_6 step %scan3A_7 iter_args(%scan3A_35 = %scan3A) -> (i32)  : i32 {
      %jit3A = arith.constant 8 : i32
      %div3A = arith.divsi %scan3A_34, %jit3A : i32
      %sign3A = arith.constant 0 : i32
      %sign3A_36 = arith.cmpi sgt, %scan3A_34, %sign3A : i32
      %sign3A_37 = arith.extui %sign3A_36 : i1 to i32
      %sign3A_38 = arith.constant 0 : i32
      %sign3A_39 = arith.cmpi slt, %scan3A_34, %sign3A_38 : i32
      %sign3A_40 = arith.extui %sign3A_39 : i1 to i32
      %sign3A_41 = arith.subi %sign3A_37, %sign3A_40 : i32
      %sign3A_42 = arith.constant 0 : i32
      %sign3A_43 = arith.cmpi sgt, %jit3A, %sign3A_42 : i32
      %sign3A_44 = arith.extui %sign3A_43 : i1 to i32
      %sign3A_45 = arith.constant 0 : i32
      %sign3A_46 = arith.cmpi slt, %jit3A, %sign3A_45 : i32
      %sign3A_47 = arith.extui %sign3A_46 : i1 to i32
      %sign3A_48 = arith.subi %sign3A_44, %sign3A_47 : i32
      %ne3A = arith.cmpi ne, %sign3A_41, %sign3A_48 : i32
      %rem3A = arith.remsi %scan3A_34, %jit3A : i32
      %ne3A_49 = arith.constant 0 : i32
      %ne3A_50 = arith.cmpi ne, %rem3A, %ne3A_49 : i32
      %and3A = arith.andi %ne3A, %ne3A_50 : i1
      %sub3A = arith.constant 1 : i32
      %sub3A_51 = arith.subi %div3A, %sub3A : i32
      %select_n3A = arith.select %and3A, %sub3A_51, %div3A : i32
      %mul3A_52 = arith.constant 8 : i32
      %mul3A_53 = arith.muli %select_n3A, %mul3A_52 : i32
      %sub3A_54 = arith.subi %scan3A_34, %mul3A_53 : i32
      %mul3A_55 = arith.constant 16 : i32
      %mul3A_56 = arith.muli %sub3A_54, %mul3A_55 : i32
      %swap3A = arith.index_cast %select_n3A : i32 to index
      %swap3A_57 = arith.index_cast %mul3A_56 : i32 to index
      %swap3A_58 = tpu.vector_load %arg5[%swap3A, %swap3A_57] {strides = array<i32>} : memref<128x128xf32, #tpu.memory_space<vmem>>, vector<1x16xf32>,
      %swap3A_59 = vector.shape_cast %swap3A_58 : vector<1x16xf32> to vector<16xf32>
      %swap3A_60 = vector.shape_cast %broadcast_in_dim3A_1 : vector<16xf32> to vector<1x16xf32>
      tpu.vector_store %arg5[%swap3A, %swap3A_57], %swap3A_60 {strides = array<i32>} : memref<128x128xf32, #tpu.memory_space<vmem>>, vector<1x16xf32>,
      %scan3A_61 = arith.constant 0 : i32
      scf.yield %scan3A_61 : i32
    }
    %scan3A_9 = arith.constant 1024 : i32
    %scan3A_10 = arith.constant 0 : i32
    %scan3A_11 = arith.constant 0 : i32
    %scan3A_12 = arith.constant 8 : i32
    %scan3A_13 = arith.addi %scan3A_11, %scan3A_12 : i32
    %scan3A_14 = arith.constant 1 : i32
    %scan3A_15 = scf.for %scan3A_34 = %scan3A_11 to %scan3A_13 step %scan3A_14 iter_args(%scan3A_35 = %scan3A_10) -> (i32)  : i32 {
      %swap3A = arith.index_cast %scan3A_34 : i32 to index
      %swap3A_36 = arith.constant 0 : index
      %swap3A_37 = tpu.vector_load %arg6[%swap3A, %swap3A_36] {strides = array<i32>} : memref<8x128xf32, #tpu.memory_space<vmem>>, vector<1x16xf32>,
      %swap3A_38 = vector.shape_cast %swap3A_37 : vector<1x16xf32> to vector<16xf32>
      %swap3A_39 = vector.shape_cast %broadcast_in_dim3A_3 : vector<16xf32> to vector<1x16xf32>
      tpu.vector_store %arg6[%swap3A, %swap3A_36], %swap3A_39 {strides = array<i32>} : memref<8x128xf32, #tpu.memory_space<vmem>>, vector<1x16xf32>,
      %swap3A_40 = arith.index_cast %scan3A_34 : i32 to index
      %swap3A_41 = arith.constant 16 : index
      %swap3A_42 = tpu.vector_load %arg6[%swap3A_40, %swap3A_41] {strides = array<i32>} : memref<8x128xf32, #tpu.memory_space<vmem>>, vector<1x16xf32>,
      %swap3A_43 = vector.shape_cast %swap3A_42 : vector<1x16xf32> to vector<16xf32>
      %swap3A_44 = vector.shape_cast %broadcast_in_dim3A_3 : vector<16xf32> to vector<1x16xf32>
      tpu.vector_store %arg6[%swap3A_40, %swap3A_41], %swap3A_44 {strides = array<i32>} : memref<8x128xf32, #tpu.memory_space<vmem>>, vector<1x16xf32>,
      %swap3A_45 = arith.index_cast %scan3A_34 : i32 to index
      %swap3A_46 = arith.constant 32 : index
      %swap3A_47 = tpu.vector_load %arg6[%swap3A_45, %swap3A_46] {strides = array<i32>} : memref<8x128xf32, #tpu.memory_space<vmem>>, vector<1x16xf32>,
      %swap3A_48 = vector.shape_cast %swap3A_47 : vector<1x16xf32> to vector<16xf32>
      %swap3A_49 = vector.shape_cast %broadcast_in_dim3A_3 : vector<16xf32> to vector<1x16xf32>
      tpu.vector_store %arg6[%swap3A_45, %swap3A_46], %swap3A_49 {strides = array<i32>} : memref<8x128xf32, #tpu.memory_space<vmem>>, vector<1x16xf32>,
      %swap3A_50 = arith.index_cast %scan3A_34 : i32 to index
      %swap3A_51 = arith.constant 48 : index
      %swap3A_52 = tpu.vector_load %arg6[%swap3A_50, %swap3A_51] {strides = array<i32>} : memref<8x128xf32, #tpu.memory_space<vmem>>, vector<1x16xf32>,
      %swap3A_53 = vector.shape_cast %swap3A_52 : vector<1x16xf32> to vector<16xf32>
      %swap3A_54 = vector.shape_cast %broadcast_in_dim3A_3 : vector<16xf32> to vector<1x16xf32>
      tpu.vector_store %arg6[%swap3A_50, %swap3A_51], %swap3A_54 {strides = array<i32>} : memref<8x128xf32, #tpu.memory_space<vmem>>, vector<1x16xf32>,
      %swap3A_55 = arith.index_cast %scan3A_34 : i32 to index
      %swap3A_56 = arith.constant 64 : index
      %swap3A_57 = tpu.vector_load %arg6[%swap3A_55, %swap3A_56] {strides = array<i32>} : memref<8x128xf32, #tpu.memory_space<vmem>>, vector<1x16xf32>,
      %swap3A_58 = vector.shape_cast %swap3A_57 : vector<1x16xf32> to vector<16xf32>
      %swap3A_59 = vector.shape_cast %broadcast_in_dim3A_3 : vector<16xf32> to vector<1x16xf32>
      tpu.vector_store %arg6[%swap3A_55, %swap3A_56], %swap3A_59 {strides = array<i32>} : memref<8x128xf32, #tpu.memory_space<vmem>>, vector<1x16xf32>,
      %swap3A_60 = arith.index_cast %scan3A_34 : i32 to index
      %swap3A_61 = arith.constant 80 : index
      %swap3A_62 = tpu.vector_load %arg6[%swap3A_60, %swap3A_61] {strides = array<i32>} : memref<8x128xf32, #tpu.memory_space<vmem>>, vector<1x16xf32>,
      %swap3A_63 = vector.shape_cast %swap3A_62 : vector<1x16xf32> to vector<16xf32>
      %swap3A_64 = vector.shape_cast %broadcast_in_dim3A_3 : vector<16xf32> to vector<1x16xf32>
      tpu.vector_store %arg6[%swap3A_60, %swap3A_61], %swap3A_64 {strides = array<i32>} : memref<8x128xf32, #tpu.memory_space<vmem>>, vector<1x16xf32>,
      %swap3A_65 = arith.index_cast %scan3A_34 : i32 to index
      %swap3A_66 = arith.constant 96 : index
      %swap3A_67 = tpu.vector_load %arg6[%swap3A_65, %swap3A_66] {strides = array<i32>} : memref<8x128xf32, #tpu.memory_space<vmem>>, vector<1x16xf32>,
      %swap3A_68 = vector.shape_cast %swap3A_67 : vector<1x16xf32> to vector<16xf32>
      %swap3A_69 = vector.shape_cast %broadcast_in_dim3A_3 : vector<16xf32> to vector<1x16xf32>
      tpu.vector_store %arg6[%swap3A_65, %swap3A_66], %swap3A_69 {strides = array<i32>} : memref<8x128xf32, #tpu.memory_space<vmem>>, vector<1x16xf32>,
      %swap3A_70 = arith.index_cast %scan3A_34 : i32 to index
      %swap3A_71 = arith.constant 112 : index
      %swap3A_72 = tpu.vector_load %arg6[%swap3A_70, %swap3A_71] {strides = array<i32>} : memref<8x128xf32, #tpu.memory_space<vmem>>, vector<1x16xf32>,
      %swap3A_73 = vector.shape_cast %swap3A_72 : vector<1x16xf32> to vector<16xf32>
      %swap3A_74 = vector.shape_cast %broadcast_in_dim3A_3 : vector<16xf32> to vector<1x16xf32>
      tpu.vector_store %arg6[%swap3A_70, %swap3A_71], %swap3A_74 {strides = array<i32>} : memref<8x128xf32, #tpu.memory_space<vmem>>, vector<1x16xf32>,
      %scan3A_75 = arith.constant 0 : i32
      scf.yield %scan3A_75 : i32
    }
    %scan3A_16 = arith.constant 8 : i32
    %mul3A_17 = arith.constant 632 : i32
    %mul3A_18 = arith.muli %arg1, %mul3A_17 : i32
    %scan3A_19 = arith.constant 0 : i32
    %scan3A_20 = arith.constant 0 : i32
    %scan3A_21 = arith.constant 79 : i32
    %scan3A_22 = arith.addi %scan3A_20, %scan3A_21 : i32
    %scan3A_23 = arith.constant 1 : i32
    %scan3A_24 = scf.for %scan3A_34 = %scan3A_20 to %scan3A_22 step %scan3A_23 iter_args(%scan3A_35 = %scan3A_19) -> (i32)  : i32 {
      %mul3A_36 = arith.constant 8 : i32
      %mul3A_37 = arith.muli %scan3A_34, %mul3A_36 : i32
      %add3A_38 = arith.addi %mul3A_18, %mul3A_37 : i32
      "tpu.region"() ({
        %run_scoped3A = tpu.sem_alloc : memref<!tpu.dma_semaphore, #tpu.memory_space<semaphore_mem>>
        %dma_start3A = arith.constant 0 : i32
        %dma_start3A_40 = tpu.memref_slice %arg7[%add3A_38, %dma_start3A] : memref<10112x128xf32, #tpu.memory_space<vmem_shared>> -> memref<8x128xf32, #tpu.memory_space<vmem_shared>>
        %dma_start3A_41 = arith.constant 0 : i32
        %dma_start3A_42 = tpu.memref_slice %arg7[%add3A_38, %dma_start3A_41] : memref<10112x128xf32, #tpu.memory_space<vmem_shared>> -> memref<8x128xf32, #tpu.memory_space<vmem_shared>>
        tpu.enqueue_dma source(%arg6 : memref<8x128xf32, #tpu.memory_space<vmem>>) target(%dma_start3A_42 : memref<8x128xf32, #tpu.memory_space<vmem_shared>>) target_semaphore(%run_scoped3A : memref<!tpu.dma_semaphore, #tpu.memory_space<semaphore_mem>>)
        %dma_wait3A = arith.constant 0 : i32
        %dma_wait3A_43 = tpu.memref_slice %arg7[%add3A_38, %dma_wait3A] : memref<10112x128xf32, #tpu.memory_space<vmem_shared>> -> memref<8x128xf32, #tpu.memory_space<vmem_shared>>
        %dma_wait3A_44 = arith.constant 0 : i32
        %dma_wait3A_45 = tpu.memref_slice %arg7[%add3A_38, %dma_wait3A_44] : memref<10112x128xf32, #tpu.memory_space<vmem_shared>> -> memref<8x128xf32, #tpu.memory_space<vmem_shared>>
        tpu.wait_dma2 semaphore(%run_scoped3A : memref<!tpu.dma_semaphore, #tpu.memory_space<semaphore_mem>>) src(%arg6 : memref<8x128xf32, #tpu.memory_space<vmem>>) dst(%dma_wait3A_45 : memref<8x128xf32, #tpu.memory_space<vmem_shared>>)
        tpu.yield
      }) : () -> ()
      %scan3A_39 = arith.constant 0 : i32
      scf.yield %scan3A_39 : i32
    }
    %scan3A_25 = arith.constant 79 : i32
    %barrier3A = arith.constant 0 : index
    tpu.barrier barrier_id(%barrier3A)
    %scan3A_26 = arith.constant 0 : i32
    %scan3A_27 = arith.constant 0 : i32
    %scan3A_28 = arith.constant 80 : i32
    %scan3A_29 = arith.addi %scan3A_27, %scan3A_28 : i32
    %scan3A_30 = arith.constant 1 : i32
    %scan3A_31 = scf.for %scan3A_34 = %scan3A_27 to %scan3A_29 step %scan3A_30 iter_args(%scan3A_35 = %scan3A_26) -> (i32)  : i32 {
      "tpu.region"() ({
        %run_scoped3A = tpu.sem_alloc : memref<!tpu.dma_semaphore, #tpu.memory_space<semaphore_mem>>
        %dma_start3A = arith.constant 0 : i32
        %dma_start3A_37 = tpu.memref_slice %arg4[%scan3A_34, %dma_start3A] : memref<80x128xi32, #tpu.memory_space<vmem>> -> memref<1x128xi32, #tpu.memory_space<vmem>>
        %dma_start3A_38 = tpu.memref_squeeze %dma_start3A_37 : memref<1x128xi32, #tpu.memory_space<vmem>> -> memref<128xi32, #tpu.memory_space<vmem>>
        %dma_start3A_39 = arith.constant 0 : i32
        %dma_start3A_40 = arith.constant 0 : i32
        %dma_start3A_41 = tpu.memref_slice %arg7[%dma_start3A_39, %dma_start3A_40] : memref<10112x128xf32, #tpu.memory_space<vmem_shared>> -> memref<10112x128xf32, #tpu.memory_space<vmem_shared>>
        tpu.enqueue_indirect_dma source(%arg5 : memref<128x128xf32, #tpu.memory_space<vmem>>) target(%dma_start3A_41 : memref<10112x128xf32, #tpu.memory_space<vmem_shared>>) offsets(%dma_start3A_38 : memref<128xi32, #tpu.memory_space<vmem>>) semaphore(%run_scoped3A : memref<!tpu.dma_semaphore, #tpu.memory_space<semaphore_mem>>) {add = true}
        %dma_wait3A = arith.constant 0 : i32
        %dma_wait3A_42 = tpu.memref_slice %arg4[%scan3A_34, %dma_wait3A] : memref<80x128xi32, #tpu.memory_space<vmem>> -> memref<1x128xi32, #tpu.memory_space<vmem>>
        %dma_wait3A_43 = tpu.memref_squeeze %dma_wait3A_42 : memref<1x128xi32, #tpu.memory_space<vmem>> -> memref<128xi32, #tpu.memory_space<vmem>>
        %dma_wait3A_44 = arith.constant 0 : i32
        %dma_wait3A_45 = arith.constant 0 : i32
        %dma_wait3A_46 = tpu.memref_slice %arg7[%dma_wait3A_44, %dma_wait3A_45] : memref<10112x128xf32, #tpu.memory_space<vmem_shared>> -> memref<10112x128xf32, #tpu.memory_space<vmem_shared>>
        tpu.wait_indirect_dma semaphore(%run_scoped3A : memref<!tpu.dma_semaphore, #tpu.memory_space<semaphore_mem>>) src(%arg5 : memref<128x128xf32, #tpu.memory_space<vmem>>) dst(%dma_wait3A_46 : memref<10112x128xf32, #tpu.memory_space<vmem_shared>>)
        tpu.yield
      }) : () -> ()
      %scan3A_36 = arith.constant 0 : i32
      scf.yield %scan3A_36 : i32
    }
    %scan3A_32 = arith.constant 80 : i32
    %barrier3A_33 = arith.constant 0 : index
    tpu.barrier barrier_id(%barrier3A_33)
    "tpu.region"() ({
      %run_scoped3A = tpu.sem_alloc : memref<!tpu.dma_semaphore, #tpu.memory_space<semaphore_mem>>
      %dma_start3A = arith.constant 0 : i32
      %dma_start3A_34 = tpu.memref_slice %arg3[%arg0, %mul3A_18, %dma_start3A] : memref<2x10112x128xf32, #tpu.memory_space<hbm>> -> memref<1x632x128xf32, #tpu.memory_space<hbm>>
      %dma_start3A_35 = tpu.memref_squeeze %dma_start3A_34 : memref<1x632x128xf32, #tpu.memory_space<hbm>> -> memref<632x128xf32, #tpu.memory_space<hbm>>
      %dma_start3A_36 = arith.constant 0 : i32
      %dma_start3A_37 = tpu.memref_slice %arg7[%mul3A_18, %dma_start3A_36] : memref<10112x128xf32, #tpu.memory_space<vmem_shared>> -> memref<632x128xf32, #tpu.memory_space<vmem_shared>>
      tpu.enqueue_dma source(%dma_start3A_37 : memref<632x128xf32, #tpu.memory_space<vmem_shared>>) target(%dma_start3A_35 : memref<632x128xf32, #tpu.memory_space<hbm>>) target_semaphore(%run_scoped3A : memref<!tpu.dma_semaphore, #tpu.memory_space<semaphore_mem>>)
      %dma_wait3A = arith.constant 0 : i32
      %dma_wait3A_38 = tpu.memref_slice %arg3[%arg0, %mul3A_18, %dma_wait3A] : memref<2x10112x128xf32, #tpu.memory_space<hbm>> -> memref<1x632x128xf32, #tpu.memory_space<hbm>>
      %dma_wait3A_39 = tpu.memref_squeeze %dma_wait3A_38 : memref<1x632x128xf32, #tpu.memory_space<hbm>> -> memref<632x128xf32, #tpu.memory_space<hbm>>
      %dma_wait3A_40 = arith.constant 0 : i32
      %dma_wait3A_41 = tpu.memref_slice %arg7[%mul3A_18, %dma_wait3A_40] : memref<10112x128xf32, #tpu.memory_space<vmem_shared>> -> memref<632x128xf32, #tpu.memory_space<vmem_shared>>
      tpu.wait_dma2 semaphore(%run_scoped3A : memref<!tpu.dma_semaphore, #tpu.memory_space<semaphore_mem>>) src(%dma_wait3A_41 : memref<632x128xf32, #tpu.memory_space<vmem_shared>>) dst(%dma_wait3A_39 : memref<632x128xf32, #tpu.memory_space<hbm>>)
      tpu.yield
    }) : () -> ()
    return
  }
}

#map = affine_map<(d0, d1) -> (0, 0)>
#map1 = affine_map<(d0, d1) -> (0, 0, 0)>
module attributes {stable_mosaic.version = 14 : i64} {
  func.func @k(%arg0: i32, %arg1: i32, %arg2: memref<10000x128xf32, #tpu.memory_space<hbm>>, %arg3: memref<32x120x128xi32, #tpu.memory_space<hbm>>, %arg4: memref<32x120x128xi32, #tpu.memory_space<hbm>>, %arg5: memref<2x10112x128xf32, #tpu.memory_space<hbm>>, %arg6: memref<40x128xi32, #tpu.memory_space<vmem>>, %arg7: memref<40x128xi32, #tpu.memory_space<vmem>>, %arg8: memref<128x128xf32, #tpu.memory_space<vmem>>, %arg9: memref<128x128xf32, #tpu.memory_space<vmem>>, %arg10: memref<8x128xf32, #tpu.memory_space<vmem>>, %arg11: memref<10112x128xf32, #tpu.memory_space<vmem_shared>>, %arg12: memref<!tpu.dma_semaphore, #tpu.memory_space<semaphore_mem>>, %arg13: memref<!tpu.dma_semaphore, #tpu.memory_space<semaphore_mem>>, %arg14: memref<!tpu.dma_semaphore, #tpu.memory_space<semaphore_mem>>, %arg15: memref<!tpu.dma_semaphore, #tpu.memory_space<semaphore_mem>>) attributes {dimension_semantics = [#tpu.dimension_semantics<core_parallel>, #tpu.dimension_semantics<subcore_parallel>], iteration_bounds = array<i64: 2, 16>, scalar_prefetch = 0 : i64, scratch_operands = 10 : i64, tpu.core_type = #tpu.core_type<sc_vector_subcore>, window_params = [{transform_indices = #map}, {transform_indices = #map1}, {transform_indices = #map1}, {transform_indices = #map1}]} {
    %mul3A = arith.constant 16 : i32
    %mul3A_0 = arith.muli %arg0, %mul3A : i32
    %add3A = arith.addi %mul3A_0, %arg1 : i32
    %eq3A = arith.constant 0 : i32
    %eq3A_1 = arith.cmpi eq, %arg0, %eq3A : i32
    %select_n3A = arith.constant 1 : i32
    %select_n3A_2 = arith.constant 3 : i32
    %select_n3A_3 = arith.select %eq3A_1, %select_n3A_2, %select_n3A : i32
    %scan3A = arith.constant 0 : i32
    %scan3A_4 = arith.constant 0 : i32
    %scan3A_5 = arith.constant 8 : i32
    %scan3A_6 = arith.addi %scan3A_4, %scan3A_5 : i32
    %scan3A_7 = arith.constant 1 : i32
    %scan3A_8 = scf.for %scan3A_31 = %scan3A_4 to %scan3A_6 step %scan3A_7 iter_args(%scan3A_32 = %scan3A) -> (i32)  : i32 {
      %broadcast_in_dim3A = arith.constant 0.000000e+00 : f32
      %broadcast_in_dim3A_33 = vector.broadcast %broadcast_in_dim3A : f32 to vector<16xf32>
      %swap3A = arith.index_cast %scan3A_31 : i32 to index
      %swap3A_34 = arith.constant 0 : index
      %swap3A_35 = tpu.vector_load %arg10[%swap3A, %swap3A_34] {strides = array<i32>} : memref<8x128xf32, #tpu.memory_space<vmem>>, vector<1x16xf32>,
      %swap3A_36 = vector.shape_cast %swap3A_35 : vector<1x16xf32> to vector<16xf32>
      %swap3A_37 = vector.shape_cast %broadcast_in_dim3A_33 : vector<16xf32> to vector<1x16xf32>
      tpu.vector_store %arg10[%swap3A, %swap3A_34], %swap3A_37 {strides = array<i32>} : memref<8x128xf32, #tpu.memory_space<vmem>>, vector<1x16xf32>,
      %broadcast_in_dim3A_38 = arith.constant 0.000000e+00 : f32
      %broadcast_in_dim3A_39 = vector.broadcast %broadcast_in_dim3A_38 : f32 to vector<16xf32>
      %swap3A_40 = arith.index_cast %scan3A_31 : i32 to index
      %swap3A_41 = arith.constant 16 : index
      %swap3A_42 = tpu.vector_load %arg10[%swap3A_40, %swap3A_41] {strides = array<i32>} : memref<8x128xf32, #tpu.memory_space<vmem>>, vector<1x16xf32>,
      %swap3A_43 = vector.shape_cast %swap3A_42 : vector<1x16xf32> to vector<16xf32>
      %swap3A_44 = vector.shape_cast %broadcast_in_dim3A_39 : vector<16xf32> to vector<1x16xf32>
      tpu.vector_store %arg10[%swap3A_40, %swap3A_41], %swap3A_44 {strides = array<i32>} : memref<8x128xf32, #tpu.memory_space<vmem>>, vector<1x16xf32>,
      %broadcast_in_dim3A_45 = arith.constant 0.000000e+00 : f32
      %broadcast_in_dim3A_46 = vector.broadcast %broadcast_in_dim3A_45 : f32 to vector<16xf32>
      %swap3A_47 = arith.index_cast %scan3A_31 : i32 to index
      %swap3A_48 = arith.constant 32 : index
      %swap3A_49 = tpu.vector_load %arg10[%swap3A_47, %swap3A_48] {strides = array<i32>} : memref<8x128xf32, #tpu.memory_space<vmem>>, vector<1x16xf32>,
      %swap3A_50 = vector.shape_cast %swap3A_49 : vector<1x16xf32> to vector<16xf32>
      %swap3A_51 = vector.shape_cast %broadcast_in_dim3A_46 : vector<16xf32> to vector<1x16xf32>
      tpu.vector_store %arg10[%swap3A_47, %swap3A_48], %swap3A_51 {strides = array<i32>} : memref<8x128xf32, #tpu.memory_space<vmem>>, vector<1x16xf32>,
      %broadcast_in_dim3A_52 = arith.constant 0.000000e+00 : f32
      %broadcast_in_dim3A_53 = vector.broadcast %broadcast_in_dim3A_52 : f32 to vector<16xf32>
      %swap3A_54 = arith.index_cast %scan3A_31 : i32 to index
      %swap3A_55 = arith.constant 48 : index
      %swap3A_56 = tpu.vector_load %arg10[%swap3A_54, %swap3A_55] {strides = array<i32>} : memref<8x128xf32, #tpu.memory_space<vmem>>, vector<1x16xf32>,
      %swap3A_57 = vector.shape_cast %swap3A_56 : vector<1x16xf32> to vector<16xf32>
      %swap3A_58 = vector.shape_cast %broadcast_in_dim3A_53 : vector<16xf32> to vector<1x16xf32>
      tpu.vector_store %arg10[%swap3A_54, %swap3A_55], %swap3A_58 {strides = array<i32>} : memref<8x128xf32, #tpu.memory_space<vmem>>, vector<1x16xf32>,
      %broadcast_in_dim3A_59 = arith.constant 0.000000e+00 : f32
      %broadcast_in_dim3A_60 = vector.broadcast %broadcast_in_dim3A_59 : f32 to vector<16xf32>
      %swap3A_61 = arith.index_cast %scan3A_31 : i32 to index
      %swap3A_62 = arith.constant 64 : index
      %swap3A_63 = tpu.vector_load %arg10[%swap3A_61, %swap3A_62] {strides = array<i32>} : memref<8x128xf32, #tpu.memory_space<vmem>>, vector<1x16xf32>,
      %swap3A_64 = vector.shape_cast %swap3A_63 : vector<1x16xf32> to vector<16xf32>
      %swap3A_65 = vector.shape_cast %broadcast_in_dim3A_60 : vector<16xf32> to vector<1x16xf32>
      tpu.vector_store %arg10[%swap3A_61, %swap3A_62], %swap3A_65 {strides = array<i32>} : memref<8x128xf32, #tpu.memory_space<vmem>>, vector<1x16xf32>,
      %broadcast_in_dim3A_66 = arith.constant 0.000000e+00 : f32
      %broadcast_in_dim3A_67 = vector.broadcast %broadcast_in_dim3A_66 : f32 to vector<16xf32>
      %swap3A_68 = arith.index_cast %scan3A_31 : i32 to index
      %swap3A_69 = arith.constant 80 : index
      %swap3A_70 = tpu.vector_load %arg10[%swap3A_68, %swap3A_69] {strides = array<i32>} : memref<8x128xf32, #tpu.memory_space<vmem>>, vector<1x16xf32>,
      %swap3A_71 = vector.shape_cast %swap3A_70 : vector<1x16xf32> to vector<16xf32>
      %swap3A_72 = vector.shape_cast %broadcast_in_dim3A_67 : vector<16xf32> to vector<1x16xf32>
      tpu.vector_store %arg10[%swap3A_68, %swap3A_69], %swap3A_72 {strides = array<i32>} : memref<8x128xf32, #tpu.memory_space<vmem>>, vector<1x16xf32>,
      %broadcast_in_dim3A_73 = arith.constant 0.000000e+00 : f32
      %broadcast_in_dim3A_74 = vector.broadcast %broadcast_in_dim3A_73 : f32 to vector<16xf32>
      %swap3A_75 = arith.index_cast %scan3A_31 : i32 to index
      %swap3A_76 = arith.constant 96 : index
      %swap3A_77 = tpu.vector_load %arg10[%swap3A_75, %swap3A_76] {strides = array<i32>} : memref<8x128xf32, #tpu.memory_space<vmem>>, vector<1x16xf32>,
      %swap3A_78 = vector.shape_cast %swap3A_77 : vector<1x16xf32> to vector<16xf32>
      %swap3A_79 = vector.shape_cast %broadcast_in_dim3A_74 : vector<16xf32> to vector<1x16xf32>
      tpu.vector_store %arg10[%swap3A_75, %swap3A_76], %swap3A_79 {strides = array<i32>} : memref<8x128xf32, #tpu.memory_space<vmem>>, vector<1x16xf32>,
      %broadcast_in_dim3A_80 = arith.constant 0.000000e+00 : f32
      %broadcast_in_dim3A_81 = vector.broadcast %broadcast_in_dim3A_80 : f32 to vector<16xf32>
      %swap3A_82 = arith.index_cast %scan3A_31 : i32 to index
      %swap3A_83 = arith.constant 112 : index
      %swap3A_84 = tpu.vector_load %arg10[%swap3A_82, %swap3A_83] {strides = array<i32>} : memref<8x128xf32, #tpu.memory_space<vmem>>, vector<1x16xf32>,
      %swap3A_85 = vector.shape_cast %swap3A_84 : vector<1x16xf32> to vector<16xf32>
      %swap3A_86 = vector.shape_cast %broadcast_in_dim3A_81 : vector<16xf32> to vector<1x16xf32>
      tpu.vector_store %arg10[%swap3A_82, %swap3A_83], %swap3A_86 {strides = array<i32>} : memref<8x128xf32, #tpu.memory_space<vmem>>, vector<1x16xf32>,
      %scan3A_87 = arith.constant 0 : i32
      scf.yield %scan3A_87 : i32
    }
    %scan3A_9 = arith.constant 8 : i32
    %mul3A_10 = arith.constant 632 : i32
    %mul3A_11 = arith.muli %arg1, %mul3A_10 : i32
    %scan3A_12 = arith.constant 0 : i32
    %scan3A_13 = arith.constant 0 : i32
    %scan3A_14 = arith.constant 79 : i32
    %scan3A_15 = arith.addi %scan3A_13, %scan3A_14 : i32
    %scan3A_16 = arith.constant 1 : i32
    %scan3A_17 = scf.for %scan3A_31 = %scan3A_13 to %scan3A_15 step %scan3A_16 iter_args(%scan3A_32 = %scan3A_12) -> (i32)  : i32 {
      %mul3A_33 = arith.constant 8 : i32
      %mul3A_34 = arith.muli %scan3A_31, %mul3A_33 : i32
      %add3A_35 = arith.addi %mul3A_11, %mul3A_34 : i32
      "tpu.region"() ({
        %run_scoped3A = tpu.sem_alloc : memref<!tpu.dma_semaphore, #tpu.memory_space<semaphore_mem>>
        %dma_start3A = arith.constant 0 : i32
        %dma_start3A_37 = tpu.memref_slice %arg11[%add3A_35, %dma_start3A] : memref<10112x128xf32, #tpu.memory_space<vmem_shared>> -> memref<8x128xf32, #tpu.memory_space<vmem_shared>>
        %dma_start3A_38 = arith.constant 0 : i32
        %dma_start3A_39 = tpu.memref_slice %arg11[%add3A_35, %dma_start3A_38] : memref<10112x128xf32, #tpu.memory_space<vmem_shared>> -> memref<8x128xf32, #tpu.memory_space<vmem_shared>>
        tpu.enqueue_dma source(%arg10 : memref<8x128xf32, #tpu.memory_space<vmem>>) target(%dma_start3A_39 : memref<8x128xf32, #tpu.memory_space<vmem_shared>>) target_semaphore(%run_scoped3A : memref<!tpu.dma_semaphore, #tpu.memory_space<semaphore_mem>>)
        %dma_wait3A = arith.constant 0 : i32
        %dma_wait3A_40 = tpu.memref_slice %arg11[%add3A_35, %dma_wait3A] : memref<10112x128xf32, #tpu.memory_space<vmem_shared>> -> memref<8x128xf32, #tpu.memory_space<vmem_shared>>
        %dma_wait3A_41 = arith.constant 0 : i32
        %dma_wait3A_42 = tpu.memref_slice %arg11[%add3A_35, %dma_wait3A_41] : memref<10112x128xf32, #tpu.memory_space<vmem_shared>> -> memref<8x128xf32, #tpu.memory_space<vmem_shared>>
        tpu.wait_dma2 semaphore(%run_scoped3A : memref<!tpu.dma_semaphore, #tpu.memory_space<semaphore_mem>>) src(%arg10 : memref<8x128xf32, #tpu.memory_space<vmem>>) dst(%dma_wait3A_42 : memref<8x128xf32, #tpu.memory_space<vmem_shared>>)
        tpu.yield
      }) : () -> ()
      %scan3A_36 = arith.constant 0 : i32
      scf.yield %scan3A_36 : i32
    }
    %scan3A_18 = arith.constant 79 : i32
    %barrier3A = arith.constant 0 : index
    tpu.barrier barrier_id(%barrier3A)
    %while3A = arith.constant 0 : i32
    %while3A_19 = arith.constant 0 : i32
    %while3A_20 = arith.subi %select_n3A_3, %while3A : i32
    %while3A_21 = arith.addi %while3A, %while3A_20 : i32
    %while3A_22 = arith.constant 1 : i32
    %while3A_23 = arith.divsi %while3A_20, %while3A_22 : i32
    %while3A_24 = arith.muli %while3A_23, %while3A_22 : i32
    %while3A_25 = arith.addi %while3A, %while3A_24 : i32
    %while3A_26 = arith.constant 1 : i32
    %while3A_27 = scf.for %while3A_31 = %while3A to %while3A_25 step %while3A_26 iter_args(%while3A_32 = %while3A_19) -> (i32)  : i32 {
      %mul3A_33 = arith.constant 40 : i32
      %mul3A_34 = arith.muli %while3A_31, %mul3A_33 : i32
      "tpu.region"() ({
        %run_scoped3A = tpu.sem_alloc : memref<!tpu.dma_semaphore, #tpu.memory_space<semaphore_mem>>
        %dma_start3A_71 = arith.constant 0 : i32
        %dma_start3A_72 = tpu.memref_slice %arg3[%add3A, %mul3A_34, %dma_start3A_71] : memref<32x120x128xi32, #tpu.memory_space<hbm>> -> memref<1x40x128xi32, #tpu.memory_space<hbm>>
        %dma_start3A_73 = tpu.memref_squeeze %dma_start3A_72 : memref<1x40x128xi32, #tpu.memory_space<hbm>> -> memref<40x128xi32, #tpu.memory_space<hbm>>
        %dma_start3A_74 = arith.constant 0 : i32
        %dma_start3A_75 = tpu.memref_slice %arg3[%add3A, %mul3A_34, %dma_start3A_74] : memref<32x120x128xi32, #tpu.memory_space<hbm>> -> memref<1x40x128xi32, #tpu.memory_space<hbm>>
        %dma_start3A_76 = tpu.memref_squeeze %dma_start3A_75 : memref<1x40x128xi32, #tpu.memory_space<hbm>> -> memref<40x128xi32, #tpu.memory_space<hbm>>
        tpu.enqueue_dma source(%dma_start3A_76 : memref<40x128xi32, #tpu.memory_space<hbm>>) target(%arg6 : memref<40x128xi32, #tpu.memory_space<vmem>>) target_semaphore(%run_scoped3A : memref<!tpu.dma_semaphore, #tpu.memory_space<semaphore_mem>>)
        %dma_wait3A_77 = arith.constant 0 : i32
        %dma_wait3A_78 = tpu.memref_slice %arg3[%add3A, %mul3A_34, %dma_wait3A_77] : memref<32x120x128xi32, #tpu.memory_space<hbm>> -> memref<1x40x128xi32, #tpu.memory_space<hbm>>
        %dma_wait3A_79 = tpu.memref_squeeze %dma_wait3A_78 : memref<1x40x128xi32, #tpu.memory_space<hbm>> -> memref<40x128xi32, #tpu.memory_space<hbm>>
        %dma_wait3A_80 = arith.constant 0 : i32
        %dma_wait3A_81 = tpu.memref_slice %arg3[%add3A, %mul3A_34, %dma_wait3A_80] : memref<32x120x128xi32, #tpu.memory_space<hbm>> -> memref<1x40x128xi32, #tpu.memory_space<hbm>>
        %dma_wait3A_82 = tpu.memref_squeeze %dma_wait3A_81 : memref<1x40x128xi32, #tpu.memory_space<hbm>> -> memref<40x128xi32, #tpu.memory_space<hbm>>
        tpu.wait_dma2 semaphore(%run_scoped3A : memref<!tpu.dma_semaphore, #tpu.memory_space<semaphore_mem>>) src(%dma_wait3A_82 : memref<40x128xi32, #tpu.memory_space<hbm>>) dst(%arg6 : memref<40x128xi32, #tpu.memory_space<vmem>>)
        tpu.yield
      }) : () -> ()
      %mul3A_35 = arith.constant 40 : i32
      %mul3A_36 = arith.muli %while3A_31, %mul3A_35 : i32
      "tpu.region"() ({
        %run_scoped3A = tpu.sem_alloc : memref<!tpu.dma_semaphore, #tpu.memory_space<semaphore_mem>>
        %dma_start3A_71 = arith.constant 0 : i32
        %dma_start3A_72 = tpu.memref_slice %arg4[%add3A, %mul3A_36, %dma_start3A_71] : memref<32x120x128xi32, #tpu.memory_space<hbm>> -> memref<1x40x128xi32, #tpu.memory_space<hbm>>
        %dma_start3A_73 = tpu.memref_squeeze %dma_start3A_72 : memref<1x40x128xi32, #tpu.memory_space<hbm>> -> memref<40x128xi32, #tpu.memory_space<hbm>>
        %dma_start3A_74 = arith.constant 0 : i32
        %dma_start3A_75 = tpu.memref_slice %arg4[%add3A, %mul3A_36, %dma_start3A_74] : memref<32x120x128xi32, #tpu.memory_space<hbm>> -> memref<1x40x128xi32, #tpu.memory_space<hbm>>
        %dma_start3A_76 = tpu.memref_squeeze %dma_start3A_75 : memref<1x40x128xi32, #tpu.memory_space<hbm>> -> memref<40x128xi32, #tpu.memory_space<hbm>>
        tpu.enqueue_dma source(%dma_start3A_76 : memref<40x128xi32, #tpu.memory_space<hbm>>) target(%arg7 : memref<40x128xi32, #tpu.memory_space<vmem>>) target_semaphore(%run_scoped3A : memref<!tpu.dma_semaphore, #tpu.memory_space<semaphore_mem>>)
        %dma_wait3A_77 = arith.constant 0 : i32
        %dma_wait3A_78 = tpu.memref_slice %arg4[%add3A, %mul3A_36, %dma_wait3A_77] : memref<32x120x128xi32, #tpu.memory_space<hbm>> -> memref<1x40x128xi32, #tpu.memory_space<hbm>>
        %dma_wait3A_79 = tpu.memref_squeeze %dma_wait3A_78 : memref<1x40x128xi32, #tpu.memory_space<hbm>> -> memref<40x128xi32, #tpu.memory_space<hbm>>
        %dma_wait3A_80 = arith.constant 0 : i32
        %dma_wait3A_81 = tpu.memref_slice %arg4[%add3A, %mul3A_36, %dma_wait3A_80] : memref<32x120x128xi32, #tpu.memory_space<hbm>> -> memref<1x40x128xi32, #tpu.memory_space<hbm>>
        %dma_wait3A_82 = tpu.memref_squeeze %dma_wait3A_81 : memref<1x40x128xi32, #tpu.memory_space<hbm>> -> memref<40x128xi32, #tpu.memory_space<hbm>>
        tpu.wait_dma2 semaphore(%run_scoped3A : memref<!tpu.dma_semaphore, #tpu.memory_space<semaphore_mem>>) src(%dma_wait3A_82 : memref<40x128xi32, #tpu.memory_space<hbm>>) dst(%arg7 : memref<40x128xi32, #tpu.memory_space<vmem>>)
        tpu.yield
      }) : () -> ()
      %dma_start3A = arith.constant 0 : i32
      %dma_start3A_37 = arith.constant 0 : i32
      %dma_start3A_38 = tpu.memref_slice %arg6[%dma_start3A, %dma_start3A_37] : memref<40x128xi32, #tpu.memory_space<vmem>> -> memref<1x128xi32, #tpu.memory_space<vmem>>
      %dma_start3A_39 = tpu.memref_squeeze %dma_start3A_38 : memref<1x128xi32, #tpu.memory_space<vmem>> -> memref<128xi32, #tpu.memory_space<vmem>>
      %dma_start3A_40 = arith.constant 0 : i32
      %dma_start3A_41 = arith.constant 0 : i32
      %dma_start3A_42 = tpu.memref_slice %arg2[%dma_start3A_40, %dma_start3A_41] : memref<10000x128xf32, #tpu.memory_space<hbm>> -> memref<10000x128xf32, #tpu.memory_space<hbm>>
      tpu.enqueue_indirect_dma source(%dma_start3A_42 : memref<10000x128xf32, #tpu.memory_space<hbm>>) target(%arg8 : memref<128x128xf32, #tpu.memory_space<vmem>>) offsets(%dma_start3A_39 : memref<128xi32, #tpu.memory_space<vmem>>) semaphore(%arg12 : memref<!tpu.dma_semaphore, #tpu.memory_space<semaphore_mem>>)
      %dma_start3A_43 = arith.constant 1 : i32
      %dma_start3A_44 = arith.constant 0 : i32
      %dma_start3A_45 = tpu.memref_slice %arg6[%dma_start3A_43, %dma_start3A_44] : memref<40x128xi32, #tpu.memory_space<vmem>> -> memref<1x128xi32, #tpu.memory_space<vmem>>
      %dma_start3A_46 = tpu.memref_squeeze %dma_start3A_45 : memref<1x128xi32, #tpu.memory_space<vmem>> -> memref<128xi32, #tpu.memory_space<vmem>>
      %dma_start3A_47 = arith.constant 0 : i32
      %dma_start3A_48 = arith.constant 0 : i32
      %dma_start3A_49 = tpu.memref_slice %arg2[%dma_start3A_47, %dma_start3A_48] : memref<10000x128xf32, #tpu.memory_space<hbm>> -> memref<10000x128xf32, #tpu.memory_space<hbm>>
      tpu.enqueue_indirect_dma source(%dma_start3A_49 : memref<10000x128xf32, #tpu.memory_space<hbm>>) target(%arg9 : memref<128x128xf32, #tpu.memory_space<vmem>>) offsets(%dma_start3A_46 : memref<128xi32, #tpu.memory_space<vmem>>) semaphore(%arg13 : memref<!tpu.dma_semaphore, #tpu.memory_space<semaphore_mem>>)
      %scan3A_50 = arith.constant 0 : i32
      %scan3A_51 = arith.constant 0 : i32
      %scan3A_52 = arith.constant 20 : i32
      %scan3A_53 = arith.addi %scan3A_51, %scan3A_52 : i32
      %scan3A_54 = arith.constant 1 : i32
      %scan3A_55 = scf.for %scan3A_71 = %scan3A_51 to %scan3A_53 step %scan3A_54 iter_args(%scan3A_72 = %scan3A_50) -> (i32)  : i32 {
        %mul3A_73 = arith.constant 2 : i32
        %mul3A_74 = arith.muli %mul3A_73, %scan3A_71 : i32
        %mul3A_75 = arith.constant 2 : i32
        %mul3A_76 = arith.muli %mul3A_75, %scan3A_71 : i32
        %add3A_77 = arith.constant 1 : i32
        %add3A_78 = arith.addi %mul3A_76, %add3A_77 : i32
        %add3A_79 = arith.constant 2 : i32
        %add3A_80 = arith.addi %mul3A_74, %add3A_79 : i32
        %rem3A = arith.constant 40 : i32
        %rem3A_81 = arith.remsi %add3A_80, %rem3A : i32
        %add3A_82 = arith.constant 2 : i32
        %add3A_83 = arith.addi %add3A_78, %add3A_82 : i32
        %rem3A_84 = arith.constant 40 : i32
        %rem3A_85 = arith.remsi %add3A_83, %rem3A_84 : i32
        %dma_wait3A_86 = arith.constant 0 : i32
        %dma_wait3A_87 = tpu.memref_slice %arg6[%mul3A_74, %dma_wait3A_86] : memref<40x128xi32, #tpu.memory_space<vmem>> -> memref<1x128xi32, #tpu.memory_space<vmem>>
        %dma_wait3A_88 = tpu.memref_squeeze %dma_wait3A_87 : memref<1x128xi32, #tpu.memory_space<vmem>> -> memref<128xi32, #tpu.memory_space<vmem>>
        %dma_wait3A_89 = arith.constant 0 : i32
        %dma_wait3A_90 = arith.constant 0 : i32
        %dma_wait3A_91 = tpu.memref_slice %arg2[%dma_wait3A_89, %dma_wait3A_90] : memref<10000x128xf32, #tpu.memory_space<hbm>> -> memref<10000x128xf32, #tpu.memory_space<hbm>>
        tpu.wait_indirect_dma semaphore(%arg12 : memref<!tpu.dma_semaphore, #tpu.memory_space<semaphore_mem>>) src(%dma_wait3A_91 : memref<10000x128xf32, #tpu.memory_space<hbm>>) dst(%arg8 : memref<128x128xf32, #tpu.memory_space<vmem>>)
        %dma_start3A_92 = arith.constant 0 : i32
        %dma_start3A_93 = tpu.memref_slice %arg7[%mul3A_74, %dma_start3A_92] : memref<40x128xi32, #tpu.memory_space<vmem>> -> memref<1x128xi32, #tpu.memory_space<vmem>>
        %dma_start3A_94 = tpu.memref_squeeze %dma_start3A_93 : memref<1x128xi32, #tpu.memory_space<vmem>> -> memref<128xi32, #tpu.memory_space<vmem>>
        %dma_start3A_95 = arith.constant 0 : i32
        %dma_start3A_96 = arith.constant 0 : i32
        %dma_start3A_97 = tpu.memref_slice %arg11[%dma_start3A_95, %dma_start3A_96] : memref<10112x128xf32, #tpu.memory_space<vmem_shared>> -> memref<10112x128xf32, #tpu.memory_space<vmem_shared>>
        tpu.enqueue_indirect_dma source(%arg8 : memref<128x128xf32, #tpu.memory_space<vmem>>) target(%dma_start3A_97 : memref<10112x128xf32, #tpu.memory_space<vmem_shared>>) offsets(%dma_start3A_94 : memref<128xi32, #tpu.memory_space<vmem>>) semaphore(%arg14 : memref<!tpu.dma_semaphore, #tpu.memory_space<semaphore_mem>>) {add = true}
        %dma_wait3A_98 = arith.constant 0 : i32
        %dma_wait3A_99 = tpu.memref_slice %arg6[%add3A_78, %dma_wait3A_98] : memref<40x128xi32, #tpu.memory_space<vmem>> -> memref<1x128xi32, #tpu.memory_space<vmem>>
        %dma_wait3A_100 = tpu.memref_squeeze %dma_wait3A_99 : memref<1x128xi32, #tpu.memory_space<vmem>> -> memref<128xi32, #tpu.memory_space<vmem>>
        %dma_wait3A_101 = arith.constant 0 : i32
        %dma_wait3A_102 = arith.constant 0 : i32
        %dma_wait3A_103 = tpu.memref_slice %arg2[%dma_wait3A_101, %dma_wait3A_102] : memref<10000x128xf32, #tpu.memory_space<hbm>> -> memref<10000x128xf32, #tpu.memory_space<hbm>>
        tpu.wait_indirect_dma semaphore(%arg13 : memref<!tpu.dma_semaphore, #tpu.memory_space<semaphore_mem>>) src(%dma_wait3A_103 : memref<10000x128xf32, #tpu.memory_space<hbm>>) dst(%arg9 : memref<128x128xf32, #tpu.memory_space<vmem>>)
        %dma_start3A_104 = arith.constant 0 : i32
        %dma_start3A_105 = tpu.memref_slice %arg7[%add3A_78, %dma_start3A_104] : memref<40x128xi32, #tpu.memory_space<vmem>> -> memref<1x128xi32, #tpu.memory_space<vmem>>
        %dma_start3A_106 = tpu.memref_squeeze %dma_start3A_105 : memref<1x128xi32, #tpu.memory_space<vmem>> -> memref<128xi32, #tpu.memory_space<vmem>>
        %dma_start3A_107 = arith.constant 0 : i32
        %dma_start3A_108 = arith.constant 0 : i32
        %dma_start3A_109 = tpu.memref_slice %arg11[%dma_start3A_107, %dma_start3A_108] : memref<10112x128xf32, #tpu.memory_space<vmem_shared>> -> memref<10112x128xf32, #tpu.memory_space<vmem_shared>>
        tpu.enqueue_indirect_dma source(%arg9 : memref<128x128xf32, #tpu.memory_space<vmem>>) target(%dma_start3A_109 : memref<10112x128xf32, #tpu.memory_space<vmem_shared>>) offsets(%dma_start3A_106 : memref<128xi32, #tpu.memory_space<vmem>>) semaphore(%arg15 : memref<!tpu.dma_semaphore, #tpu.memory_space<semaphore_mem>>) {add = true}
        %dma_wait3A_110 = arith.constant 0 : i32
        %dma_wait3A_111 = tpu.memref_slice %arg7[%mul3A_74, %dma_wait3A_110] : memref<40x128xi32, #tpu.memory_space<vmem>> -> memref<1x128xi32, #tpu.memory_space<vmem>>
        %dma_wait3A_112 = tpu.memref_squeeze %dma_wait3A_111 : memref<1x128xi32, #tpu.memory_space<vmem>> -> memref<128xi32, #tpu.memory_space<vmem>>
        %dma_wait3A_113 = arith.constant 0 : i32
        %dma_wait3A_114 = arith.constant 0 : i32
        %dma_wait3A_115 = tpu.memref_slice %arg11[%dma_wait3A_113, %dma_wait3A_114] : memref<10112x128xf32, #tpu.memory_space<vmem_shared>> -> memref<10112x128xf32, #tpu.memory_space<vmem_shared>>
        tpu.wait_indirect_dma semaphore(%arg14 : memref<!tpu.dma_semaphore, #tpu.memory_space<semaphore_mem>>) src(%arg8 : memref<128x128xf32, #tpu.memory_space<vmem>>) dst(%dma_wait3A_115 : memref<10112x128xf32, #tpu.memory_space<vmem_shared>>)
        %dma_start3A_116 = arith.constant 0 : i32
        %dma_start3A_117 = tpu.memref_slice %arg6[%rem3A_81, %dma_start3A_116] : memref<40x128xi32, #tpu.memory_space<vmem>> -> memref<1x128xi32, #tpu.memory_space<vmem>>
        %dma_start3A_118 = tpu.memref_squeeze %dma_start3A_117 : memref<1x128xi32, #tpu.memory_space<vmem>> -> memref<128xi32, #tpu.memory_space<vmem>>
        %dma_start3A_119 = arith.constant 0 : i32
        %dma_start3A_120 = arith.constant 0 : i32
        %dma_start3A_121 = tpu.memref_slice %arg2[%dma_start3A_119, %dma_start3A_120] : memref<10000x128xf32, #tpu.memory_space<hbm>> -> memref<10000x128xf32, #tpu.memory_space<hbm>>
        tpu.enqueue_indirect_dma source(%dma_start3A_121 : memref<10000x128xf32, #tpu.memory_space<hbm>>) target(%arg8 : memref<128x128xf32, #tpu.memory_space<vmem>>) offsets(%dma_start3A_118 : memref<128xi32, #tpu.memory_space<vmem>>) semaphore(%arg12 : memref<!tpu.dma_semaphore, #tpu.memory_space<semaphore_mem>>)
        %dma_wait3A_122 = arith.constant 0 : i32
        %dma_wait3A_123 = tpu.memref_slice %arg7[%add3A_78, %dma_wait3A_122] : memref<40x128xi32, #tpu.memory_space<vmem>> -> memref<1x128xi32, #tpu.memory_space<vmem>>
        %dma_wait3A_124 = tpu.memref_squeeze %dma_wait3A_123 : memref<1x128xi32, #tpu.memory_space<vmem>> -> memref<128xi32, #tpu.memory_space<vmem>>
        %dma_wait3A_125 = arith.constant 0 : i32
        %dma_wait3A_126 = arith.constant 0 : i32
        %dma_wait3A_127 = tpu.memref_slice %arg11[%dma_wait3A_125, %dma_wait3A_126] : memref<10112x128xf32, #tpu.memory_space<vmem_shared>> -> memref<10112x128xf32, #tpu.memory_space<vmem_shared>>
        tpu.wait_indirect_dma semaphore(%arg15 : memref<!tpu.dma_semaphore, #tpu.memory_space<semaphore_mem>>) src(%arg9 : memref<128x128xf32, #tpu.memory_space<vmem>>) dst(%dma_wait3A_127 : memref<10112x128xf32, #tpu.memory_space<vmem_shared>>)
        %dma_start3A_128 = arith.constant 0 : i32
        %dma_start3A_129 = tpu.memref_slice %arg6[%rem3A_85, %dma_start3A_128] : memref<40x128xi32, #tpu.memory_space<vmem>> -> memref<1x128xi32, #tpu.memory_space<vmem>>
        %dma_start3A_130 = tpu.memref_squeeze %dma_start3A_129 : memref<1x128xi32, #tpu.memory_space<vmem>> -> memref<128xi32, #tpu.memory_space<vmem>>
        %dma_start3A_131 = arith.constant 0 : i32
        %dma_start3A_132 = arith.constant 0 : i32
        %dma_start3A_133 = tpu.memref_slice %arg2[%dma_start3A_131, %dma_start3A_132] : memref<10000x128xf32, #tpu.memory_space<hbm>> -> memref<10000x128xf32, #tpu.memory_space<hbm>>
        tpu.enqueue_indirect_dma source(%dma_start3A_133 : memref<10000x128xf32, #tpu.memory_space<hbm>>) target(%arg9 : memref<128x128xf32, #tpu.memory_space<vmem>>) offsets(%dma_start3A_130 : memref<128xi32, #tpu.memory_space<vmem>>) semaphore(%arg13 : memref<!tpu.dma_semaphore, #tpu.memory_space<semaphore_mem>>)
        %scan3A_134 = arith.constant 0 : i32
        scf.yield %scan3A_134 : i32
      }
      %scan3A_56 = arith.constant 20 : i32
      %dma_wait3A = arith.constant 0 : i32
      %dma_wait3A_57 = arith.constant 0 : i32
      %dma_wait3A_58 = tpu.memref_slice %arg6[%dma_wait3A, %dma_wait3A_57] : memref<40x128xi32, #tpu.memory_space<vmem>> -> memref<1x128xi32, #tpu.memory_space<vmem>>
      %dma_wait3A_59 = tpu.memref_squeeze %dma_wait3A_58 : memref<1x128xi32, #tpu.memory_space<vmem>> -> memref<128xi32, #tpu.memory_space<vmem>>
      %dma_wait3A_60 = arith.constant 0 : i32
      %dma_wait3A_61 = arith.constant 0 : i32
      %dma_wait3A_62 = tpu.memref_slice %arg2[%dma_wait3A_60, %dma_wait3A_61] : memref<10000x128xf32, #tpu.memory_space<hbm>> -> memref<10000x128xf32, #tpu.memory_space<hbm>>
      tpu.wait_indirect_dma semaphore(%arg12 : memref<!tpu.dma_semaphore, #tpu.memory_space<semaphore_mem>>) src(%dma_wait3A_62 : memref<10000x128xf32, #tpu.memory_space<hbm>>) dst(%arg8 : memref<128x128xf32, #tpu.memory_space<vmem>>)
      %dma_wait3A_63 = arith.constant 1 : i32
      %dma_wait3A_64 = arith.constant 0 : i32
      %dma_wait3A_65 = tpu.memref_slice %arg6[%dma_wait3A_63, %dma_wait3A_64] : memref<40x128xi32, #tpu.memory_space<vmem>> -> memref<1x128xi32, #tpu.memory_space<vmem>>
      %dma_wait3A_66 = tpu.memref_squeeze %dma_wait3A_65 : memref<1x128xi32, #tpu.memory_space<vmem>> -> memref<128xi32, #tpu.memory_space<vmem>>
      %dma_wait3A_67 = arith.constant 0 : i32
      %dma_wait3A_68 = arith.constant 0 : i32
      %dma_wait3A_69 = tpu.memref_slice %arg2[%dma_wait3A_67, %dma_wait3A_68] : memref<10000x128xf32, #tpu.memory_space<hbm>> -> memref<10000x128xf32, #tpu.memory_space<hbm>>
      tpu.wait_indirect_dma semaphore(%arg13 : memref<!tpu.dma_semaphore, #tpu.memory_space<semaphore_mem>>) src(%dma_wait3A_69 : memref<10000x128xf32, #tpu.memory_space<hbm>>) dst(%arg9 : memref<128x128xf32, #tpu.memory_space<vmem>>)
      %while3A_70 = arith.constant 0 : i32
      scf.yield %while3A_70 : i32
    }
    %while3A_28 = arith.constant 1 : i32
    %while3A_29 = scf.for %while3A_31 = %while3A_25 to %while3A_21 step %while3A_28 iter_args(%while3A_32 = %while3A_27) -> (i32)  : i32 {
      %mul3A_33 = arith.constant 40 : i32
      %mul3A_34 = arith.muli %while3A_31, %mul3A_33 : i32
      "tpu.region"() ({
        %run_scoped3A = tpu.sem_alloc : memref<!tpu.dma_semaphore, #tpu.memory_space<semaphore_mem>>
        %dma_start3A_71 = arith.constant 0 : i32
        %dma_start3A_72 = tpu.memref_slice %arg3[%add3A, %mul3A_34, %dma_start3A_71] : memref<32x120x128xi32, #tpu.memory_space<hbm>> -> memref<1x40x128xi32, #tpu.memory_space<hbm>>
        %dma_start3A_73 = tpu.memref_squeeze %dma_start3A_72 : memref<1x40x128xi32, #tpu.memory_space<hbm>> -> memref<40x128xi32, #tpu.memory_space<hbm>>
        %dma_start3A_74 = arith.constant 0 : i32
        %dma_start3A_75 = tpu.memref_slice %arg3[%add3A, %mul3A_34, %dma_start3A_74] : memref<32x120x128xi32, #tpu.memory_space<hbm>> -> memref<1x40x128xi32, #tpu.memory_space<hbm>>
        %dma_start3A_76 = tpu.memref_squeeze %dma_start3A_75 : memref<1x40x128xi32, #tpu.memory_space<hbm>> -> memref<40x128xi32, #tpu.memory_space<hbm>>
        tpu.enqueue_dma source(%dma_start3A_76 : memref<40x128xi32, #tpu.memory_space<hbm>>) target(%arg6 : memref<40x128xi32, #tpu.memory_space<vmem>>) target_semaphore(%run_scoped3A : memref<!tpu.dma_semaphore, #tpu.memory_space<semaphore_mem>>)
        %dma_wait3A_77 = arith.constant 0 : i32
        %dma_wait3A_78 = tpu.memref_slice %arg3[%add3A, %mul3A_34, %dma_wait3A_77] : memref<32x120x128xi32, #tpu.memory_space<hbm>> -> memref<1x40x128xi32, #tpu.memory_space<hbm>>
        %dma_wait3A_79 = tpu.memref_squeeze %dma_wait3A_78 : memref<1x40x128xi32, #tpu.memory_space<hbm>> -> memref<40x128xi32, #tpu.memory_space<hbm>>
        %dma_wait3A_80 = arith.constant 0 : i32
        %dma_wait3A_81 = tpu.memref_slice %arg3[%add3A, %mul3A_34, %dma_wait3A_80] : memref<32x120x128xi32, #tpu.memory_space<hbm>> -> memref<1x40x128xi32, #tpu.memory_space<hbm>>
        %dma_wait3A_82 = tpu.memref_squeeze %dma_wait3A_81 : memref<1x40x128xi32, #tpu.memory_space<hbm>> -> memref<40x128xi32, #tpu.memory_space<hbm>>
        tpu.wait_dma2 semaphore(%run_scoped3A : memref<!tpu.dma_semaphore, #tpu.memory_space<semaphore_mem>>) src(%dma_wait3A_82 : memref<40x128xi32, #tpu.memory_space<hbm>>) dst(%arg6 : memref<40x128xi32, #tpu.memory_space<vmem>>)
        tpu.yield
      }) : () -> ()
      %mul3A_35 = arith.constant 40 : i32
      %mul3A_36 = arith.muli %while3A_31, %mul3A_35 : i32
      "tpu.region"() ({
        %run_scoped3A = tpu.sem_alloc : memref<!tpu.dma_semaphore, #tpu.memory_space<semaphore_mem>>
        %dma_start3A_71 = arith.constant 0 : i32
        %dma_start3A_72 = tpu.memref_slice %arg4[%add3A, %mul3A_36, %dma_start3A_71] : memref<32x120x128xi32, #tpu.memory_space<hbm>> -> memref<1x40x128xi32, #tpu.memory_space<hbm>>
        %dma_start3A_73 = tpu.memref_squeeze %dma_start3A_72 : memref<1x40x128xi32, #tpu.memory_space<hbm>> -> memref<40x128xi32, #tpu.memory_space<hbm>>
        %dma_start3A_74 = arith.constant 0 : i32
        %dma_start3A_75 = tpu.memref_slice %arg4[%add3A, %mul3A_36, %dma_start3A_74] : memref<32x120x128xi32, #tpu.memory_space<hbm>> -> memref<1x40x128xi32, #tpu.memory_space<hbm>>
        %dma_start3A_76 = tpu.memref_squeeze %dma_start3A_75 : memref<1x40x128xi32, #tpu.memory_space<hbm>> -> memref<40x128xi32, #tpu.memory_space<hbm>>
        tpu.enqueue_dma source(%dma_start3A_76 : memref<40x128xi32, #tpu.memory_space<hbm>>) target(%arg7 : memref<40x128xi32, #tpu.memory_space<vmem>>) target_semaphore(%run_scoped3A : memref<!tpu.dma_semaphore, #tpu.memory_space<semaphore_mem>>)
        %dma_wait3A_77 = arith.constant 0 : i32
        %dma_wait3A_78 = tpu.memref_slice %arg4[%add3A, %mul3A_36, %dma_wait3A_77] : memref<32x120x128xi32, #tpu.memory_space<hbm>> -> memref<1x40x128xi32, #tpu.memory_space<hbm>>
        %dma_wait3A_79 = tpu.memref_squeeze %dma_wait3A_78 : memref<1x40x128xi32, #tpu.memory_space<hbm>> -> memref<40x128xi32, #tpu.memory_space<hbm>>
        %dma_wait3A_80 = arith.constant 0 : i32
        %dma_wait3A_81 = tpu.memref_slice %arg4[%add3A, %mul3A_36, %dma_wait3A_80] : memref<32x120x128xi32, #tpu.memory_space<hbm>> -> memref<1x40x128xi32, #tpu.memory_space<hbm>>
        %dma_wait3A_82 = tpu.memref_squeeze %dma_wait3A_81 : memref<1x40x128xi32, #tpu.memory_space<hbm>> -> memref<40x128xi32, #tpu.memory_space<hbm>>
        tpu.wait_dma2 semaphore(%run_scoped3A : memref<!tpu.dma_semaphore, #tpu.memory_space<semaphore_mem>>) src(%dma_wait3A_82 : memref<40x128xi32, #tpu.memory_space<hbm>>) dst(%arg7 : memref<40x128xi32, #tpu.memory_space<vmem>>)
        tpu.yield
      }) : () -> ()
      %dma_start3A = arith.constant 0 : i32
      %dma_start3A_37 = arith.constant 0 : i32
      %dma_start3A_38 = tpu.memref_slice %arg6[%dma_start3A, %dma_start3A_37] : memref<40x128xi32, #tpu.memory_space<vmem>> -> memref<1x128xi32, #tpu.memory_space<vmem>>
      %dma_start3A_39 = tpu.memref_squeeze %dma_start3A_38 : memref<1x128xi32, #tpu.memory_space<vmem>> -> memref<128xi32, #tpu.memory_space<vmem>>
      %dma_start3A_40 = arith.constant 0 : i32
      %dma_start3A_41 = arith.constant 0 : i32
      %dma_start3A_42 = tpu.memref_slice %arg2[%dma_start3A_40, %dma_start3A_41] : memref<10000x128xf32, #tpu.memory_space<hbm>> -> memref<10000x128xf32, #tpu.memory_space<hbm>>
      tpu.enqueue_indirect_dma source(%dma_start3A_42 : memref<10000x128xf32, #tpu.memory_space<hbm>>) target(%arg8 : memref<128x128xf32, #tpu.memory_space<vmem>>) offsets(%dma_start3A_39 : memref<128xi32, #tpu.memory_space<vmem>>) semaphore(%arg12 : memref<!tpu.dma_semaphore, #tpu.memory_space<semaphore_mem>>)
      %dma_start3A_43 = arith.constant 1 : i32
      %dma_start3A_44 = arith.constant 0 : i32
      %dma_start3A_45 = tpu.memref_slice %arg6[%dma_start3A_43, %dma_start3A_44] : memref<40x128xi32, #tpu.memory_space<vmem>> -> memref<1x128xi32, #tpu.memory_space<vmem>>
      %dma_start3A_46 = tpu.memref_squeeze %dma_start3A_45 : memref<1x128xi32, #tpu.memory_space<vmem>> -> memref<128xi32, #tpu.memory_space<vmem>>
      %dma_start3A_47 = arith.constant 0 : i32
      %dma_start3A_48 = arith.constant 0 : i32
      %dma_start3A_49 = tpu.memref_slice %arg2[%dma_start3A_47, %dma_start3A_48] : memref<10000x128xf32, #tpu.memory_space<hbm>> -> memref<10000x128xf32, #tpu.memory_space<hbm>>
      tpu.enqueue_indirect_dma source(%dma_start3A_49 : memref<10000x128xf32, #tpu.memory_space<hbm>>) target(%arg9 : memref<128x128xf32, #tpu.memory_space<vmem>>) offsets(%dma_start3A_46 : memref<128xi32, #tpu.memory_space<vmem>>) semaphore(%arg13 : memref<!tpu.dma_semaphore, #tpu.memory_space<semaphore_mem>>)
      %scan3A_50 = arith.constant 0 : i32
      %scan3A_51 = arith.constant 0 : i32
      %scan3A_52 = arith.constant 20 : i32
      %scan3A_53 = arith.addi %scan3A_51, %scan3A_52 : i32
      %scan3A_54 = arith.constant 1 : i32
      %scan3A_55 = scf.for %scan3A_71 = %scan3A_51 to %scan3A_53 step %scan3A_54 iter_args(%scan3A_72 = %scan3A_50) -> (i32)  : i32 {
        %mul3A_73 = arith.constant 2 : i32
        %mul3A_74 = arith.muli %mul3A_73, %scan3A_71 : i32
        %mul3A_75 = arith.constant 2 : i32
        %mul3A_76 = arith.muli %mul3A_75, %scan3A_71 : i32
        %add3A_77 = arith.constant 1 : i32
        %add3A_78 = arith.addi %mul3A_76, %add3A_77 : i32
        %add3A_79 = arith.constant 2 : i32
        %add3A_80 = arith.addi %mul3A_74, %add3A_79 : i32
        %rem3A = arith.constant 40 : i32
        %rem3A_81 = arith.remsi %add3A_80, %rem3A : i32
        %add3A_82 = arith.constant 2 : i32
        %add3A_83 = arith.addi %add3A_78, %add3A_82 : i32
        %rem3A_84 = arith.constant 40 : i32
        %rem3A_85 = arith.remsi %add3A_83, %rem3A_84 : i32
        %dma_wait3A_86 = arith.constant 0 : i32
        %dma_wait3A_87 = tpu.memref_slice %arg6[%mul3A_74, %dma_wait3A_86] : memref<40x128xi32, #tpu.memory_space<vmem>> -> memref<1x128xi32, #tpu.memory_space<vmem>>
        %dma_wait3A_88 = tpu.memref_squeeze %dma_wait3A_87 : memref<1x128xi32, #tpu.memory_space<vmem>> -> memref<128xi32, #tpu.memory_space<vmem>>
        %dma_wait3A_89 = arith.constant 0 : i32
        %dma_wait3A_90 = arith.constant 0 : i32
        %dma_wait3A_91 = tpu.memref_slice %arg2[%dma_wait3A_89, %dma_wait3A_90] : memref<10000x128xf32, #tpu.memory_space<hbm>> -> memref<10000x128xf32, #tpu.memory_space<hbm>>
        tpu.wait_indirect_dma semaphore(%arg12 : memref<!tpu.dma_semaphore, #tpu.memory_space<semaphore_mem>>) src(%dma_wait3A_91 : memref<10000x128xf32, #tpu.memory_space<hbm>>) dst(%arg8 : memref<128x128xf32, #tpu.memory_space<vmem>>)
        %dma_start3A_92 = arith.constant 0 : i32
        %dma_start3A_93 = tpu.memref_slice %arg7[%mul3A_74, %dma_start3A_92] : memref<40x128xi32, #tpu.memory_space<vmem>> -> memref<1x128xi32, #tpu.memory_space<vmem>>
        %dma_start3A_94 = tpu.memref_squeeze %dma_start3A_93 : memref<1x128xi32, #tpu.memory_space<vmem>> -> memref<128xi32, #tpu.memory_space<vmem>>
        %dma_start3A_95 = arith.constant 0 : i32
        %dma_start3A_96 = arith.constant 0 : i32
        %dma_start3A_97 = tpu.memref_slice %arg11[%dma_start3A_95, %dma_start3A_96] : memref<10112x128xf32, #tpu.memory_space<vmem_shared>> -> memref<10112x128xf32, #tpu.memory_space<vmem_shared>>
        tpu.enqueue_indirect_dma source(%arg8 : memref<128x128xf32, #tpu.memory_space<vmem>>) target(%dma_start3A_97 : memref<10112x128xf32, #tpu.memory_space<vmem_shared>>) offsets(%dma_start3A_94 : memref<128xi32, #tpu.memory_space<vmem>>) semaphore(%arg14 : memref<!tpu.dma_semaphore, #tpu.memory_space<semaphore_mem>>) {add = true}
        %dma_wait3A_98 = arith.constant 0 : i32
        %dma_wait3A_99 = tpu.memref_slice %arg6[%add3A_78, %dma_wait3A_98] : memref<40x128xi32, #tpu.memory_space<vmem>> -> memref<1x128xi32, #tpu.memory_space<vmem>>
        %dma_wait3A_100 = tpu.memref_squeeze %dma_wait3A_99 : memref<1x128xi32, #tpu.memory_space<vmem>> -> memref<128xi32, #tpu.memory_space<vmem>>
        %dma_wait3A_101 = arith.constant 0 : i32
        %dma_wait3A_102 = arith.constant 0 : i32
        %dma_wait3A_103 = tpu.memref_slice %arg2[%dma_wait3A_101, %dma_wait3A_102] : memref<10000x128xf32, #tpu.memory_space<hbm>> -> memref<10000x128xf32, #tpu.memory_space<hbm>>
        tpu.wait_indirect_dma semaphore(%arg13 : memref<!tpu.dma_semaphore, #tpu.memory_space<semaphore_mem>>) src(%dma_wait3A_103 : memref<10000x128xf32, #tpu.memory_space<hbm>>) dst(%arg9 : memref<128x128xf32, #tpu.memory_space<vmem>>)
        %dma_start3A_104 = arith.constant 0 : i32
        %dma_start3A_105 = tpu.memref_slice %arg7[%add3A_78, %dma_start3A_104] : memref<40x128xi32, #tpu.memory_space<vmem>> -> memref<1x128xi32, #tpu.memory_space<vmem>>
        %dma_start3A_106 = tpu.memref_squeeze %dma_start3A_105 : memref<1x128xi32, #tpu.memory_space<vmem>> -> memref<128xi32, #tpu.memory_space<vmem>>
        %dma_start3A_107 = arith.constant 0 : i32
        %dma_start3A_108 = arith.constant 0 : i32
        %dma_start3A_109 = tpu.memref_slice %arg11[%dma_start3A_107, %dma_start3A_108] : memref<10112x128xf32, #tpu.memory_space<vmem_shared>> -> memref<10112x128xf32, #tpu.memory_space<vmem_shared>>
        tpu.enqueue_indirect_dma source(%arg9 : memref<128x128xf32, #tpu.memory_space<vmem>>) target(%dma_start3A_109 : memref<10112x128xf32, #tpu.memory_space<vmem_shared>>) offsets(%dma_start3A_106 : memref<128xi32, #tpu.memory_space<vmem>>) semaphore(%arg15 : memref<!tpu.dma_semaphore, #tpu.memory_space<semaphore_mem>>) {add = true}
        %dma_wait3A_110 = arith.constant 0 : i32
        %dma_wait3A_111 = tpu.memref_slice %arg7[%mul3A_74, %dma_wait3A_110] : memref<40x128xi32, #tpu.memory_space<vmem>> -> memref<1x128xi32, #tpu.memory_space<vmem>>
        %dma_wait3A_112 = tpu.memref_squeeze %dma_wait3A_111 : memref<1x128xi32, #tpu.memory_space<vmem>> -> memref<128xi32, #tpu.memory_space<vmem>>
        %dma_wait3A_113 = arith.constant 0 : i32
        %dma_wait3A_114 = arith.constant 0 : i32
        %dma_wait3A_115 = tpu.memref_slice %arg11[%dma_wait3A_113, %dma_wait3A_114] : memref<10112x128xf32, #tpu.memory_space<vmem_shared>> -> memref<10112x128xf32, #tpu.memory_space<vmem_shared>>
        tpu.wait_indirect_dma semaphore(%arg14 : memref<!tpu.dma_semaphore, #tpu.memory_space<semaphore_mem>>) src(%arg8 : memref<128x128xf32, #tpu.memory_space<vmem>>) dst(%dma_wait3A_115 : memref<10112x128xf32, #tpu.memory_space<vmem_shared>>)
        %dma_start3A_116 = arith.constant 0 : i32
        %dma_start3A_117 = tpu.memref_slice %arg6[%rem3A_81, %dma_start3A_116] : memref<40x128xi32, #tpu.memory_space<vmem>> -> memref<1x128xi32, #tpu.memory_space<vmem>>
        %dma_start3A_118 = tpu.memref_squeeze %dma_start3A_117 : memref<1x128xi32, #tpu.memory_space<vmem>> -> memref<128xi32, #tpu.memory_space<vmem>>
        %dma_start3A_119 = arith.constant 0 : i32
        %dma_start3A_120 = arith.constant 0 : i32
        %dma_start3A_121 = tpu.memref_slice %arg2[%dma_start3A_119, %dma_start3A_120] : memref<10000x128xf32, #tpu.memory_space<hbm>> -> memref<10000x128xf32, #tpu.memory_space<hbm>>
        tpu.enqueue_indirect_dma source(%dma_start3A_121 : memref<10000x128xf32, #tpu.memory_space<hbm>>) target(%arg8 : memref<128x128xf32, #tpu.memory_space<vmem>>) offsets(%dma_start3A_118 : memref<128xi32, #tpu.memory_space<vmem>>) semaphore(%arg12 : memref<!tpu.dma_semaphore, #tpu.memory_space<semaphore_mem>>)
        %dma_wait3A_122 = arith.constant 0 : i32
        %dma_wait3A_123 = tpu.memref_slice %arg7[%add3A_78, %dma_wait3A_122] : memref<40x128xi32, #tpu.memory_space<vmem>> -> memref<1x128xi32, #tpu.memory_space<vmem>>
        %dma_wait3A_124 = tpu.memref_squeeze %dma_wait3A_123 : memref<1x128xi32, #tpu.memory_space<vmem>> -> memref<128xi32, #tpu.memory_space<vmem>>
        %dma_wait3A_125 = arith.constant 0 : i32
        %dma_wait3A_126 = arith.constant 0 : i32
        %dma_wait3A_127 = tpu.memref_slice %arg11[%dma_wait3A_125, %dma_wait3A_126] : memref<10112x128xf32, #tpu.memory_space<vmem_shared>> -> memref<10112x128xf32, #tpu.memory_space<vmem_shared>>
        tpu.wait_indirect_dma semaphore(%arg15 : memref<!tpu.dma_semaphore, #tpu.memory_space<semaphore_mem>>) src(%arg9 : memref<128x128xf32, #tpu.memory_space<vmem>>) dst(%dma_wait3A_127 : memref<10112x128xf32, #tpu.memory_space<vmem_shared>>)
        %dma_start3A_128 = arith.constant 0 : i32
        %dma_start3A_129 = tpu.memref_slice %arg6[%rem3A_85, %dma_start3A_128] : memref<40x128xi32, #tpu.memory_space<vmem>> -> memref<1x128xi32, #tpu.memory_space<vmem>>
        %dma_start3A_130 = tpu.memref_squeeze %dma_start3A_129 : memref<1x128xi32, #tpu.memory_space<vmem>> -> memref<128xi32, #tpu.memory_space<vmem>>
        %dma_start3A_131 = arith.constant 0 : i32
        %dma_start3A_132 = arith.constant 0 : i32
        %dma_start3A_133 = tpu.memref_slice %arg2[%dma_start3A_131, %dma_start3A_132] : memref<10000x128xf32, #tpu.memory_space<hbm>> -> memref<10000x128xf32, #tpu.memory_space<hbm>>
        tpu.enqueue_indirect_dma source(%dma_start3A_133 : memref<10000x128xf32, #tpu.memory_space<hbm>>) target(%arg9 : memref<128x128xf32, #tpu.memory_space<vmem>>) offsets(%dma_start3A_130 : memref<128xi32, #tpu.memory_space<vmem>>) semaphore(%arg13 : memref<!tpu.dma_semaphore, #tpu.memory_space<semaphore_mem>>)
        %scan3A_134 = arith.constant 0 : i32
        scf.yield %scan3A_134 : i32
      }
      %scan3A_56 = arith.constant 20 : i32
      %dma_wait3A = arith.constant 0 : i32
      %dma_wait3A_57 = arith.constant 0 : i32
      %dma_wait3A_58 = tpu.memref_slice %arg6[%dma_wait3A, %dma_wait3A_57] : memref<40x128xi32, #tpu.memory_space<vmem>> -> memref<1x128xi32, #tpu.memory_space<vmem>>
      %dma_wait3A_59 = tpu.memref_squeeze %dma_wait3A_58 : memref<1x128xi32, #tpu.memory_space<vmem>> -> memref<128xi32, #tpu.memory_space<vmem>>
      %dma_wait3A_60 = arith.constant 0 : i32
      %dma_wait3A_61 = arith.constant 0 : i32
      %dma_wait3A_62 = tpu.memref_slice %arg2[%dma_wait3A_60, %dma_wait3A_61] : memref<10000x128xf32, #tpu.memory_space<hbm>> -> memref<10000x128xf32, #tpu.memory_space<hbm>>
      tpu.wait_indirect_dma semaphore(%arg12 : memref<!tpu.dma_semaphore, #tpu.memory_space<semaphore_mem>>) src(%dma_wait3A_62 : memref<10000x128xf32, #tpu.memory_space<hbm>>) dst(%arg8 : memref<128x128xf32, #tpu.memory_space<vmem>>)
      %dma_wait3A_63 = arith.constant 1 : i32
      %dma_wait3A_64 = arith.constant 0 : i32
      %dma_wait3A_65 = tpu.memref_slice %arg6[%dma_wait3A_63, %dma_wait3A_64] : memref<40x128xi32, #tpu.memory_space<vmem>> -> memref<1x128xi32, #tpu.memory_space<vmem>>
      %dma_wait3A_66 = tpu.memref_squeeze %dma_wait3A_65 : memref<1x128xi32, #tpu.memory_space<vmem>> -> memref<128xi32, #tpu.memory_space<vmem>>
      %dma_wait3A_67 = arith.constant 0 : i32
      %dma_wait3A_68 = arith.constant 0 : i32
      %dma_wait3A_69 = tpu.memref_slice %arg2[%dma_wait3A_67, %dma_wait3A_68] : memref<10000x128xf32, #tpu.memory_space<hbm>> -> memref<10000x128xf32, #tpu.memory_space<hbm>>
      tpu.wait_indirect_dma semaphore(%arg13 : memref<!tpu.dma_semaphore, #tpu.memory_space<semaphore_mem>>) src(%dma_wait3A_69 : memref<10000x128xf32, #tpu.memory_space<hbm>>) dst(%arg9 : memref<128x128xf32, #tpu.memory_space<vmem>>)
      %while3A_70 = arith.constant 0 : i32
      scf.yield %while3A_70 : i32
    }
    %barrier3A_30 = arith.constant 0 : index
    tpu.barrier barrier_id(%barrier3A_30)
    "tpu.region"() ({
      %run_scoped3A = tpu.sem_alloc : memref<!tpu.dma_semaphore, #tpu.memory_space<semaphore_mem>>
      %dma_start3A = arith.constant 0 : i32
      %dma_start3A_31 = tpu.memref_slice %arg5[%arg0, %mul3A_11, %dma_start3A] : memref<2x10112x128xf32, #tpu.memory_space<hbm>> -> memref<1x632x128xf32, #tpu.memory_space<hbm>>
      %dma_start3A_32 = tpu.memref_squeeze %dma_start3A_31 : memref<1x632x128xf32, #tpu.memory_space<hbm>> -> memref<632x128xf32, #tpu.memory_space<hbm>>
      %dma_start3A_33 = arith.constant 0 : i32
      %dma_start3A_34 = tpu.memref_slice %arg11[%mul3A_11, %dma_start3A_33] : memref<10112x128xf32, #tpu.memory_space<vmem_shared>> -> memref<632x128xf32, #tpu.memory_space<vmem_shared>>
      tpu.enqueue_dma source(%dma_start3A_34 : memref<632x128xf32, #tpu.memory_space<vmem_shared>>) target(%dma_start3A_32 : memref<632x128xf32, #tpu.memory_space<hbm>>) target_semaphore(%run_scoped3A : memref<!tpu.dma_semaphore, #tpu.memory_space<semaphore_mem>>)
      %dma_wait3A = arith.constant 0 : i32
      %dma_wait3A_35 = tpu.memref_slice %arg5[%arg0, %mul3A_11, %dma_wait3A] : memref<2x10112x128xf32, #tpu.memory_space<hbm>> -> memref<1x632x128xf32, #tpu.memory_space<hbm>>
      %dma_wait3A_36 = tpu.memref_squeeze %dma_wait3A_35 : memref<1x632x128xf32, #tpu.memory_space<hbm>> -> memref<632x128xf32, #tpu.memory_space<hbm>>
      %dma_wait3A_37 = arith.constant 0 : i32
      %dma_wait3A_38 = tpu.memref_slice %arg11[%mul3A_11, %dma_wait3A_37] : memref<10112x128xf32, #tpu.memory_space<vmem_shared>> -> memref<632x128xf32, #tpu.memory_space<vmem_shared>>
      tpu.wait_dma2 semaphore(%run_scoped3A : memref<!tpu.dma_semaphore, #tpu.memory_space<semaphore_mem>>) src(%dma_wait3A_38 : memref<632x128xf32, #tpu.memory_space<vmem_shared>>) dst(%dma_wait3A_36 : memref<632x128xf32, #tpu.memory_space<hbm>>)
      tpu.yield
    }) : () -> ()
    return
  }
}

#map = affine_map<(d0, d1) -> (0, 0)>
#map1 = affine_map<(d0, d1) -> (0, 0, 0)>
module attributes {stable_mosaic.version = 14 : i64} {
  func.func @k(%arg0: i32, %arg1: i32, %arg2: memref<10000x128xf32, #tpu.memory_space<hbm>>, %arg3: memref<32x120x128xi32, #tpu.memory_space<hbm>>, %arg4: memref<32x120x128xi32, #tpu.memory_space<hbm>>, %arg5: memref<2x10112x128xf32, #tpu.memory_space<hbm>>, %arg6: memref<40x128xi32, #tpu.memory_space<vmem>>, %arg7: memref<40x128xi32, #tpu.memory_space<vmem>>, %arg8: memref<128x128xf32, #tpu.memory_space<vmem>>, %arg9: memref<128x128xf32, #tpu.memory_space<vmem>>, %arg10: memref<8x128xf32, #tpu.memory_space<vmem>>, %arg11: memref<10112x128xf32, #tpu.memory_space<vmem_shared>>, %arg12: memref<!tpu.dma_semaphore, #tpu.memory_space<semaphore_mem>>, %arg13: memref<!tpu.dma_semaphore, #tpu.memory_space<semaphore_mem>>, %arg14: memref<!tpu.dma_semaphore, #tpu.memory_space<semaphore_mem>>, %arg15: memref<!tpu.dma_semaphore, #tpu.memory_space<semaphore_mem>>) attributes {dimension_semantics = [#tpu.dimension_semantics<core_parallel>, #tpu.dimension_semantics<subcore_parallel>], iteration_bounds = array<i64: 2, 16>, scalar_prefetch = 0 : i64, scratch_operands = 10 : i64, tpu.core_type = #tpu.core_type<sc_vector_subcore>, window_params = [{transform_indices = #map}, {transform_indices = #map1}, {transform_indices = #map1}, {transform_indices = #map1}]} {
    %mul3A = arith.constant 16 : i32
    %mul3A_0 = arith.muli %arg0, %mul3A : i32
    %add3A = arith.addi %mul3A_0, %arg1 : i32
    %eq3A = arith.constant 0 : i32
    %eq3A_1 = arith.cmpi eq, %arg0, %eq3A : i32
    %select_n3A = arith.constant 1 : i32
    %select_n3A_2 = arith.constant 3 : i32
    %select_n3A_3 = arith.select %eq3A_1, %select_n3A_2, %select_n3A : i32
    %scan3A = arith.constant 0 : i32
    %scan3A_4 = arith.constant 0 : i32
    %scan3A_5 = arith.constant 8 : i32
    %scan3A_6 = arith.addi %scan3A_4, %scan3A_5 : i32
    %scan3A_7 = arith.constant 1 : i32
    %scan3A_8 = scf.for %scan3A_31 = %scan3A_4 to %scan3A_6 step %scan3A_7 iter_args(%scan3A_32 = %scan3A) -> (i32)  : i32 {
      %broadcast_in_dim3A = arith.constant 0.000000e+00 : f32
      %broadcast_in_dim3A_33 = vector.broadcast %broadcast_in_dim3A : f32 to vector<16xf32>
      %swap3A = arith.index_cast %scan3A_31 : i32 to index
      %swap3A_34 = arith.constant 0 : index
      %swap3A_35 = tpu.vector_load %arg10[%swap3A, %swap3A_34] {strides = array<i32>} : memref<8x128xf32, #tpu.memory_space<vmem>>, vector<1x16xf32>,
      %swap3A_36 = vector.shape_cast %swap3A_35 : vector<1x16xf32> to vector<16xf32>
      %swap3A_37 = vector.shape_cast %broadcast_in_dim3A_33 : vector<16xf32> to vector<1x16xf32>
      tpu.vector_store %arg10[%swap3A, %swap3A_34], %swap3A_37 {strides = array<i32>} : memref<8x128xf32, #tpu.memory_space<vmem>>, vector<1x16xf32>,
      %broadcast_in_dim3A_38 = arith.constant 0.000000e+00 : f32
      %broadcast_in_dim3A_39 = vector.broadcast %broadcast_in_dim3A_38 : f32 to vector<16xf32>
      %swap3A_40 = arith.index_cast %scan3A_31 : i32 to index
      %swap3A_41 = arith.constant 16 : index
      %swap3A_42 = tpu.vector_load %arg10[%swap3A_40, %swap3A_41] {strides = array<i32>} : memref<8x128xf32, #tpu.memory_space<vmem>>, vector<1x16xf32>,
      %swap3A_43 = vector.shape_cast %swap3A_42 : vector<1x16xf32> to vector<16xf32>
      %swap3A_44 = vector.shape_cast %broadcast_in_dim3A_39 : vector<16xf32> to vector<1x16xf32>
      tpu.vector_store %arg10[%swap3A_40, %swap3A_41], %swap3A_44 {strides = array<i32>} : memref<8x128xf32, #tpu.memory_space<vmem>>, vector<1x16xf32>,
      %broadcast_in_dim3A_45 = arith.constant 0.000000e+00 : f32
      %broadcast_in_dim3A_46 = vector.broadcast %broadcast_in_dim3A_45 : f32 to vector<16xf32>
      %swap3A_47 = arith.index_cast %scan3A_31 : i32 to index
      %swap3A_48 = arith.constant 32 : index
      %swap3A_49 = tpu.vector_load %arg10[%swap3A_47, %swap3A_48] {strides = array<i32>} : memref<8x128xf32, #tpu.memory_space<vmem>>, vector<1x16xf32>,
      %swap3A_50 = vector.shape_cast %swap3A_49 : vector<1x16xf32> to vector<16xf32>
      %swap3A_51 = vector.shape_cast %broadcast_in_dim3A_46 : vector<16xf32> to vector<1x16xf32>
      tpu.vector_store %arg10[%swap3A_47, %swap3A_48], %swap3A_51 {strides = array<i32>} : memref<8x128xf32, #tpu.memory_space<vmem>>, vector<1x16xf32>,
      %broadcast_in_dim3A_52 = arith.constant 0.000000e+00 : f32
      %broadcast_in_dim3A_53 = vector.broadcast %broadcast_in_dim3A_52 : f32 to vector<16xf32>
      %swap3A_54 = arith.index_cast %scan3A_31 : i32 to index
      %swap3A_55 = arith.constant 48 : index
      %swap3A_56 = tpu.vector_load %arg10[%swap3A_54, %swap3A_55] {strides = array<i32>} : memref<8x128xf32, #tpu.memory_space<vmem>>, vector<1x16xf32>,
      %swap3A_57 = vector.shape_cast %swap3A_56 : vector<1x16xf32> to vector<16xf32>
      %swap3A_58 = vector.shape_cast %broadcast_in_dim3A_53 : vector<16xf32> to vector<1x16xf32>
      tpu.vector_store %arg10[%swap3A_54, %swap3A_55], %swap3A_58 {strides = array<i32>} : memref<8x128xf32, #tpu.memory_space<vmem>>, vector<1x16xf32>,
      %broadcast_in_dim3A_59 = arith.constant 0.000000e+00 : f32
      %broadcast_in_dim3A_60 = vector.broadcast %broadcast_in_dim3A_59 : f32 to vector<16xf32>
      %swap3A_61 = arith.index_cast %scan3A_31 : i32 to index
      %swap3A_62 = arith.constant 64 : index
      %swap3A_63 = tpu.vector_load %arg10[%swap3A_61, %swap3A_62] {strides = array<i32>} : memref<8x128xf32, #tpu.memory_space<vmem>>, vector<1x16xf32>,
      %swap3A_64 = vector.shape_cast %swap3A_63 : vector<1x16xf32> to vector<16xf32>
      %swap3A_65 = vector.shape_cast %broadcast_in_dim3A_60 : vector<16xf32> to vector<1x16xf32>
      tpu.vector_store %arg10[%swap3A_61, %swap3A_62], %swap3A_65 {strides = array<i32>} : memref<8x128xf32, #tpu.memory_space<vmem>>, vector<1x16xf32>,
      %broadcast_in_dim3A_66 = arith.constant 0.000000e+00 : f32
      %broadcast_in_dim3A_67 = vector.broadcast %broadcast_in_dim3A_66 : f32 to vector<16xf32>
      %swap3A_68 = arith.index_cast %scan3A_31 : i32 to index
      %swap3A_69 = arith.constant 80 : index
      %swap3A_70 = tpu.vector_load %arg10[%swap3A_68, %swap3A_69] {strides = array<i32>} : memref<8x128xf32, #tpu.memory_space<vmem>>, vector<1x16xf32>,
      %swap3A_71 = vector.shape_cast %swap3A_70 : vector<1x16xf32> to vector<16xf32>
      %swap3A_72 = vector.shape_cast %broadcast_in_dim3A_67 : vector<16xf32> to vector<1x16xf32>
      tpu.vector_store %arg10[%swap3A_68, %swap3A_69], %swap3A_72 {strides = array<i32>} : memref<8x128xf32, #tpu.memory_space<vmem>>, vector<1x16xf32>,
      %broadcast_in_dim3A_73 = arith.constant 0.000000e+00 : f32
      %broadcast_in_dim3A_74 = vector.broadcast %broadcast_in_dim3A_73 : f32 to vector<16xf32>
      %swap3A_75 = arith.index_cast %scan3A_31 : i32 to index
      %swap3A_76 = arith.constant 96 : index
      %swap3A_77 = tpu.vector_load %arg10[%swap3A_75, %swap3A_76] {strides = array<i32>} : memref<8x128xf32, #tpu.memory_space<vmem>>, vector<1x16xf32>,
      %swap3A_78 = vector.shape_cast %swap3A_77 : vector<1x16xf32> to vector<16xf32>
      %swap3A_79 = vector.shape_cast %broadcast_in_dim3A_74 : vector<16xf32> to vector<1x16xf32>
      tpu.vector_store %arg10[%swap3A_75, %swap3A_76], %swap3A_79 {strides = array<i32>} : memref<8x128xf32, #tpu.memory_space<vmem>>, vector<1x16xf32>,
      %broadcast_in_dim3A_80 = arith.constant 0.000000e+00 : f32
      %broadcast_in_dim3A_81 = vector.broadcast %broadcast_in_dim3A_80 : f32 to vector<16xf32>
      %swap3A_82 = arith.index_cast %scan3A_31 : i32 to index
      %swap3A_83 = arith.constant 112 : index
      %swap3A_84 = tpu.vector_load %arg10[%swap3A_82, %swap3A_83] {strides = array<i32>} : memref<8x128xf32, #tpu.memory_space<vmem>>, vector<1x16xf32>,
      %swap3A_85 = vector.shape_cast %swap3A_84 : vector<1x16xf32> to vector<16xf32>
      %swap3A_86 = vector.shape_cast %broadcast_in_dim3A_81 : vector<16xf32> to vector<1x16xf32>
      tpu.vector_store %arg10[%swap3A_82, %swap3A_83], %swap3A_86 {strides = array<i32>} : memref<8x128xf32, #tpu.memory_space<vmem>>, vector<1x16xf32>,
      %scan3A_87 = arith.constant 0 : i32
      scf.yield %scan3A_87 : i32
    }
    %scan3A_9 = arith.constant 8 : i32
    %mul3A_10 = arith.constant 632 : i32
    %mul3A_11 = arith.muli %arg1, %mul3A_10 : i32
    %scan3A_12 = arith.constant 0 : i32
    %scan3A_13 = arith.constant 0 : i32
    %scan3A_14 = arith.constant 79 : i32
    %scan3A_15 = arith.addi %scan3A_13, %scan3A_14 : i32
    %scan3A_16 = arith.constant 1 : i32
    %scan3A_17 = scf.for %scan3A_31 = %scan3A_13 to %scan3A_15 step %scan3A_16 iter_args(%scan3A_32 = %scan3A_12) -> (i32)  : i32 {
      %mul3A_33 = arith.constant 8 : i32
      %mul3A_34 = arith.muli %scan3A_31, %mul3A_33 : i32
      %add3A_35 = arith.addi %mul3A_11, %mul3A_34 : i32
      "tpu.region"() ({
        %run_scoped3A = tpu.sem_alloc : memref<!tpu.dma_semaphore, #tpu.memory_space<semaphore_mem>>
        %dma_start3A = arith.constant 0 : i32
        %dma_start3A_37 = tpu.memref_slice %arg11[%add3A_35, %dma_start3A] : memref<10112x128xf32, #tpu.memory_space<vmem_shared>> -> memref<8x128xf32, #tpu.memory_space<vmem_shared>>
        %dma_start3A_38 = arith.constant 0 : i32
        %dma_start3A_39 = tpu.memref_slice %arg11[%add3A_35, %dma_start3A_38] : memref<10112x128xf32, #tpu.memory_space<vmem_shared>> -> memref<8x128xf32, #tpu.memory_space<vmem_shared>>
        tpu.enqueue_dma source(%arg10 : memref<8x128xf32, #tpu.memory_space<vmem>>) target(%dma_start3A_39 : memref<8x128xf32, #tpu.memory_space<vmem_shared>>) target_semaphore(%run_scoped3A : memref<!tpu.dma_semaphore, #tpu.memory_space<semaphore_mem>>)
        %dma_wait3A = arith.constant 0 : i32
        %dma_wait3A_40 = tpu.memref_slice %arg11[%add3A_35, %dma_wait3A] : memref<10112x128xf32, #tpu.memory_space<vmem_shared>> -> memref<8x128xf32, #tpu.memory_space<vmem_shared>>
        %dma_wait3A_41 = arith.constant 0 : i32
        %dma_wait3A_42 = tpu.memref_slice %arg11[%add3A_35, %dma_wait3A_41] : memref<10112x128xf32, #tpu.memory_space<vmem_shared>> -> memref<8x128xf32, #tpu.memory_space<vmem_shared>>
        tpu.wait_dma2 semaphore(%run_scoped3A : memref<!tpu.dma_semaphore, #tpu.memory_space<semaphore_mem>>) src(%arg10 : memref<8x128xf32, #tpu.memory_space<vmem>>) dst(%dma_wait3A_42 : memref<8x128xf32, #tpu.memory_space<vmem_shared>>)
        tpu.yield
      }) : () -> ()
      %scan3A_36 = arith.constant 0 : i32
      scf.yield %scan3A_36 : i32
    }
    %scan3A_18 = arith.constant 79 : i32
    %barrier3A = arith.constant 0 : index
    tpu.barrier barrier_id(%barrier3A)
    %while3A = arith.constant 0 : i32
    %while3A_19 = arith.constant 0 : i32
    %while3A_20 = arith.subi %select_n3A_3, %while3A : i32
    %while3A_21 = arith.addi %while3A, %while3A_20 : i32
    %while3A_22 = arith.constant 1 : i32
    %while3A_23 = arith.divsi %while3A_20, %while3A_22 : i32
    %while3A_24 = arith.muli %while3A_23, %while3A_22 : i32
    %while3A_25 = arith.addi %while3A, %while3A_24 : i32
    %while3A_26 = arith.constant 1 : i32
    %while3A_27 = scf.for %while3A_31 = %while3A to %while3A_25 step %while3A_26 iter_args(%while3A_32 = %while3A_19) -> (i32)  : i32 {
      %mul3A_33 = arith.constant 40 : i32
      %mul3A_34 = arith.muli %while3A_31, %mul3A_33 : i32
      "tpu.region"() ({
        %run_scoped3A = tpu.sem_alloc : memref<!tpu.dma_semaphore, #tpu.memory_space<semaphore_mem>>
        %dma_start3A_71 = arith.constant 0 : i32
        %dma_start3A_72 = tpu.memref_slice %arg3[%add3A, %mul3A_34, %dma_start3A_71] : memref<32x120x128xi32, #tpu.memory_space<hbm>> -> memref<1x40x128xi32, #tpu.memory_space<hbm>>
        %dma_start3A_73 = tpu.memref_squeeze %dma_start3A_72 : memref<1x40x128xi32, #tpu.memory_space<hbm>> -> memref<40x128xi32, #tpu.memory_space<hbm>>
        %dma_start3A_74 = arith.constant 0 : i32
        %dma_start3A_75 = tpu.memref_slice %arg3[%add3A, %mul3A_34, %dma_start3A_74] : memref<32x120x128xi32, #tpu.memory_space<hbm>> -> memref<1x40x128xi32, #tpu.memory_space<hbm>>
        %dma_start3A_76 = tpu.memref_squeeze %dma_start3A_75 : memref<1x40x128xi32, #tpu.memory_space<hbm>> -> memref<40x128xi32, #tpu.memory_space<hbm>>
        tpu.enqueue_dma source(%dma_start3A_76 : memref<40x128xi32, #tpu.memory_space<hbm>>) target(%arg6 : memref<40x128xi32, #tpu.memory_space<vmem>>) target_semaphore(%run_scoped3A : memref<!tpu.dma_semaphore, #tpu.memory_space<semaphore_mem>>)
        %dma_wait3A_77 = arith.constant 0 : i32
        %dma_wait3A_78 = tpu.memref_slice %arg3[%add3A, %mul3A_34, %dma_wait3A_77] : memref<32x120x128xi32, #tpu.memory_space<hbm>> -> memref<1x40x128xi32, #tpu.memory_space<hbm>>
        %dma_wait3A_79 = tpu.memref_squeeze %dma_wait3A_78 : memref<1x40x128xi32, #tpu.memory_space<hbm>> -> memref<40x128xi32, #tpu.memory_space<hbm>>
        %dma_wait3A_80 = arith.constant 0 : i32
        %dma_wait3A_81 = tpu.memref_slice %arg3[%add3A, %mul3A_34, %dma_wait3A_80] : memref<32x120x128xi32, #tpu.memory_space<hbm>> -> memref<1x40x128xi32, #tpu.memory_space<hbm>>
        %dma_wait3A_82 = tpu.memref_squeeze %dma_wait3A_81 : memref<1x40x128xi32, #tpu.memory_space<hbm>> -> memref<40x128xi32, #tpu.memory_space<hbm>>
        tpu.wait_dma2 semaphore(%run_scoped3A : memref<!tpu.dma_semaphore, #tpu.memory_space<semaphore_mem>>) src(%dma_wait3A_82 : memref<40x128xi32, #tpu.memory_space<hbm>>) dst(%arg6 : memref<40x128xi32, #tpu.memory_space<vmem>>)
        tpu.yield
      }) : () -> ()
      %mul3A_35 = arith.constant 40 : i32
      %mul3A_36 = arith.muli %while3A_31, %mul3A_35 : i32
      "tpu.region"() ({
        %run_scoped3A = tpu.sem_alloc : memref<!tpu.dma_semaphore, #tpu.memory_space<semaphore_mem>>
        %dma_start3A_71 = arith.constant 0 : i32
        %dma_start3A_72 = tpu.memref_slice %arg4[%add3A, %mul3A_36, %dma_start3A_71] : memref<32x120x128xi32, #tpu.memory_space<hbm>> -> memref<1x40x128xi32, #tpu.memory_space<hbm>>
        %dma_start3A_73 = tpu.memref_squeeze %dma_start3A_72 : memref<1x40x128xi32, #tpu.memory_space<hbm>> -> memref<40x128xi32, #tpu.memory_space<hbm>>
        %dma_start3A_74 = arith.constant 0 : i32
        %dma_start3A_75 = tpu.memref_slice %arg4[%add3A, %mul3A_36, %dma_start3A_74] : memref<32x120x128xi32, #tpu.memory_space<hbm>> -> memref<1x40x128xi32, #tpu.memory_space<hbm>>
        %dma_start3A_76 = tpu.memref_squeeze %dma_start3A_75 : memref<1x40x128xi32, #tpu.memory_space<hbm>> -> memref<40x128xi32, #tpu.memory_space<hbm>>
        tpu.enqueue_dma source(%dma_start3A_76 : memref<40x128xi32, #tpu.memory_space<hbm>>) target(%arg7 : memref<40x128xi32, #tpu.memory_space<vmem>>) target_semaphore(%run_scoped3A : memref<!tpu.dma_semaphore, #tpu.memory_space<semaphore_mem>>)
        %dma_wait3A_77 = arith.constant 0 : i32
        %dma_wait3A_78 = tpu.memref_slice %arg4[%add3A, %mul3A_36, %dma_wait3A_77] : memref<32x120x128xi32, #tpu.memory_space<hbm>> -> memref<1x40x128xi32, #tpu.memory_space<hbm>>
        %dma_wait3A_79 = tpu.memref_squeeze %dma_wait3A_78 : memref<1x40x128xi32, #tpu.memory_space<hbm>> -> memref<40x128xi32, #tpu.memory_space<hbm>>
        %dma_wait3A_80 = arith.constant 0 : i32
        %dma_wait3A_81 = tpu.memref_slice %arg4[%add3A, %mul3A_36, %dma_wait3A_80] : memref<32x120x128xi32, #tpu.memory_space<hbm>> -> memref<1x40x128xi32, #tpu.memory_space<hbm>>
        %dma_wait3A_82 = tpu.memref_squeeze %dma_wait3A_81 : memref<1x40x128xi32, #tpu.memory_space<hbm>> -> memref<40x128xi32, #tpu.memory_space<hbm>>
        tpu.wait_dma2 semaphore(%run_scoped3A : memref<!tpu.dma_semaphore, #tpu.memory_space<semaphore_mem>>) src(%dma_wait3A_82 : memref<40x128xi32, #tpu.memory_space<hbm>>) dst(%arg7 : memref<40x128xi32, #tpu.memory_space<vmem>>)
        tpu.yield
      }) : () -> ()
      %dma_start3A = arith.constant 0 : i32
      %dma_start3A_37 = arith.constant 0 : i32
      %dma_start3A_38 = tpu.memref_slice %arg6[%dma_start3A, %dma_start3A_37] : memref<40x128xi32, #tpu.memory_space<vmem>> -> memref<1x128xi32, #tpu.memory_space<vmem>>
      %dma_start3A_39 = tpu.memref_squeeze %dma_start3A_38 : memref<1x128xi32, #tpu.memory_space<vmem>> -> memref<128xi32, #tpu.memory_space<vmem>>
      %dma_start3A_40 = arith.constant 0 : i32
      %dma_start3A_41 = arith.constant 0 : i32
      %dma_start3A_42 = tpu.memref_slice %arg2[%dma_start3A_40, %dma_start3A_41] : memref<10000x128xf32, #tpu.memory_space<hbm>> -> memref<10000x128xf32, #tpu.memory_space<hbm>>
      tpu.enqueue_indirect_dma source(%dma_start3A_42 : memref<10000x128xf32, #tpu.memory_space<hbm>>) target(%arg8 : memref<128x128xf32, #tpu.memory_space<vmem>>) offsets(%dma_start3A_39 : memref<128xi32, #tpu.memory_space<vmem>>) semaphore(%arg12 : memref<!tpu.dma_semaphore, #tpu.memory_space<semaphore_mem>>)
      %dma_start3A_43 = arith.constant 1 : i32
      %dma_start3A_44 = arith.constant 0 : i32
      %dma_start3A_45 = tpu.memref_slice %arg6[%dma_start3A_43, %dma_start3A_44] : memref<40x128xi32, #tpu.memory_space<vmem>> -> memref<1x128xi32, #tpu.memory_space<vmem>>
      %dma_start3A_46 = tpu.memref_squeeze %dma_start3A_45 : memref<1x128xi32, #tpu.memory_space<vmem>> -> memref<128xi32, #tpu.memory_space<vmem>>
      %dma_start3A_47 = arith.constant 0 : i32
      %dma_start3A_48 = arith.constant 0 : i32
      %dma_start3A_49 = tpu.memref_slice %arg2[%dma_start3A_47, %dma_start3A_48] : memref<10000x128xf32, #tpu.memory_space<hbm>> -> memref<10000x128xf32, #tpu.memory_space<hbm>>
      tpu.enqueue_indirect_dma source(%dma_start3A_49 : memref<10000x128xf32, #tpu.memory_space<hbm>>) target(%arg9 : memref<128x128xf32, #tpu.memory_space<vmem>>) offsets(%dma_start3A_46 : memref<128xi32, #tpu.memory_space<vmem>>) semaphore(%arg13 : memref<!tpu.dma_semaphore, #tpu.memory_space<semaphore_mem>>)
      %scan3A_50 = arith.constant 0 : i32
      %scan3A_51 = arith.constant 0 : i32
      %scan3A_52 = arith.constant 20 : i32
      %scan3A_53 = arith.addi %scan3A_51, %scan3A_52 : i32
      %scan3A_54 = arith.constant 1 : i32
      %scan3A_55 = scf.for %scan3A_71 = %scan3A_51 to %scan3A_53 step %scan3A_54 iter_args(%scan3A_72 = %scan3A_50) -> (i32)  : i32 {
        %mul3A_73 = arith.constant 2 : i32
        %mul3A_74 = arith.muli %mul3A_73, %scan3A_71 : i32
        %mul3A_75 = arith.constant 2 : i32
        %mul3A_76 = arith.muli %mul3A_75, %scan3A_71 : i32
        %add3A_77 = arith.constant 1 : i32
        %add3A_78 = arith.addi %mul3A_76, %add3A_77 : i32
        %add3A_79 = arith.constant 2 : i32
        %add3A_80 = arith.addi %mul3A_74, %add3A_79 : i32
        %rem3A = arith.constant 40 : i32
        %rem3A_81 = arith.remsi %add3A_80, %rem3A : i32
        %add3A_82 = arith.constant 2 : i32
        %add3A_83 = arith.addi %add3A_78, %add3A_82 : i32
        %rem3A_84 = arith.constant 40 : i32
        %rem3A_85 = arith.remsi %add3A_83, %rem3A_84 : i32
        %dma_wait3A_86 = arith.constant 0 : i32
        %dma_wait3A_87 = tpu.memref_slice %arg6[%mul3A_74, %dma_wait3A_86] : memref<40x128xi32, #tpu.memory_space<vmem>> -> memref<1x128xi32, #tpu.memory_space<vmem>>
        %dma_wait3A_88 = tpu.memref_squeeze %dma_wait3A_87 : memref<1x128xi32, #tpu.memory_space<vmem>> -> memref<128xi32, #tpu.memory_space<vmem>>
        %dma_wait3A_89 = arith.constant 0 : i32
        %dma_wait3A_90 = arith.constant 0 : i32
        %dma_wait3A_91 = tpu.memref_slice %arg2[%dma_wait3A_89, %dma_wait3A_90] : memref<10000x128xf32, #tpu.memory_space<hbm>> -> memref<10000x128xf32, #tpu.memory_space<hbm>>
        tpu.wait_indirect_dma semaphore(%arg12 : memref<!tpu.dma_semaphore, #tpu.memory_space<semaphore_mem>>) src(%dma_wait3A_91 : memref<10000x128xf32, #tpu.memory_space<hbm>>) dst(%arg8 : memref<128x128xf32, #tpu.memory_space<vmem>>)
        %dma_start3A_92 = arith.constant 0 : i32
        %dma_start3A_93 = tpu.memref_slice %arg7[%mul3A_74, %dma_start3A_92] : memref<40x128xi32, #tpu.memory_space<vmem>> -> memref<1x128xi32, #tpu.memory_space<vmem>>
        %dma_start3A_94 = tpu.memref_squeeze %dma_start3A_93 : memref<1x128xi32, #tpu.memory_space<vmem>> -> memref<128xi32, #tpu.memory_space<vmem>>
        %dma_start3A_95 = arith.constant 0 : i32
        %dma_start3A_96 = arith.constant 0 : i32
        %dma_start3A_97 = tpu.memref_slice %arg11[%dma_start3A_95, %dma_start3A_96] : memref<10112x128xf32, #tpu.memory_space<vmem_shared>> -> memref<10112x128xf32, #tpu.memory_space<vmem_shared>>
        tpu.enqueue_indirect_dma source(%arg8 : memref<128x128xf32, #tpu.memory_space<vmem>>) target(%dma_start3A_97 : memref<10112x128xf32, #tpu.memory_space<vmem_shared>>) offsets(%dma_start3A_94 : memref<128xi32, #tpu.memory_space<vmem>>) semaphore(%arg14 : memref<!tpu.dma_semaphore, #tpu.memory_space<semaphore_mem>>) {add = true}
        %dma_wait3A_98 = arith.constant 0 : i32
        %dma_wait3A_99 = tpu.memref_slice %arg6[%add3A_78, %dma_wait3A_98] : memref<40x128xi32, #tpu.memory_space<vmem>> -> memref<1x128xi32, #tpu.memory_space<vmem>>
        %dma_wait3A_100 = tpu.memref_squeeze %dma_wait3A_99 : memref<1x128xi32, #tpu.memory_space<vmem>> -> memref<128xi32, #tpu.memory_space<vmem>>
        %dma_wait3A_101 = arith.constant 0 : i32
        %dma_wait3A_102 = arith.constant 0 : i32
        %dma_wait3A_103 = tpu.memref_slice %arg2[%dma_wait3A_101, %dma_wait3A_102] : memref<10000x128xf32, #tpu.memory_space<hbm>> -> memref<10000x128xf32, #tpu.memory_space<hbm>>
        tpu.wait_indirect_dma semaphore(%arg13 : memref<!tpu.dma_semaphore, #tpu.memory_space<semaphore_mem>>) src(%dma_wait3A_103 : memref<10000x128xf32, #tpu.memory_space<hbm>>) dst(%arg9 : memref<128x128xf32, #tpu.memory_space<vmem>>)
        %dma_start3A_104 = arith.constant 0 : i32
        %dma_start3A_105 = tpu.memref_slice %arg7[%add3A_78, %dma_start3A_104] : memref<40x128xi32, #tpu.memory_space<vmem>> -> memref<1x128xi32, #tpu.memory_space<vmem>>
        %dma_start3A_106 = tpu.memref_squeeze %dma_start3A_105 : memref<1x128xi32, #tpu.memory_space<vmem>> -> memref<128xi32, #tpu.memory_space<vmem>>
        %dma_start3A_107 = arith.constant 0 : i32
        %dma_start3A_108 = arith.constant 0 : i32
        %dma_start3A_109 = tpu.memref_slice %arg11[%dma_start3A_107, %dma_start3A_108] : memref<10112x128xf32, #tpu.memory_space<vmem_shared>> -> memref<10112x128xf32, #tpu.memory_space<vmem_shared>>
        tpu.enqueue_indirect_dma source(%arg9 : memref<128x128xf32, #tpu.memory_space<vmem>>) target(%dma_start3A_109 : memref<10112x128xf32, #tpu.memory_space<vmem_shared>>) offsets(%dma_start3A_106 : memref<128xi32, #tpu.memory_space<vmem>>) semaphore(%arg15 : memref<!tpu.dma_semaphore, #tpu.memory_space<semaphore_mem>>) {add = true}
        %dma_wait3A_110 = arith.constant 0 : i32
        %dma_wait3A_111 = tpu.memref_slice %arg7[%mul3A_74, %dma_wait3A_110] : memref<40x128xi32, #tpu.memory_space<vmem>> -> memref<1x128xi32, #tpu.memory_space<vmem>>
        %dma_wait3A_112 = tpu.memref_squeeze %dma_wait3A_111 : memref<1x128xi32, #tpu.memory_space<vmem>> -> memref<128xi32, #tpu.memory_space<vmem>>
        %dma_wait3A_113 = arith.constant 0 : i32
        %dma_wait3A_114 = arith.constant 0 : i32
        %dma_wait3A_115 = tpu.memref_slice %arg11[%dma_wait3A_113, %dma_wait3A_114] : memref<10112x128xf32, #tpu.memory_space<vmem_shared>> -> memref<10112x128xf32, #tpu.memory_space<vmem_shared>>
        tpu.wait_indirect_dma semaphore(%arg14 : memref<!tpu.dma_semaphore, #tpu.memory_space<semaphore_mem>>) src(%arg8 : memref<128x128xf32, #tpu.memory_space<vmem>>) dst(%dma_wait3A_115 : memref<10112x128xf32, #tpu.memory_space<vmem_shared>>)
        %dma_start3A_116 = arith.constant 0 : i32
        %dma_start3A_117 = tpu.memref_slice %arg6[%rem3A_81, %dma_start3A_116] : memref<40x128xi32, #tpu.memory_space<vmem>> -> memref<1x128xi32, #tpu.memory_space<vmem>>
        %dma_start3A_118 = tpu.memref_squeeze %dma_start3A_117 : memref<1x128xi32, #tpu.memory_space<vmem>> -> memref<128xi32, #tpu.memory_space<vmem>>
        %dma_start3A_119 = arith.constant 0 : i32
        %dma_start3A_120 = arith.constant 0 : i32
        %dma_start3A_121 = tpu.memref_slice %arg2[%dma_start3A_119, %dma_start3A_120] : memref<10000x128xf32, #tpu.memory_space<hbm>> -> memref<10000x128xf32, #tpu.memory_space<hbm>>
        tpu.enqueue_indirect_dma source(%dma_start3A_121 : memref<10000x128xf32, #tpu.memory_space<hbm>>) target(%arg8 : memref<128x128xf32, #tpu.memory_space<vmem>>) offsets(%dma_start3A_118 : memref<128xi32, #tpu.memory_space<vmem>>) semaphore(%arg12 : memref<!tpu.dma_semaphore, #tpu.memory_space<semaphore_mem>>)
        %dma_wait3A_122 = arith.constant 0 : i32
        %dma_wait3A_123 = tpu.memref_slice %arg7[%add3A_78, %dma_wait3A_122] : memref<40x128xi32, #tpu.memory_space<vmem>> -> memref<1x128xi32, #tpu.memory_space<vmem>>
        %dma_wait3A_124 = tpu.memref_squeeze %dma_wait3A_123 : memref<1x128xi32, #tpu.memory_space<vmem>> -> memref<128xi32, #tpu.memory_space<vmem>>
        %dma_wait3A_125 = arith.constant 0 : i32
        %dma_wait3A_126 = arith.constant 0 : i32
        %dma_wait3A_127 = tpu.memref_slice %arg11[%dma_wait3A_125, %dma_wait3A_126] : memref<10112x128xf32, #tpu.memory_space<vmem_shared>> -> memref<10112x128xf32, #tpu.memory_space<vmem_shared>>
        tpu.wait_indirect_dma semaphore(%arg15 : memref<!tpu.dma_semaphore, #tpu.memory_space<semaphore_mem>>) src(%arg9 : memref<128x128xf32, #tpu.memory_space<vmem>>) dst(%dma_wait3A_127 : memref<10112x128xf32, #tpu.memory_space<vmem_shared>>)
        %dma_start3A_128 = arith.constant 0 : i32
        %dma_start3A_129 = tpu.memref_slice %arg6[%rem3A_85, %dma_start3A_128] : memref<40x128xi32, #tpu.memory_space<vmem>> -> memref<1x128xi32, #tpu.memory_space<vmem>>
        %dma_start3A_130 = tpu.memref_squeeze %dma_start3A_129 : memref<1x128xi32, #tpu.memory_space<vmem>> -> memref<128xi32, #tpu.memory_space<vmem>>
        %dma_start3A_131 = arith.constant 0 : i32
        %dma_start3A_132 = arith.constant 0 : i32
        %dma_start3A_133 = tpu.memref_slice %arg2[%dma_start3A_131, %dma_start3A_132] : memref<10000x128xf32, #tpu.memory_space<hbm>> -> memref<10000x128xf32, #tpu.memory_space<hbm>>
        tpu.enqueue_indirect_dma source(%dma_start3A_133 : memref<10000x128xf32, #tpu.memory_space<hbm>>) target(%arg9 : memref<128x128xf32, #tpu.memory_space<vmem>>) offsets(%dma_start3A_130 : memref<128xi32, #tpu.memory_space<vmem>>) semaphore(%arg13 : memref<!tpu.dma_semaphore, #tpu.memory_space<semaphore_mem>>)
        %scan3A_134 = arith.constant 0 : i32
        scf.yield %scan3A_134 : i32
      }
      %scan3A_56 = arith.constant 20 : i32
      %dma_wait3A = arith.constant 0 : i32
      %dma_wait3A_57 = arith.constant 0 : i32
      %dma_wait3A_58 = tpu.memref_slice %arg6[%dma_wait3A, %dma_wait3A_57] : memref<40x128xi32, #tpu.memory_space<vmem>> -> memref<1x128xi32, #tpu.memory_space<vmem>>
      %dma_wait3A_59 = tpu.memref_squeeze %dma_wait3A_58 : memref<1x128xi32, #tpu.memory_space<vmem>> -> memref<128xi32, #tpu.memory_space<vmem>>
      %dma_wait3A_60 = arith.constant 0 : i32
      %dma_wait3A_61 = arith.constant 0 : i32
      %dma_wait3A_62 = tpu.memref_slice %arg2[%dma_wait3A_60, %dma_wait3A_61] : memref<10000x128xf32, #tpu.memory_space<hbm>> -> memref<10000x128xf32, #tpu.memory_space<hbm>>
      tpu.wait_indirect_dma semaphore(%arg12 : memref<!tpu.dma_semaphore, #tpu.memory_space<semaphore_mem>>) src(%dma_wait3A_62 : memref<10000x128xf32, #tpu.memory_space<hbm>>) dst(%arg8 : memref<128x128xf32, #tpu.memory_space<vmem>>)
      %dma_wait3A_63 = arith.constant 1 : i32
      %dma_wait3A_64 = arith.constant 0 : i32
      %dma_wait3A_65 = tpu.memref_slice %arg6[%dma_wait3A_63, %dma_wait3A_64] : memref<40x128xi32, #tpu.memory_space<vmem>> -> memref<1x128xi32, #tpu.memory_space<vmem>>
      %dma_wait3A_66 = tpu.memref_squeeze %dma_wait3A_65 : memref<1x128xi32, #tpu.memory_space<vmem>> -> memref<128xi32, #tpu.memory_space<vmem>>
      %dma_wait3A_67 = arith.constant 0 : i32
      %dma_wait3A_68 = arith.constant 0 : i32
      %dma_wait3A_69 = tpu.memref_slice %arg2[%dma_wait3A_67, %dma_wait3A_68] : memref<10000x128xf32, #tpu.memory_space<hbm>> -> memref<10000x128xf32, #tpu.memory_space<hbm>>
      tpu.wait_indirect_dma semaphore(%arg13 : memref<!tpu.dma_semaphore, #tpu.memory_space<semaphore_mem>>) src(%dma_wait3A_69 : memref<10000x128xf32, #tpu.memory_space<hbm>>) dst(%arg9 : memref<128x128xf32, #tpu.memory_space<vmem>>)
      %while3A_70 = arith.constant 0 : i32
      scf.yield %while3A_70 : i32
    }
    %while3A_28 = arith.constant 1 : i32
    %while3A_29 = scf.for %while3A_31 = %while3A_25 to %while3A_21 step %while3A_28 iter_args(%while3A_32 = %while3A_27) -> (i32)  : i32 {
      %mul3A_33 = arith.constant 40 : i32
      %mul3A_34 = arith.muli %while3A_31, %mul3A_33 : i32
      "tpu.region"() ({
        %run_scoped3A = tpu.sem_alloc : memref<!tpu.dma_semaphore, #tpu.memory_space<semaphore_mem>>
        %dma_start3A_71 = arith.constant 0 : i32
        %dma_start3A_72 = tpu.memref_slice %arg3[%add3A, %mul3A_34, %dma_start3A_71] : memref<32x120x128xi32, #tpu.memory_space<hbm>> -> memref<1x40x128xi32, #tpu.memory_space<hbm>>
        %dma_start3A_73 = tpu.memref_squeeze %dma_start3A_72 : memref<1x40x128xi32, #tpu.memory_space<hbm>> -> memref<40x128xi32, #tpu.memory_space<hbm>>
        %dma_start3A_74 = arith.constant 0 : i32
        %dma_start3A_75 = tpu.memref_slice %arg3[%add3A, %mul3A_34, %dma_start3A_74] : memref<32x120x128xi32, #tpu.memory_space<hbm>> -> memref<1x40x128xi32, #tpu.memory_space<hbm>>
        %dma_start3A_76 = tpu.memref_squeeze %dma_start3A_75 : memref<1x40x128xi32, #tpu.memory_space<hbm>> -> memref<40x128xi32, #tpu.memory_space<hbm>>
        tpu.enqueue_dma source(%dma_start3A_76 : memref<40x128xi32, #tpu.memory_space<hbm>>) target(%arg6 : memref<40x128xi32, #tpu.memory_space<vmem>>) target_semaphore(%run_scoped3A : memref<!tpu.dma_semaphore, #tpu.memory_space<semaphore_mem>>)
        %dma_wait3A_77 = arith.constant 0 : i32
        %dma_wait3A_78 = tpu.memref_slice %arg3[%add3A, %mul3A_34, %dma_wait3A_77] : memref<32x120x128xi32, #tpu.memory_space<hbm>> -> memref<1x40x128xi32, #tpu.memory_space<hbm>>
        %dma_wait3A_79 = tpu.memref_squeeze %dma_wait3A_78 : memref<1x40x128xi32, #tpu.memory_space<hbm>> -> memref<40x128xi32, #tpu.memory_space<hbm>>
        %dma_wait3A_80 = arith.constant 0 : i32
        %dma_wait3A_81 = tpu.memref_slice %arg3[%add3A, %mul3A_34, %dma_wait3A_80] : memref<32x120x128xi32, #tpu.memory_space<hbm>> -> memref<1x40x128xi32, #tpu.memory_space<hbm>>
        %dma_wait3A_82 = tpu.memref_squeeze %dma_wait3A_81 : memref<1x40x128xi32, #tpu.memory_space<hbm>> -> memref<40x128xi32, #tpu.memory_space<hbm>>
        tpu.wait_dma2 semaphore(%run_scoped3A : memref<!tpu.dma_semaphore, #tpu.memory_space<semaphore_mem>>) src(%dma_wait3A_82 : memref<40x128xi32, #tpu.memory_space<hbm>>) dst(%arg6 : memref<40x128xi32, #tpu.memory_space<vmem>>)
        tpu.yield
      }) : () -> ()
      %mul3A_35 = arith.constant 40 : i32
      %mul3A_36 = arith.muli %while3A_31, %mul3A_35 : i32
      "tpu.region"() ({
        %run_scoped3A = tpu.sem_alloc : memref<!tpu.dma_semaphore, #tpu.memory_space<semaphore_mem>>
        %dma_start3A_71 = arith.constant 0 : i32
        %dma_start3A_72 = tpu.memref_slice %arg4[%add3A, %mul3A_36, %dma_start3A_71] : memref<32x120x128xi32, #tpu.memory_space<hbm>> -> memref<1x40x128xi32, #tpu.memory_space<hbm>>
        %dma_start3A_73 = tpu.memref_squeeze %dma_start3A_72 : memref<1x40x128xi32, #tpu.memory_space<hbm>> -> memref<40x128xi32, #tpu.memory_space<hbm>>
        %dma_start3A_74 = arith.constant 0 : i32
        %dma_start3A_75 = tpu.memref_slice %arg4[%add3A, %mul3A_36, %dma_start3A_74] : memref<32x120x128xi32, #tpu.memory_space<hbm>> -> memref<1x40x128xi32, #tpu.memory_space<hbm>>
        %dma_start3A_76 = tpu.memref_squeeze %dma_start3A_75 : memref<1x40x128xi32, #tpu.memory_space<hbm>> -> memref<40x128xi32, #tpu.memory_space<hbm>>
        tpu.enqueue_dma source(%dma_start3A_76 : memref<40x128xi32, #tpu.memory_space<hbm>>) target(%arg7 : memref<40x128xi32, #tpu.memory_space<vmem>>) target_semaphore(%run_scoped3A : memref<!tpu.dma_semaphore, #tpu.memory_space<semaphore_mem>>)
        %dma_wait3A_77 = arith.constant 0 : i32
        %dma_wait3A_78 = tpu.memref_slice %arg4[%add3A, %mul3A_36, %dma_wait3A_77] : memref<32x120x128xi32, #tpu.memory_space<hbm>> -> memref<1x40x128xi32, #tpu.memory_space<hbm>>
        %dma_wait3A_79 = tpu.memref_squeeze %dma_wait3A_78 : memref<1x40x128xi32, #tpu.memory_space<hbm>> -> memref<40x128xi32, #tpu.memory_space<hbm>>
        %dma_wait3A_80 = arith.constant 0 : i32
        %dma_wait3A_81 = tpu.memref_slice %arg4[%add3A, %mul3A_36, %dma_wait3A_80] : memref<32x120x128xi32, #tpu.memory_space<hbm>> -> memref<1x40x128xi32, #tpu.memory_space<hbm>>
        %dma_wait3A_82 = tpu.memref_squeeze %dma_wait3A_81 : memref<1x40x128xi32, #tpu.memory_space<hbm>> -> memref<40x128xi32, #tpu.memory_space<hbm>>
        tpu.wait_dma2 semaphore(%run_scoped3A : memref<!tpu.dma_semaphore, #tpu.memory_space<semaphore_mem>>) src(%dma_wait3A_82 : memref<40x128xi32, #tpu.memory_space<hbm>>) dst(%arg7 : memref<40x128xi32, #tpu.memory_space<vmem>>)
        tpu.yield
      }) : () -> ()
      %dma_start3A = arith.constant 0 : i32
      %dma_start3A_37 = arith.constant 0 : i32
      %dma_start3A_38 = tpu.memref_slice %arg6[%dma_start3A, %dma_start3A_37] : memref<40x128xi32, #tpu.memory_space<vmem>> -> memref<1x128xi32, #tpu.memory_space<vmem>>
      %dma_start3A_39 = tpu.memref_squeeze %dma_start3A_38 : memref<1x128xi32, #tpu.memory_space<vmem>> -> memref<128xi32, #tpu.memory_space<vmem>>
      %dma_start3A_40 = arith.constant 0 : i32
      %dma_start3A_41 = arith.constant 0 : i32
      %dma_start3A_42 = tpu.memref_slice %arg2[%dma_start3A_40, %dma_start3A_41] : memref<10000x128xf32, #tpu.memory_space<hbm>> -> memref<10000x128xf32, #tpu.memory_space<hbm>>
      tpu.enqueue_indirect_dma source(%dma_start3A_42 : memref<10000x128xf32, #tpu.memory_space<hbm>>) target(%arg8 : memref<128x128xf32, #tpu.memory_space<vmem>>) offsets(%dma_start3A_39 : memref<128xi32, #tpu.memory_space<vmem>>) semaphore(%arg12 : memref<!tpu.dma_semaphore, #tpu.memory_space<semaphore_mem>>)
      %dma_start3A_43 = arith.constant 1 : i32
      %dma_start3A_44 = arith.constant 0 : i32
      %dma_start3A_45 = tpu.memref_slice %arg6[%dma_start3A_43, %dma_start3A_44] : memref<40x128xi32, #tpu.memory_space<vmem>> -> memref<1x128xi32, #tpu.memory_space<vmem>>
      %dma_start3A_46 = tpu.memref_squeeze %dma_start3A_45 : memref<1x128xi32, #tpu.memory_space<vmem>> -> memref<128xi32, #tpu.memory_space<vmem>>
      %dma_start3A_47 = arith.constant 0 : i32
      %dma_start3A_48 = arith.constant 0 : i32
      %dma_start3A_49 = tpu.memref_slice %arg2[%dma_start3A_47, %dma_start3A_48] : memref<10000x128xf32, #tpu.memory_space<hbm>> -> memref<10000x128xf32, #tpu.memory_space<hbm>>
      tpu.enqueue_indirect_dma source(%dma_start3A_49 : memref<10000x128xf32, #tpu.memory_space<hbm>>) target(%arg9 : memref<128x128xf32, #tpu.memory_space<vmem>>) offsets(%dma_start3A_46 : memref<128xi32, #tpu.memory_space<vmem>>) semaphore(%arg13 : memref<!tpu.dma_semaphore, #tpu.memory_space<semaphore_mem>>)
      %scan3A_50 = arith.constant 0 : i32
      %scan3A_51 = arith.constant 0 : i32
      %scan3A_52 = arith.constant 20 : i32
      %scan3A_53 = arith.addi %scan3A_51, %scan3A_52 : i32
      %scan3A_54 = arith.constant 1 : i32
      %scan3A_55 = scf.for %scan3A_71 = %scan3A_51 to %scan3A_53 step %scan3A_54 iter_args(%scan3A_72 = %scan3A_50) -> (i32)  : i32 {
        %mul3A_73 = arith.constant 2 : i32
        %mul3A_74 = arith.muli %mul3A_73, %scan3A_71 : i32
        %mul3A_75 = arith.constant 2 : i32
        %mul3A_76 = arith.muli %mul3A_75, %scan3A_71 : i32
        %add3A_77 = arith.constant 1 : i32
        %add3A_78 = arith.addi %mul3A_76, %add3A_77 : i32
        %add3A_79 = arith.constant 2 : i32
        %add3A_80 = arith.addi %mul3A_74, %add3A_79 : i32
        %rem3A = arith.constant 40 : i32
        %rem3A_81 = arith.remsi %add3A_80, %rem3A : i32
        %add3A_82 = arith.constant 2 : i32
        %add3A_83 = arith.addi %add3A_78, %add3A_82 : i32
        %rem3A_84 = arith.constant 40 : i32
        %rem3A_85 = arith.remsi %add3A_83, %rem3A_84 : i32
        %dma_wait3A_86 = arith.constant 0 : i32
        %dma_wait3A_87 = tpu.memref_slice %arg6[%mul3A_74, %dma_wait3A_86] : memref<40x128xi32, #tpu.memory_space<vmem>> -> memref<1x128xi32, #tpu.memory_space<vmem>>
        %dma_wait3A_88 = tpu.memref_squeeze %dma_wait3A_87 : memref<1x128xi32, #tpu.memory_space<vmem>> -> memref<128xi32, #tpu.memory_space<vmem>>
        %dma_wait3A_89 = arith.constant 0 : i32
        %dma_wait3A_90 = arith.constant 0 : i32
        %dma_wait3A_91 = tpu.memref_slice %arg2[%dma_wait3A_89, %dma_wait3A_90] : memref<10000x128xf32, #tpu.memory_space<hbm>> -> memref<10000x128xf32, #tpu.memory_space<hbm>>
        tpu.wait_indirect_dma semaphore(%arg12 : memref<!tpu.dma_semaphore, #tpu.memory_space<semaphore_mem>>) src(%dma_wait3A_91 : memref<10000x128xf32, #tpu.memory_space<hbm>>) dst(%arg8 : memref<128x128xf32, #tpu.memory_space<vmem>>)
        %dma_start3A_92 = arith.constant 0 : i32
        %dma_start3A_93 = tpu.memref_slice %arg7[%mul3A_74, %dma_start3A_92] : memref<40x128xi32, #tpu.memory_space<vmem>> -> memref<1x128xi32, #tpu.memory_space<vmem>>
        %dma_start3A_94 = tpu.memref_squeeze %dma_start3A_93 : memref<1x128xi32, #tpu.memory_space<vmem>> -> memref<128xi32, #tpu.memory_space<vmem>>
        %dma_start3A_95 = arith.constant 0 : i32
        %dma_start3A_96 = arith.constant 0 : i32
        %dma_start3A_97 = tpu.memref_slice %arg11[%dma_start3A_95, %dma_start3A_96] : memref<10112x128xf32, #tpu.memory_space<vmem_shared>> -> memref<10112x128xf32, #tpu.memory_space<vmem_shared>>
        tpu.enqueue_indirect_dma source(%arg8 : memref<128x128xf32, #tpu.memory_space<vmem>>) target(%dma_start3A_97 : memref<10112x128xf32, #tpu.memory_space<vmem_shared>>) offsets(%dma_start3A_94 : memref<128xi32, #tpu.memory_space<vmem>>) semaphore(%arg14 : memref<!tpu.dma_semaphore, #tpu.memory_space<semaphore_mem>>) {add = true}
        %dma_wait3A_98 = arith.constant 0 : i32
        %dma_wait3A_99 = tpu.memref_slice %arg6[%add3A_78, %dma_wait3A_98] : memref<40x128xi32, #tpu.memory_space<vmem>> -> memref<1x128xi32, #tpu.memory_space<vmem>>
        %dma_wait3A_100 = tpu.memref_squeeze %dma_wait3A_99 : memref<1x128xi32, #tpu.memory_space<vmem>> -> memref<128xi32, #tpu.memory_space<vmem>>
        %dma_wait3A_101 = arith.constant 0 : i32
        %dma_wait3A_102 = arith.constant 0 : i32
        %dma_wait3A_103 = tpu.memref_slice %arg2[%dma_wait3A_101, %dma_wait3A_102] : memref<10000x128xf32, #tpu.memory_space<hbm>> -> memref<10000x128xf32, #tpu.memory_space<hbm>>
        tpu.wait_indirect_dma semaphore(%arg13 : memref<!tpu.dma_semaphore, #tpu.memory_space<semaphore_mem>>) src(%dma_wait3A_103 : memref<10000x128xf32, #tpu.memory_space<hbm>>) dst(%arg9 : memref<128x128xf32, #tpu.memory_space<vmem>>)
        %dma_start3A_104 = arith.constant 0 : i32
        %dma_start3A_105 = tpu.memref_slice %arg7[%add3A_78, %dma_start3A_104] : memref<40x128xi32, #tpu.memory_space<vmem>> -> memref<1x128xi32, #tpu.memory_space<vmem>>
        %dma_start3A_106 = tpu.memref_squeeze %dma_start3A_105 : memref<1x128xi32, #tpu.memory_space<vmem>> -> memref<128xi32, #tpu.memory_space<vmem>>
        %dma_start3A_107 = arith.constant 0 : i32
        %dma_start3A_108 = arith.constant 0 : i32
        %dma_start3A_109 = tpu.memref_slice %arg11[%dma_start3A_107, %dma_start3A_108] : memref<10112x128xf32, #tpu.memory_space<vmem_shared>> -> memref<10112x128xf32, #tpu.memory_space<vmem_shared>>
        tpu.enqueue_indirect_dma source(%arg9 : memref<128x128xf32, #tpu.memory_space<vmem>>) target(%dma_start3A_109 : memref<10112x128xf32, #tpu.memory_space<vmem_shared>>) offsets(%dma_start3A_106 : memref<128xi32, #tpu.memory_space<vmem>>) semaphore(%arg15 : memref<!tpu.dma_semaphore, #tpu.memory_space<semaphore_mem>>) {add = true}
        %dma_wait3A_110 = arith.constant 0 : i32
        %dma_wait3A_111 = tpu.memref_slice %arg7[%mul3A_74, %dma_wait3A_110] : memref<40x128xi32, #tpu.memory_space<vmem>> -> memref<1x128xi32, #tpu.memory_space<vmem>>
        %dma_wait3A_112 = tpu.memref_squeeze %dma_wait3A_111 : memref<1x128xi32, #tpu.memory_space<vmem>> -> memref<128xi32, #tpu.memory_space<vmem>>
        %dma_wait3A_113 = arith.constant 0 : i32
        %dma_wait3A_114 = arith.constant 0 : i32
        %dma_wait3A_115 = tpu.memref_slice %arg11[%dma_wait3A_113, %dma_wait3A_114] : memref<10112x128xf32, #tpu.memory_space<vmem_shared>> -> memref<10112x128xf32, #tpu.memory_space<vmem_shared>>
        tpu.wait_indirect_dma semaphore(%arg14 : memref<!tpu.dma_semaphore, #tpu.memory_space<semaphore_mem>>) src(%arg8 : memref<128x128xf32, #tpu.memory_space<vmem>>) dst(%dma_wait3A_115 : memref<10112x128xf32, #tpu.memory_space<vmem_shared>>)
        %dma_start3A_116 = arith.constant 0 : i32
        %dma_start3A_117 = tpu.memref_slice %arg6[%rem3A_81, %dma_start3A_116] : memref<40x128xi32, #tpu.memory_space<vmem>> -> memref<1x128xi32, #tpu.memory_space<vmem>>
        %dma_start3A_118 = tpu.memref_squeeze %dma_start3A_117 : memref<1x128xi32, #tpu.memory_space<vmem>> -> memref<128xi32, #tpu.memory_space<vmem>>
        %dma_start3A_119 = arith.constant 0 : i32
        %dma_start3A_120 = arith.constant 0 : i32
        %dma_start3A_121 = tpu.memref_slice %arg2[%dma_start3A_119, %dma_start3A_120] : memref<10000x128xf32, #tpu.memory_space<hbm>> -> memref<10000x128xf32, #tpu.memory_space<hbm>>
        tpu.enqueue_indirect_dma source(%dma_start3A_121 : memref<10000x128xf32, #tpu.memory_space<hbm>>) target(%arg8 : memref<128x128xf32, #tpu.memory_space<vmem>>) offsets(%dma_start3A_118 : memref<128xi32, #tpu.memory_space<vmem>>) semaphore(%arg12 : memref<!tpu.dma_semaphore, #tpu.memory_space<semaphore_mem>>)
        %dma_wait3A_122 = arith.constant 0 : i32
        %dma_wait3A_123 = tpu.memref_slice %arg7[%add3A_78, %dma_wait3A_122] : memref<40x128xi32, #tpu.memory_space<vmem>> -> memref<1x128xi32, #tpu.memory_space<vmem>>
        %dma_wait3A_124 = tpu.memref_squeeze %dma_wait3A_123 : memref<1x128xi32, #tpu.memory_space<vmem>> -> memref<128xi32, #tpu.memory_space<vmem>>
        %dma_wait3A_125 = arith.constant 0 : i32
        %dma_wait3A_126 = arith.constant 0 : i32
        %dma_wait3A_127 = tpu.memref_slice %arg11[%dma_wait3A_125, %dma_wait3A_126] : memref<10112x128xf32, #tpu.memory_space<vmem_shared>> -> memref<10112x128xf32, #tpu.memory_space<vmem_shared>>
        tpu.wait_indirect_dma semaphore(%arg15 : memref<!tpu.dma_semaphore, #tpu.memory_space<semaphore_mem>>) src(%arg9 : memref<128x128xf32, #tpu.memory_space<vmem>>) dst(%dma_wait3A_127 : memref<10112x128xf32, #tpu.memory_space<vmem_shared>>)
        %dma_start3A_128 = arith.constant 0 : i32
        %dma_start3A_129 = tpu.memref_slice %arg6[%rem3A_85, %dma_start3A_128] : memref<40x128xi32, #tpu.memory_space<vmem>> -> memref<1x128xi32, #tpu.memory_space<vmem>>
        %dma_start3A_130 = tpu.memref_squeeze %dma_start3A_129 : memref<1x128xi32, #tpu.memory_space<vmem>> -> memref<128xi32, #tpu.memory_space<vmem>>
        %dma_start3A_131 = arith.constant 0 : i32
        %dma_start3A_132 = arith.constant 0 : i32
        %dma_start3A_133 = tpu.memref_slice %arg2[%dma_start3A_131, %dma_start3A_132] : memref<10000x128xf32, #tpu.memory_space<hbm>> -> memref<10000x128xf32, #tpu.memory_space<hbm>>
        tpu.enqueue_indirect_dma source(%dma_start3A_133 : memref<10000x128xf32, #tpu.memory_space<hbm>>) target(%arg9 : memref<128x128xf32, #tpu.memory_space<vmem>>) offsets(%dma_start3A_130 : memref<128xi32, #tpu.memory_space<vmem>>) semaphore(%arg13 : memref<!tpu.dma_semaphore, #tpu.memory_space<semaphore_mem>>)
        %scan3A_134 = arith.constant 0 : i32
        scf.yield %scan3A_134 : i32
      }
      %scan3A_56 = arith.constant 20 : i32
      %dma_wait3A = arith.constant 0 : i32
      %dma_wait3A_57 = arith.constant 0 : i32
      %dma_wait3A_58 = tpu.memref_slice %arg6[%dma_wait3A, %dma_wait3A_57] : memref<40x128xi32, #tpu.memory_space<vmem>> -> memref<1x128xi32, #tpu.memory_space<vmem>>
      %dma_wait3A_59 = tpu.memref_squeeze %dma_wait3A_58 : memref<1x128xi32, #tpu.memory_space<vmem>> -> memref<128xi32, #tpu.memory_space<vmem>>
      %dma_wait3A_60 = arith.constant 0 : i32
      %dma_wait3A_61 = arith.constant 0 : i32
      %dma_wait3A_62 = tpu.memref_slice %arg2[%dma_wait3A_60, %dma_wait3A_61] : memref<10000x128xf32, #tpu.memory_space<hbm>> -> memref<10000x128xf32, #tpu.memory_space<hbm>>
      tpu.wait_indirect_dma semaphore(%arg12 : memref<!tpu.dma_semaphore, #tpu.memory_space<semaphore_mem>>) src(%dma_wait3A_62 : memref<10000x128xf32, #tpu.memory_space<hbm>>) dst(%arg8 : memref<128x128xf32, #tpu.memory_space<vmem>>)
      %dma_wait3A_63 = arith.constant 1 : i32
      %dma_wait3A_64 = arith.constant 0 : i32
      %dma_wait3A_65 = tpu.memref_slice %arg6[%dma_wait3A_63, %dma_wait3A_64] : memref<40x128xi32, #tpu.memory_space<vmem>> -> memref<1x128xi32, #tpu.memory_space<vmem>>
      %dma_wait3A_66 = tpu.memref_squeeze %dma_wait3A_65 : memref<1x128xi32, #tpu.memory_space<vmem>> -> memref<128xi32, #tpu.memory_space<vmem>>
      %dma_wait3A_67 = arith.constant 0 : i32
      %dma_wait3A_68 = arith.constant 0 : i32
      %dma_wait3A_69 = tpu.memref_slice %arg2[%dma_wait3A_67, %dma_wait3A_68] : memref<10000x128xf32, #tpu.memory_space<hbm>> -> memref<10000x128xf32, #tpu.memory_space<hbm>>
      tpu.wait_indirect_dma semaphore(%arg13 : memref<!tpu.dma_semaphore, #tpu.memory_space<semaphore_mem>>) src(%dma_wait3A_69 : memref<10000x128xf32, #tpu.memory_space<hbm>>) dst(%arg9 : memref<128x128xf32, #tpu.memory_space<vmem>>)
      %while3A_70 = arith.constant 0 : i32
      scf.yield %while3A_70 : i32
    }
    %barrier3A_30 = arith.constant 0 : index
    tpu.barrier barrier_id(%barrier3A_30)
    "tpu.region"() ({
      %run_scoped3A = tpu.sem_alloc : memref<!tpu.dma_semaphore, #tpu.memory_space<semaphore_mem>>
      %dma_start3A = arith.constant 0 : i32
      %dma_start3A_31 = tpu.memref_slice %arg5[%arg0, %mul3A_11, %dma_start3A] : memref<2x10112x128xf32, #tpu.memory_space<hbm>> -> memref<1x632x128xf32, #tpu.memory_space<hbm>>
      %dma_start3A_32 = tpu.memref_squeeze %dma_start3A_31 : memref<1x632x128xf32, #tpu.memory_space<hbm>> -> memref<632x128xf32, #tpu.memory_space<hbm>>
      %dma_start3A_33 = arith.constant 0 : i32
      %dma_start3A_34 = tpu.memref_slice %arg11[%mul3A_11, %dma_start3A_33] : memref<10112x128xf32, #tpu.memory_space<vmem_shared>> -> memref<632x128xf32, #tpu.memory_space<vmem_shared>>
      tpu.enqueue_dma source(%dma_start3A_34 : memref<632x128xf32, #tpu.memory_space<vmem_shared>>) target(%dma_start3A_32 : memref<632x128xf32, #tpu.memory_space<hbm>>) target_semaphore(%run_scoped3A : memref<!tpu.dma_semaphore, #tpu.memory_space<semaphore_mem>>)
      %dma_wait3A = arith.constant 0 : i32
      %dma_wait3A_35 = tpu.memref_slice %arg5[%arg0, %mul3A_11, %dma_wait3A] : memref<2x10112x128xf32, #tpu.memory_space<hbm>> -> memref<1x632x128xf32, #tpu.memory_space<hbm>>
      %dma_wait3A_36 = tpu.memref_squeeze %dma_wait3A_35 : memref<1x632x128xf32, #tpu.memory_space<hbm>> -> memref<632x128xf32, #tpu.memory_space<hbm>>
      %dma_wait3A_37 = arith.constant 0 : i32
      %dma_wait3A_38 = tpu.memref_slice %arg11[%mul3A_11, %dma_wait3A_37] : memref<10112x128xf32, #tpu.memory_space<vmem_shared>> -> memref<632x128xf32, #tpu.memory_space<vmem_shared>>
      tpu.wait_dma2 semaphore(%run_scoped3A : memref<!tpu.dma_semaphore, #tpu.memory_space<semaphore_mem>>) src(%dma_wait3A_38 : memref<632x128xf32, #tpu.memory_space<vmem_shared>>) dst(%dma_wait3A_36 : memref<632x128xf32, #tpu.memory_space<hbm>>)
      tpu.yield
    }) : () -> ()
    return
  }
}

module attributes {stable_mosaic.version = 14 : i64} {
  func.func @_fc_body(%arg0: i32, %arg1: memref<2000x128xf32, #tpu.memory_space<vmem>>, %arg2: memref<128x128xf32, #tpu.memory_space<vmem>>, %arg3: memref<1x128xf32, #tpu.memory_space<vmem>>, %arg4: memref<2000x128xf32, #tpu.memory_space<vmem>>) attributes {dimension_semantics = [#tpu.dimension_semantics<arbitrary>], iteration_bounds = array<i64: 5>, scalar_prefetch = 0 : i64, scratch_operands = 0 : i64, tpu.core_type = #tpu.core_type<tc>, window_params = [{transform_indices = @transform_0, window_bounds = array<i64: 2000, 128>}, {pipeline_mode = #tpu.pipeline_mode<synchronous>, transform_indices = @transform_1, window_bounds = array<i64: 128, 128>}, {pipeline_mode = #tpu.pipeline_mode<synchronous>, transform_indices = @transform_2, window_bounds = array<i64: 1, 128>}, {transform_indices = @transform_3, window_bounds = array<i64: 2000, 128>}]} {
    %get3A = arith.constant 0 : index
    %get3A_0 = arith.constant 0 : index
    %get3A_1 = vector.load %arg1[%get3A, %get3A_0] : memref<2000x128xf32, #tpu.memory_space<vmem>>, vector<2000x128xf32>
    %get3A_2 = arith.constant 0 : index
    %get3A_3 = arith.constant 0 : index
    %get3A_4 = vector.load %arg2[%get3A_2, %get3A_3] : memref<128x128xf32, #tpu.memory_space<vmem>>, vector<128x128xf32>
    %dot_general3A = arith.constant dense<0.000000e+00> : vector<2000x128xf32>
    %dot_general3A_5 = tpu.matmul %get3A_1, %get3A_4, %dot_general3A {dimension_numbers = #tpu.dot_dimension_numbers<[1], [1], [0], [0], [0, 0, 1, 0], [], []>, transpose_lhs_hint = false} : vector<2000x128xf32>, vector<128x128xf32>, vector<2000x128xf32> -> vector<2000x128xf32>
    %get3A_6 = arith.constant 0 : index
    %get3A_7 = arith.constant 0 : index
    %get3A_8 = vector.load %arg3[%get3A_6, %get3A_7] : memref<1x128xf32, #tpu.memory_space<vmem>>, vector<1x128xf32>
    %add3A = vector.broadcast %get3A_8 : vector<1x128xf32> to vector<2000x128xf32>
    %add3A_9 = arith.addf %dot_general3A_5, %add3A : vector<2000x128xf32>
    %swap3A = arith.constant 0 : index
    %swap3A_10 = arith.constant 0 : index
    %swap3A_11 = vector.load %arg4[%swap3A, %swap3A_10] : memref<2000x128xf32, #tpu.memory_space<vmem>>, vector<2000x128xf32>
    tpu.vector_store %arg4[%swap3A, %swap3A_10], %add3A_9 {strides = array<i32>} : memref<2000x128xf32, #tpu.memory_space<vmem>>, vector<2000x128xf32>,
    return
  }
  func.func @transform_0(%arg0: i32) -> (i32, i32) {
    %c0_i32 = arith.constant 0 : i32
    %c0_i32_0 = arith.constant 0 : i32
    return %arg0, %c0_i32 : i32, i32
  }
  func.func @transform_1(%arg0: i32) -> (i32, i32) {
    %c0_i32 = arith.constant 0 : i32
    %c0_i32_0 = arith.constant 0 : i32
    %c0_i32_1 = arith.constant 0 : i32
    return %c0_i32, %c0_i32_0 : i32, i32
  }
  func.func @transform_2(%arg0: i32) -> (i32, i32) {
    %c0_i32 = arith.constant 0 : i32
    %c0_i32_0 = arith.constant 0 : i32
    %c0_i32_1 = arith.constant 0 : i32
    return %c0_i32, %c0_i32_0 : i32, i32
  }
  func.func @transform_3(%arg0: i32) -> (i32, i32) {
    %c0_i32 = arith.constant 0 : i32
    %c0_i32_0 = arith.constant 0 : i32
    return %arg0, %c0_i32 : i32, i32
  }
}

module attributes {stable_mosaic.version = 14 : i64} {
  func.func @_prep_body(%arg0: i32, %arg1: memref<2000x128xf32, #tpu.memory_space<vmem>>, %arg2: memref<2x2000x128xf32, #tpu.memory_space<vmem>>, %arg3: memref<2000x1xf32, #tpu.memory_space<vmem>>, %arg4: memref<2000x128xf32, #tpu.memory_space<vmem>>) attributes {dimension_semantics = [#tpu.dimension_semantics<arbitrary>], iteration_bounds = array<i64: 5>, scalar_prefetch = 0 : i64, scratch_operands = 0 : i64, tpu.core_type = #tpu.core_type<tc>, window_params = [{transform_indices = @transform_0, window_bounds = array<i64: 2000, 128>}, {transform_indices = @transform_1, window_bounds = array<i64: 2, 2000, 128>}, {transform_indices = @transform_2, window_bounds = array<i64: 2000, 1>}, {transform_indices = @transform_3, window_bounds = array<i64: 2000, 128>}]} {
    %get3A = arith.constant 0 : index
    %get3A_0 = arith.constant 0 : index
    %get3A_1 = arith.constant 0 : index
    %get3A_2 = vector.load %arg2[%get3A, %get3A_0, %get3A_1] : memref<2x2000x128xf32, #tpu.memory_space<vmem>>, vector<1x2000x1xf32>
    %get3A_3 = vector.shape_cast %get3A_2 : vector<1x2000x1xf32> to vector<2000x1xf32>
    %get3A_4 = arith.constant 1 : index
    %get3A_5 = arith.constant 0 : index
    %get3A_6 = arith.constant 0 : index
    %get3A_7 = vector.load %arg2[%get3A_4, %get3A_5, %get3A_6] : memref<2x2000x128xf32, #tpu.memory_space<vmem>>, vector<1x2000x1xf32>
    %get3A_8 = vector.shape_cast %get3A_7 : vector<1x2000x1xf32> to vector<2000x1xf32>
    %add3A = arith.addf %get3A_3, %get3A_8 : vector<2000x1xf32>
    %max3A = arith.constant 1.000000e+00 : f32
    %max3A_9 = vector.broadcast %max3A : f32 to vector<2000x1xf32>
    %max3A_10 = arith.maximumf %add3A, %max3A_9 : vector<2000x1xf32>
    %rsqrt3A = math.rsqrt %max3A_10 : vector<2000x1xf32>
    %swap3A = arith.constant 0 : index
    %swap3A_11 = arith.constant 0 : index
    %swap3A_12 = vector.load %arg3[%swap3A, %swap3A_11] : memref<2000x1xf32, #tpu.memory_space<vmem>>, vector<2000x1xf32>
    tpu.vector_store %arg3[%swap3A, %swap3A_11], %rsqrt3A {strides = array<i32>} : memref<2000x1xf32, #tpu.memory_space<vmem>>, vector<2000x1xf32>,
    %get3A_13 = arith.constant 0 : index
    %get3A_14 = arith.constant 0 : index
    %get3A_15 = vector.load %arg1[%get3A_13, %get3A_14] : memref<2000x128xf32, #tpu.memory_space<vmem>>, vector<2000x128xf32>
    %mul3A = vector.broadcast %rsqrt3A : vector<2000x1xf32> to vector<2000x128xf32>
    %mul3A_16 = arith.mulf %get3A_15, %mul3A : vector<2000x128xf32>
    %swap3A_17 = arith.constant 0 : index
    %swap3A_18 = arith.constant 0 : index
    %swap3A_19 = vector.load %arg4[%swap3A_17, %swap3A_18] : memref<2000x128xf32, #tpu.memory_space<vmem>>, vector<2000x128xf32>
    tpu.vector_store %arg4[%swap3A_17, %swap3A_18], %mul3A_16 {strides = array<i32>} : memref<2000x128xf32, #tpu.memory_space<vmem>>, vector<2000x128xf32>,
    return
  }
  func.func @transform_0(%arg0: i32) -> (i32, i32) {
    %c0_i32 = arith.constant 0 : i32
    %c0_i32_0 = arith.constant 0 : i32
    return %arg0, %c0_i32 : i32, i32
  }
  func.func @transform_1(%arg0: i32) -> (i32, i32, i32) {
    %c0_i32 = arith.constant 0 : i32
    %c0_i32_0 = arith.constant 0 : i32
    %c0_i32_1 = arith.constant 0 : i32
    return %c0_i32, %arg0, %c0_i32_0 : i32, i32, i32
  }
  func.func @transform_2(%arg0: i32) -> (i32, i32) {
    %c0_i32 = arith.constant 0 : i32
    %c0_i32_0 = arith.constant 0 : i32
    return %arg0, %c0_i32 : i32, i32
  }
  func.func @transform_3(%arg0: i32) -> (i32, i32) {
    %c0_i32 = arith.constant 0 : i32
    %c0_i32_0 = arith.constant 0 : i32
    return %arg0, %c0_i32 : i32, i32
  }
}

module attributes {stable_mosaic.version = 14 : i64} {
  func.func @_layer1_body(%arg0: i32, %arg1: memref<2x2000x128xf32, #tpu.memory_space<vmem>>, %arg2: memref<2000x1xf32, #tpu.memory_space<vmem>>, %arg3: memref<2000x128xf32, #tpu.memory_space<vmem>>, %arg4: memref<128x128xf32, #tpu.memory_space<vmem>>, %arg5: memref<1x128xf32, #tpu.memory_space<vmem>>, %arg6: memref<2000x128xf32, #tpu.memory_space<vmem>>, %arg7: memref<2000x128xf32, #tpu.memory_space<vmem>>) attributes {dimension_semantics = [#tpu.dimension_semantics<arbitrary>], iteration_bounds = array<i64: 5>, scalar_prefetch = 0 : i64, scratch_operands = 0 : i64, tpu.core_type = #tpu.core_type<tc>, window_params = [{transform_indices = @transform_0, window_bounds = array<i64: 2, 2000, 128>}, {transform_indices = @transform_1, window_bounds = array<i64: 2000, 1>}, {transform_indices = @transform_2, window_bounds = array<i64: 2000, 128>}, {pipeline_mode = #tpu.pipeline_mode<synchronous>, transform_indices = @transform_3, window_bounds = array<i64: 128, 128>}, {pipeline_mode = #tpu.pipeline_mode<synchronous>, transform_indices = @transform_4, window_bounds = array<i64: 1, 128>}, {transform_indices = @transform_5, window_bounds = array<i64: 2000, 128>}, {transform_indices = @transform_6, window_bounds = array<i64: 2000, 128>}]} {
    %get3A = arith.constant 0 : index
    %get3A_0 = arith.constant 0 : index
    %get3A_1 = arith.constant 0 : index
    %get3A_2 = vector.load %arg1[%get3A, %get3A_0, %get3A_1] : memref<2x2000x128xf32, #tpu.memory_space<vmem>>, vector<1x2000x128xf32>
    %get3A_3 = vector.shape_cast %get3A_2 : vector<1x2000x128xf32> to vector<2000x128xf32>
    %get3A_4 = arith.constant 1 : index
    %get3A_5 = arith.constant 0 : index
    %get3A_6 = arith.constant 0 : index
    %get3A_7 = vector.load %arg1[%get3A_4, %get3A_5, %get3A_6] : memref<2x2000x128xf32, #tpu.memory_space<vmem>>, vector<1x2000x128xf32>
    %get3A_8 = vector.shape_cast %get3A_7 : vector<1x2000x128xf32> to vector<2000x128xf32>
    %add3A = arith.addf %get3A_3, %get3A_8 : vector<2000x128xf32>
    %get3A_9 = arith.constant 0 : index
    %get3A_10 = arith.constant 0 : index
    %get3A_11 = vector.load %arg2[%get3A_9, %get3A_10] : memref<2000x1xf32, #tpu.memory_space<vmem>>, vector<2000x1xf32>
    %mul3A = vector.broadcast %get3A_11 : vector<2000x1xf32> to vector<2000x128xf32>
    %mul3A_12 = arith.mulf %add3A, %mul3A : vector<2000x128xf32>
    %mul3A_13 = arith.constant 0.899999976 : f32
    %mul3A_14 = vector.broadcast %mul3A_13 : f32 to vector<2000x128xf32>
    %mul3A_15 = arith.mulf %mul3A_12, %mul3A_14 : vector<2000x128xf32>
    %get3A_16 = arith.constant 0 : index
    %get3A_17 = arith.constant 0 : index
    %get3A_18 = vector.load %arg3[%get3A_16, %get3A_17] : memref<2000x128xf32, #tpu.memory_space<vmem>>, vector<2000x128xf32>
    %mul3A_19 = arith.constant 1.000000e-01 : f32
    %mul3A_20 = vector.broadcast %mul3A_19 : f32 to vector<2000x128xf32>
    %mul3A_21 = arith.mulf %mul3A_20, %get3A_18 : vector<2000x128xf32>
    %add3A_22 = arith.addf %mul3A_15, %mul3A_21 : vector<2000x128xf32>
    %iota3A = tpu.iota {dimensions = array<i32: 0>} : vector<128x128xi32>
    %iota3A_23 = tpu.iota {dimensions = array<i32: 1>} : vector<128x128xi32>
    %eq3A = arith.cmpi eq, %iota3A, %iota3A_23 : vector<128x128xi32>
    %jit3A = arith.constant 0.306852818 : f32
    %jit3A_24 = arith.constant 0.000000e+00 : f32
    %broadcast_in_dim3A = vector.broadcast %jit3A : f32 to vector<128x128xf32>
    %broadcast_in_dim3A_25 = vector.broadcast %jit3A_24 : f32 to vector<128x128xf32>
    %select_n3A = arith.select %eq3A, %broadcast_in_dim3A, %broadcast_in_dim3A_25 : vector<128x128xi1>, vector<128x128xf32>
    %get3A_26 = arith.constant 0 : index
    %get3A_27 = arith.constant 0 : index
    %get3A_28 = vector.load %arg4[%get3A_26, %get3A_27] : memref<128x128xf32, #tpu.memory_space<vmem>>, vector<128x128xf32>
    %mul3A_29 = arith.constant 0.693147182 : f32
    %mul3A_30 = vector.broadcast %mul3A_29 : f32 to vector<128x128xf32>
    %mul3A_31 = arith.mulf %mul3A_30, %get3A_28 : vector<128x128xf32>
    %add3A_32 = arith.addf %select_n3A, %mul3A_31 : vector<128x128xf32>
    %dot_general3A = arith.constant dense<0.000000e+00> : vector<2000x128xf32>
    %dot_general3A_33 = tpu.matmul %add3A_22, %add3A_32, %dot_general3A {dimension_numbers = #tpu.dot_dimension_numbers<[1], [0], [0], [1], [0, 0, 1, 1], [], []>, transpose_lhs_hint = false} : vector<2000x128xf32>, vector<128x128xf32>, vector<2000x128xf32> -> vector<2000x128xf32>
    %get3A_34 = arith.constant 0 : index
    %get3A_35 = arith.constant 0 : index
    %get3A_36 = vector.load %arg5[%get3A_34, %get3A_35] : memref<1x128xf32, #tpu.memory_space<vmem>>, vector<1x128xf32>
    %add3A_37 = vector.broadcast %get3A_36 : vector<1x128xf32> to vector<2000x128xf32>
    %add3A_38 = arith.addf %dot_general3A_33, %add3A_37 : vector<2000x128xf32>
    %max3A = arith.constant 0.000000e+00 : f32
    %max3A_39 = vector.broadcast %max3A : f32 to vector<2000x128xf32>
    %max3A_40 = arith.maximumf %add3A_38, %max3A_39 : vector<2000x128xf32>
    %swap3A = arith.constant 0 : index
    %swap3A_41 = arith.constant 0 : index
    %swap3A_42 = vector.load %arg6[%swap3A, %swap3A_41] : memref<2000x128xf32, #tpu.memory_space<vmem>>, vector<2000x128xf32>
    tpu.vector_store %arg6[%swap3A, %swap3A_41], %max3A_40 {strides = array<i32>} : memref<2000x128xf32, #tpu.memory_space<vmem>>, vector<2000x128xf32>,
    %mul3A_43 = vector.broadcast %get3A_11 : vector<2000x1xf32> to vector<2000x128xf32>
    %mul3A_44 = arith.mulf %max3A_40, %mul3A_43 : vector<2000x128xf32>
    %swap3A_45 = arith.constant 0 : index
    %swap3A_46 = arith.constant 0 : index
    %swap3A_47 = vector.load %arg7[%swap3A_45, %swap3A_46] : memref<2000x128xf32, #tpu.memory_space<vmem>>, vector<2000x128xf32>
    tpu.vector_store %arg7[%swap3A_45, %swap3A_46], %mul3A_44 {strides = array<i32>} : memref<2000x128xf32, #tpu.memory_space<vmem>>, vector<2000x128xf32>,
    return
  }
  func.func @transform_0(%arg0: i32) -> (i32, i32, i32) {
    %c0_i32 = arith.constant 0 : i32
    %c0_i32_0 = arith.constant 0 : i32
    %c0_i32_1 = arith.constant 0 : i32
    return %c0_i32, %arg0, %c0_i32_0 : i32, i32, i32
  }
  func.func @transform_1(%arg0: i32) -> (i32, i32) {
    %c0_i32 = arith.constant 0 : i32
    %c0_i32_0 = arith.constant 0 : i32
    return %arg0, %c0_i32 : i32, i32
  }
  func.func @transform_2(%arg0: i32) -> (i32, i32) {
    %c0_i32 = arith.constant 0 : i32
    %c0_i32_0 = arith.constant 0 : i32
    return %arg0, %c0_i32 : i32, i32
  }
  func.func @transform_3(%arg0: i32) -> (i32, i32) {
    %c0_i32 = arith.constant 0 : i32
    %c0_i32_0 = arith.constant 0 : i32
    %c0_i32_1 = arith.constant 0 : i32
    return %c0_i32, %c0_i32_0 : i32, i32
  }
  func.func @transform_4(%arg0: i32) -> (i32, i32) {
    %c0_i32 = arith.constant 0 : i32
    %c0_i32_0 = arith.constant 0 : i32
    %c0_i32_1 = arith.constant 0 : i32
    return %c0_i32, %c0_i32_0 : i32, i32
  }
  func.func @transform_5(%arg0: i32) -> (i32, i32) {
    %c0_i32 = arith.constant 0 : i32
    %c0_i32_0 = arith.constant 0 : i32
    return %arg0, %c0_i32 : i32, i32
  }
  func.func @transform_6(%arg0: i32) -> (i32, i32) {
    %c0_i32 = arith.constant 0 : i32
    %c0_i32_0 = arith.constant 0 : i32
    return %arg0, %c0_i32 : i32, i32
  }
}

module attributes {stable_mosaic.version = 14 : i64} {
  func.func @_layer2_body(%arg0: i32, %arg1: memref<2x2000x128xf32, #tpu.memory_space<vmem>>, %arg2: memref<2000x1xf32, #tpu.memory_space<vmem>>, %arg3: memref<2000x128xf32, #tpu.memory_space<vmem>>, %arg4: memref<128x128xf32, #tpu.memory_space<vmem>>, %arg5: memref<1x128xf32, #tpu.memory_space<vmem>>, %arg6: memref<2000x128xf32, #tpu.memory_space<vmem>>) attributes {dimension_semantics = [#tpu.dimension_semantics<arbitrary>], iteration_bounds = array<i64: 5>, scalar_prefetch = 0 : i64, scratch_operands = 0 : i64, tpu.core_type = #tpu.core_type<tc>, window_params = [{transform_indices = @transform_0, window_bounds = array<i64: 2, 2000, 128>}, {transform_indices = @transform_1, window_bounds = array<i64: 2000, 1>}, {transform_indices = @transform_2, window_bounds = array<i64: 2000, 128>}, {pipeline_mode = #tpu.pipeline_mode<synchronous>, transform_indices = @transform_3, window_bounds = array<i64: 128, 128>}, {pipeline_mode = #tpu.pipeline_mode<synchronous>, transform_indices = @transform_4, window_bounds = array<i64: 1, 128>}, {transform_indices = @transform_5, window_bounds = array<i64: 2000, 128>}]} {
    %get3A = arith.constant 0 : index
    %get3A_0 = arith.constant 0 : index
    %get3A_1 = arith.constant 0 : index
    %get3A_2 = vector.load %arg1[%get3A, %get3A_0, %get3A_1] : memref<2x2000x128xf32, #tpu.memory_space<vmem>>, vector<1x2000x128xf32>
    %get3A_3 = vector.shape_cast %get3A_2 : vector<1x2000x128xf32> to vector<2000x128xf32>
    %get3A_4 = arith.constant 1 : index
    %get3A_5 = arith.constant 0 : index
    %get3A_6 = arith.constant 0 : index
    %get3A_7 = vector.load %arg1[%get3A_4, %get3A_5, %get3A_6] : memref<2x2000x128xf32, #tpu.memory_space<vmem>>, vector<1x2000x128xf32>
    %get3A_8 = vector.shape_cast %get3A_7 : vector<1x2000x128xf32> to vector<2000x128xf32>
    %add3A = arith.addf %get3A_3, %get3A_8 : vector<2000x128xf32>
    %get3A_9 = arith.constant 0 : index
    %get3A_10 = arith.constant 0 : index
    %get3A_11 = vector.load %arg2[%get3A_9, %get3A_10] : memref<2000x1xf32, #tpu.memory_space<vmem>>, vector<2000x1xf32>
    %mul3A = vector.broadcast %get3A_11 : vector<2000x1xf32> to vector<2000x128xf32>
    %mul3A_12 = arith.mulf %add3A, %mul3A : vector<2000x128xf32>
    %mul3A_13 = arith.constant 0.899999976 : f32
    %mul3A_14 = vector.broadcast %mul3A_13 : f32 to vector<2000x128xf32>
    %mul3A_15 = arith.mulf %mul3A_12, %mul3A_14 : vector<2000x128xf32>
    %get3A_16 = arith.constant 0 : index
    %get3A_17 = arith.constant 0 : index
    %get3A_18 = vector.load %arg3[%get3A_16, %get3A_17] : memref<2000x128xf32, #tpu.memory_space<vmem>>, vector<2000x128xf32>
    %mul3A_19 = arith.constant 1.000000e-01 : f32
    %mul3A_20 = vector.broadcast %mul3A_19 : f32 to vector<2000x128xf32>
    %mul3A_21 = arith.mulf %mul3A_20, %get3A_18 : vector<2000x128xf32>
    %add3A_22 = arith.addf %mul3A_15, %mul3A_21 : vector<2000x128xf32>
    %iota3A = tpu.iota {dimensions = array<i32: 0>} : vector<128x128xi32>
    %iota3A_23 = tpu.iota {dimensions = array<i32: 1>} : vector<128x128xi32>
    %eq3A = arith.cmpi eq, %iota3A, %iota3A_23 : vector<128x128xi32>
    %jit3A = arith.constant 0.594534874 : f32
    %jit3A_24 = arith.constant 0.000000e+00 : f32
    %broadcast_in_dim3A = vector.broadcast %jit3A : f32 to vector<128x128xf32>
    %broadcast_in_dim3A_25 = vector.broadcast %jit3A_24 : f32 to vector<128x128xf32>
    %select_n3A = arith.select %eq3A, %broadcast_in_dim3A, %broadcast_in_dim3A_25 : vector<128x128xi1>, vector<128x128xf32>
    %get3A_26 = arith.constant 0 : index
    %get3A_27 = arith.constant 0 : index
    %get3A_28 = vector.load %arg4[%get3A_26, %get3A_27] : memref<128x128xf32, #tpu.memory_space<vmem>>, vector<128x128xf32>
    %mul3A_29 = arith.constant 0.405465096 : f32
    %mul3A_30 = vector.broadcast %mul3A_29 : f32 to vector<128x128xf32>
    %mul3A_31 = arith.mulf %mul3A_30, %get3A_28 : vector<128x128xf32>
    %add3A_32 = arith.addf %select_n3A, %mul3A_31 : vector<128x128xf32>
    %dot_general3A = arith.constant dense<0.000000e+00> : vector<2000x128xf32>
    %dot_general3A_33 = tpu.matmul %add3A_22, %add3A_32, %dot_general3A {dimension_numbers = #tpu.dot_dimension_numbers<[1], [0], [0], [1], [0, 0, 1, 1], [], []>, transpose_lhs_hint = false} : vector<2000x128xf32>, vector<128x128xf32>, vector<2000x128xf32> -> vector<2000x128xf32>
    %get3A_34 = arith.constant 0 : index
    %get3A_35 = arith.constant 0 : index
    %get3A_36 = vector.load %arg5[%get3A_34, %get3A_35] : memref<1x128xf32, #tpu.memory_space<vmem>>, vector<1x128xf32>
    %add3A_37 = vector.broadcast %get3A_36 : vector<1x128xf32> to vector<2000x128xf32>
    %add3A_38 = arith.addf %dot_general3A_33, %add3A_37 : vector<2000x128xf32>
    %max3A = arith.constant 0.000000e+00 : f32
    %max3A_39 = vector.broadcast %max3A : f32 to vector<2000x128xf32>
    %max3A_40 = arith.maximumf %add3A_38, %max3A_39 : vector<2000x128xf32>
    %swap3A = arith.constant 0 : index
    %swap3A_41 = arith.constant 0 : index
    %swap3A_42 = vector.load %arg6[%swap3A, %swap3A_41] : memref<2000x128xf32, #tpu.memory_space<vmem>>, vector<2000x128xf32>
    tpu.vector_store %arg6[%swap3A, %swap3A_41], %max3A_40 {strides = array<i32>} : memref<2000x128xf32, #tpu.memory_space<vmem>>, vector<2000x128xf32>,
    return
  }
  func.func @transform_0(%arg0: i32) -> (i32, i32, i32) {
    %c0_i32 = arith.constant 0 : i32
    %c0_i32_0 = arith.constant 0 : i32
    %c0_i32_1 = arith.constant 0 : i32
    return %c0_i32, %arg0, %c0_i32_0 : i32, i32, i32
  }
  func.func @transform_1(%arg0: i32) -> (i32, i32) {
    %c0_i32 = arith.constant 0 : i32
    %c0_i32_0 = arith.constant 0 : i32
    return %arg0, %c0_i32 : i32, i32
  }
  func.func @transform_2(%arg0: i32) -> (i32, i32) {
    %c0_i32 = arith.constant 0 : i32
    %c0_i32_0 = arith.constant 0 : i32
    return %arg0, %c0_i32 : i32, i32
  }
  func.func @transform_3(%arg0: i32) -> (i32, i32) {
    %c0_i32 = arith.constant 0 : i32
    %c0_i32_0 = arith.constant 0 : i32
    %c0_i32_1 = arith.constant 0 : i32
    return %c0_i32, %c0_i32_0 : i32, i32
  }
  func.func @transform_4(%arg0: i32) -> (i32, i32) {
    %c0_i32 = arith.constant 0 : i32
    %c0_i32_0 = arith.constant 0 : i32
    %c0_i32_1 = arith.constant 0 : i32
    return %c0_i32, %c0_i32_0 : i32, i32
  }
  func.func @transform_5(%arg0: i32) -> (i32, i32) {
    %c0_i32 = arith.constant 0 : i32
    %c0_i32_0 = arith.constant 0 : i32
    return %arg0, %c0_i32 : i32, i32
  }
}

</mosaic_0001>

<sc_bundles>
// kernel: kernel.12.cloned.1.call-start
scs
__scs_entry_jumppad:
0x0: {  	(pc) =	sbr.rel $0x88, $3  }
0x1: {  	(tag) =	ssettag $0x0;
	lr =	simm.s32 $0x1  }
0x2: {  	[smem:$0x3F99] =	sst lr;
	_ =	strace $0xD0000000  }
0x3: {  	_ = 	snop  }
0x4: {  	_ = 	snop  }
0x5: {  	_ = 	snop  }
0x6: {  	_ = 	snop  }
0x7: {  	_ = 	snop  }
__scs_overlays_trampoline_lowered:
0x8: {  	[smem:$0x3FA8] =	sst s0  }
0x9: {  	[smem:$0x3FA9] =	sst s1  }
0xa: {  	[smem:$0x3FAA] =	sst s2  }
0xb: {  	[smem:$0x3FAB] =	sst s3  }
0xc: {  	[smem:$0x3FAC] =	sst s4  }
0xd: {  	[smem:$0x3FAD] =	sst s5  }
0xe: {  	[smem:$0x3FAE] =	sst s6  }
0xf: {  	[smem:$0x3FAF] =	sst s7  }
0x10: {  	[smem:$0x3FB0] =	sst s8  }
0x11: {  	[smem:$0x3FB1] =	sst s9;
	s0 =	simm.s32 @!p0 $0x0  }
0x12: {  	s1 =	sld [smem:$0x3F97];
	s0 =	simm.s32 @p0 $0x1  }
0x13: {  	[smem:$0x3FB2] =	sst s0;
	s0 =	simm.s32 @!p1 $0x0  }
0x14: {  	s2 =	sld [smem:$0x3F96];
	s0 =	simm.s32 @p1 $0x1  }
0x15: {  	[smem:$0x3FB3] =	sst s0;
	s0 =	simm.s32 @!p2 $0x0  }
0x16: {  	s3 =	sld [smem:$0x3FDB];
	s0 =	simm.s32 @p2 $0x1  }
0x17: {  	s4 =	simm.s32 $0x1BF5;
	[smem:$0x3FB5] =	sst s0  }
0x18: {  	s0 =	sld [smem:$0x3F98];
	_ =	swait.ge [sflag:s4], $0x0  }
0x19: {  	s7 =	sld [smem:$0x3F99]  }
0x1a: {  	s8 =	sadd.s32 $0xFFFFE003, lr  }
0x1b: {  	s9 =	sadd.s32 $0xFFFFFEF7, lr;
	s5 =	simm.s32 $0xFFFFFFFF;
	p2 =	slt.u32 s8, $0xFFFFF086  }
0x1c: {  	p1 =	slt.u32 s9, $0xF7A;
	s5 =	simm.s32 @!p2 $0x0  }
0x1d: {  	s5 =	simm.s32 @p1 $0x1;
	p0 =	seq.s32 s7, s2  }
0x1e: {  	s7 =	smul.u32 @!p0 $0xF7A, s2;
	p2 =	seq.s32 @!p0 s5, $0x0  }
0x1f: {  	s9 =	smul.u32 $0xF7A, s1;
	s8 =	simm.s32 @!p0 $0x1BF5;
	p2 =	por !p2, p0  }
0x20: {  	[sflag:s8] =	ssyncset.s32 @!p0 $0xFFFFF086;
	s6 =	sadd.s32 @!p0 s3, s7;
	s7 =	simm.s32 @!p0 $0x108  }
0x21: {  	s3 =	sadd.s32 s3, s9;
	s6 =	sadd.s32 @!p0 $0x88, s6;
	s7 =	simm.s32 @p2 $0x1082  }
0x22: {  	[simem:s7], [sflag:s8] =	dma.local @!p0 [hbm:s6], $0xF7A  }
0x23: {  	s9 =	sor.u32 $0xD0000000, s2;
	s6 =	simm.s32 $0x108;
	_ =	swait.ge @!p0 [sflag:s8], $0x0  }
0x24: {  	s3 =	sadd.s32 $0x88, s3;
	s6 =	simm.s32 @!p1 $0x1082;
	[sflag:s4] =	ssyncset.s32 $0xFFFFF086  }
0x25: {  	[simem:s6], [sflag:s4] =	dma.local [hbm:s3], $0xF7A  }
0x26: {  	[smem:$0x3F99] =	sst s1;
	(tag) =	ssettag s2;
	_ =	strace s9  }
0x27: {  	s1 =	sld [smem:$0x3FA9]  }
0x28: {  	s2 =	sld [smem:$0x3FAA]  }
0x29: {  	s4 =	sld [smem:$0x3FAC]  }
0x2a: {  	p0 =	seq.s32 s5, $0x0;
	s5 =	sld [smem:$0x3FAD]  }
0x2b: {  	s6 =	sld [smem:$0x3FAE]  }
0x2c: {  	s7 =	sld [smem:$0x3FAF]  }
0x2d: {  	s3 =	simm.s32 $0x108;
	s8 =	sld [smem:$0x3FB0]  }
0x2e: {  	s3 =	simm.s32 @!p0 $0x1082;
	s9 =	sld [smem:$0x3FB1]  }
0x2f: {  	lr =	sadd.s32 s0, s3;
	s0 =	sld [smem:$0x3FA8]  }
0x30: {  	s3 =	sld [smem:$0x3FAB]  }
0x31: {  	[smem:$0x3FB4] =	sst s10  }
0x32: {  	s10 =	sld [smem:$0x3FB2];
	_ =	sdelay $0x3  }
0x33: {  	p0 =	seq.s32 s10, $0x1;
	s10 =	sld [smem:$0x3FB4];
	_ =	sdelay $0x3  }
0x34: {  	[smem:$0x3FB4] =	sst s10  }
0x35: {  	s10 =	sld [smem:$0x3FB3];
	_ =	sdelay $0x3  }
0x36: {  	p1 =	seq.s32 s10, $0x1;
	s10 =	sld [smem:$0x3FB4];
	_ =	sdelay $0x3  }
0x37: {  	[smem:$0x3FB4] =	sst s10  }
0x38: {  	s10 =	sld [smem:$0x3FB5]  }
0x39: {  	_ = 	snop;
	(pc) =	sbr.ind lr, $3  }
0x3a: {  	_ = 	snop  }
0x3b: {  	_ = 	snop  }
0x3c: {  	p2 =	seq.s32 s10, $0x1;
	s10 =	sld [smem:$0x3FB4]  }
0x3d: {  	_ =	shalt  }
0x3e: {  	_ =	shalt  }
0x3f: {  	_ =	shalt  }
0x40: {  	_ =	shalt  }
0x41: {  	_ =	shalt  }
0x42: {  	_ =	shalt  }
0x43: {  	_ =	shalt  }
0x44: {  	_ =	shalt  }
0x45: {  	_ =	shalt  }
0x46: {  	_ =	shalt  }
0x47: {  	_ =	shalt  }
0x48: {  	_ =	shalt  }
0x49: {  	_ =	shalt  }
0x4a: {  	_ =	shalt  }
0x4b: {  	_ =	shalt  }
0x4c: {  	_ =	shalt  }
0x4d: {  	_ =	shalt  }
0x4e: {  	_ =	shalt  }
0x4f: {  	_ =	shalt  }
0x50: {  	_ =	shalt  }
0x51: {  	_ =	shalt  }
0x52: {  	_ =	shalt  }
0x53: {  	_ =	shalt  }
0x54: {  	_ =	shalt  }
0x55: {  	_ =	shalt  }
0x56: {  	_ =	shalt  }
0x57: {  	_ =	shalt  }
0x58: {  	_ =	shalt  }
0x59: {  	_ =	shalt  }
0x5a: {  	_ =	shalt  }
0x5b: {  	_ =	shalt  }
0x5c: {  	_ =	shalt  }
0x5d: {  	_ =	shalt  }
0x5e: {  	_ =	shalt  }
0x5f: {  	_ =	shalt  }
0x60: {  	_ =	shalt  }
0x61: {  	_ =	shalt  }
0x62: {  	_ =	shalt  }
0x63: {  	_ =	shalt  }
0x64: {  	_ =	shalt  }
0x65: {  	_ =	shalt  }
0x66: {  	_ =	shalt  }
0x67: {  	_ =	shalt  }
0x68: {  	_ =	shalt  }
0x69: {  	_ =	shalt  }
0x6a: {  	_ =	shalt  }
0x6b: {  	_ =	shalt  }
0x6c: {  	_ =	shalt  }
0x6d: {  	_ =	shalt  }
0x6e: {  	_ =	shalt  }
0x6f: {  	_ =	shalt  }
0x70: {  	_ =	shalt  }
0x71: {  	_ =	shalt  }
0x72: {  	_ =	shalt  }
0x73: {  	_ =	shalt  }
0x74: {  	_ =	shalt  }
0x75: {  	_ =	shalt  }
0x76: {  	_ =	shalt  }
0x77: {  	_ =	shalt  }
0x78: {  	_ =	shalt  }
0x79: {  	_ =	shalt  }
0x7a: {  	_ =	shalt  }
0x7b: {  	_ =	shalt  }
0x7c: {  	_ =	shalt  }
0x7d: {  	_ =	shalt  }
0x7e: {  	_ =	shalt  }
0x7f: {  	_ =	shalt  }
0x80: {  	_ =	shalt  }
0x81: {  	_ =	shalt  }
0x82: {  	_ =	shalt  }
0x83: {  	_ =	shalt  }
0x84: {  	_ =	shalt  }
0x85: {  	_ =	shalt  }
0x86: {  	_ =	shalt  }
0x87: {  	_ =	shalt  }
.Lfunc_end0:
.L_simem_size_0:
called_computation.1_lowered:
.L_overlay_start_0:
0x88: {  	s2 =	sld [smem:$0x3FD9]  }
0x89: {  	s3 =	sld [smem:$0x3FFE];
	_ =	sdelay $0x1  }
0x8a: {  	s1 =	srdreg.scid  }
0x8b: {  	s0 =	sand.u32 $0x1, s1  }
0x8c: {  	s17 =	sshll.u32 s0, $0xA;
	s2 =	sadd.s32 s3, s2  }
0x8d: {  	s2 =	sadd.s32 s2, s17  }
0x8e: {  	[smem:$0x3FC0] =	sst s2  }
0x8f: {  	_ = 	snop  }
0x90: {  	s2 =	sld [smem:$0x3FD0];
	(tm) =	ssettm $0x1  }
0x91: {  	s18 =	sld [smem:$0x3FFB];
	_ =	sdelay $0x3  }
0x92: {  	_ =	strace s18  }
0x93: {  	s3 =	sld [smem:$0x3FFC];
	_ =	sdelay $0x3  }
0x94: {  	_ =	strace s3  }
0x95: {  	s3 =	sld [smem:$0x3FFD];
	_ =	sdelay $0x3  }
0x96: {  	_ =	strace s3  }
0x97: {  	_ =	strace $0x8FFFFFFF  }
0x98: {  	s19 =	sld [smem:$0x3FDB];
	_ =	sdelay $0x1  }
0x99: {  	s4 =	simm.s32 $_scs_section_size  }
0x9a: {  	s5 =	simm.s32 $_size__tile_overlayer_lowered;
	s6 =	simm.s32 $_tile_overlayer_lowered  }
0x9b: {  	s22 =	simm.s32 $0x1BFF;
	s21 =	sshll.u32 s6, $0x1;
	s3 =	sadd.s32 s4, s19  }
0x9c: {  	s7 =	simm.s32 $0x0;
	s20 =	sshll.u32 s5, $0x1;
	s5 =	sadd.s32 s21, s3  }
0x9d: {  	[timem:s7], [sflag:s22] =	dma.local [hbm:s5], s20  }
0x9e: {  	_ =	swait.ge [sflag:s22], s20  }
0x9f: {  	s4 =	ssub.s32 $0x0, s20;
	[sflag:s22] =	ssyncset.done $0x0  }
0xa0: {  	[sflag:s22] =	ssyncadd.s32 s4;
	_ =	sdelay $0x1  }
0xa1: {  	s23 =	simm.s32 $0x1B8B  }
0xa2: {  	_ =	swait.ge [sflag:s23], $0x1  }
0xa3: {  	[sflag:s23] =	ssyncset.done $0x0  }
0xa4: {  	s25 =	simm.s32 $0x1B8E;
	s24 =	sld [smem:$0x3FFE];
	[sflag:s23] =	ssyncadd.s32 $0xFFFFFFFF  }
0xa5: {  	s26 =	simm.s32 $execute0_lowered;
	[smem:$0x3FD2] =	sst s25  }
0xa6: {  	s5 =	sshll.u32 s26, $0x1;
	_ =	strace $0x80000049;
	[dreg:$0x1] =	wrdreg $0xFFFFFFFF  }
0xa7: {  	s28 =	simm.s32 $_size_execute0_lowered;
	s3 =	sadd.s32 s3, s5;
	[dreg:$0x0] =	wrdreg $0x0  }
0xa8: {  	s5 =	sshll.u32 s28, $0x1;
	[dreg:$0x2] =	wrdreg s3  }
0xa9: {  	[dreg:$0x3] =	wrdreg s5  }
0xaa: {  	[dreg:$0x4] =	wrdreg $0xC0  }
0xab: {  	_ =	task [dreg:s7], $0x5FFFF  }
0xac: {  	[dreg:$0x1] =	wrdreg $0xFFFFFFFF  }
0xad: {  	[dreg:$0x0] =	wrdreg $0x60  }
0xae: {  	[dreg:$0x2] =	wrdreg s2  }
0xaf: {  	[dreg:$0x3] =	wrdreg s24  }
0xb0: {  	[dreg:$0x4] =	wrdreg $0xAC000  }
0xb1: {  	[dreg:$0x5] =	wrdreg $0x9  }
0xb2: {  	_ =	task.clear_ibuf [dreg:s7], $0x6FFFF;
	_ =	strace $0x90000049  }
0xb3: {  	s29 =	simm.s32 $0x9;
	_ =	strace $0x8000004B  }
0xb4: {  	_ =	swait.ge [sflag:s29], $0x1  }
0xb5: {  	[sflag:s29] =	ssyncadd.s32 $0xFFFFFFFF  }
0xb6: {  	_ =	strace $0x9000004B  }
0xb7: {  	_ =	sfence  }
0xb8: {  	s30 =	sld [smem:$0x0];
	_ =	sdelay $0x2  }
0xb9: {  	s31 =	sshll.u32 s1, $0xD;
	s1 =	sshrl.u32 s1, $0x2  }
0xba: {  	s3 =	sand.u32 $0x4000, s31;
	s1 =	sadd.s32 s1, s30  }
0xbb: {  	s0 =	sor.u32 s3, s0;
	s1 =	sshll.u32 s1, $0x11  }
0xbc: {  	s0 =	sor.u32 s1, s0  }
0xbd: {  	s0 =	sadd.s32 $0x8F2B, s0  }
0xbe: {  	[sflag:s0] =	ssyncadd.remote.s32 $0x1  }
0xbf: {  	_ =	sfence.sel $0xFFFF  }
0xc0: {  	[dreg:$0x0] =	wrdreg $0xFFFFFFFF;
	(pc) =	sbr.abs _section_cstart, $3  }
0xc1: {  	[dreg:$0x1] =	wrdreg $0xFFFFFFFF  }
0xc2: {  	_ =	task.clear_ibuf [dreg:s7], $0x2FFFF;
	_ =	strace $0x9FFFFFFF  }
0xc3: {  	(tm) =	ssettm $0x7FFFFFFF  }
tec
execute0_lowered:
.L_overlay_start_1:
0x0: {  	(tag) =	ssettag $0x1  }
0x1: {  	s0 =	rddreg [dreg:$0x0]  }
0x2: {  	s7 =	rddreg [dreg:$0x1];
	s1 =	srdreg.scid  }
0x3: {  	s3 =	rddreg [dreg:$0x2];
	s2 =	stileid.u32  }
0x4: {  	s4 =	simm.s32 $0x0;
	s12 =	simm.s32 $0x5;
	s13 =	simm.s32 $0x1400  }
0x5: {  	s14 =	simm.s32 $0x80;
	s15 =	simm.s32 $0x2800;
	s16 =	simm.s32 $0x6800  }
0x6: {  	s17 =	simm.s32 $0x1;
	s18 =	simm.s32 $0x2;
	s19 =	simm.s32 $0x3  }
0x7: {  	s20 =	simm.s32 $0x4;
	s22 =	simm.s32 $0x2780;
	s24 =	simm.s32 $0x0  }
0x8: {  	s21 =	sand.u32 $0x1, s1;
	s1 =	rddreg [dreg:$0x3];
	s8 =	smul.u32 $0x13C00, s2  }
0x9: {  	[smem:$0x7FF] =	sst s4;
	s5 =	sadd.s32 $0x60C00, s7;
	s9 =	smul.u32 $0x4F000, s2  }
0xa: {  	s23 =	sshll.u32 s2, $0x6;
	s6 =	smul.u32 $0x13C000, s21;
	_ =	strace $0x8000004A  }
0xb: {  	s30 =	ssub.s32 $0x2, s21;
	s31 =	sshll.u32 s21, $0x4;
	p0 =	sne.s32 s21, $0x0  }
0xc: {  	s21 =	simm.s32 $0x2700;
	s23 =	sor.u32 $0x1C05, s23;
	s8 =	sadd.s32 s8, s6  }
0xd: {  	s11 =	sshrl.u32 s30, $0x1;
	s9 =	sshrl.u32 s9, $0x2;
	s8 =	sshrl.u32 s8, $0x3  }
0xe: {  	s6 =	sadd.s32 $0x51C00, s7;
	s10 =	sadd.s32 s8, s7;
	s8 =	sor.u32 s2, s31  }
0xf: {  	s11 =	ssub.s32 s30, s11;
	s7 =	sadd.s32 s9, s3;
	s8 =	smul.u32 $0x3C00, s8  }
0x10: {  	v0 =	vimm.f32 $0.0e+00;
	s9 =	sadd.s32 $0x2C00, s10;
	s10 =	smax.u32 s11, $0x1;
	s11 =	simm.s32 $0xA800  }
.LBB2_1:
0x11: {  	[tilespmem:$0xA800] =	vst v0  }
0x12: {  	[tilespmem:$0xA810] =	vst v0  }
0x13: {  	[tilespmem:$0xA820] =	vst v0  }
0x14: {  	[tilespmem:$0xA830] =	vst v0  }
0x15: {  	[tilespmem:$0xA840] =	vst v0  }
0x16: {  	[tilespmem:$0xA850] =	vst v0  }
0x17: {  	[tilespmem:$0xA860] =	vst v0  }
0x18: {  	[tilespmem:$0xA870] =	vst v0  }
0x19: {  	[tilespmem:$0xA880] =	vst v0  }
0x1a: {  	[tilespmem:$0xA890] =	vst v0  }
0x1b: {  	[tilespmem:$0xA8A0] =	vst v0  }
0x1c: {  	[tilespmem:$0xA8B0] =	vst v0  }
0x1d: {  	[tilespmem:$0xA8C0] =	vst v0  }
0x1e: {  	[tilespmem:$0xA8D0] =	vst v0  }
0x1f: {  	[tilespmem:$0xA8E0] =	vst v0  }
0x20: {  	[tilespmem:$0xA8F0] =	vst v0  }
0x21: {  	[tilespmem:$0xA900] =	vst v0  }
0x22: {  	[tilespmem:$0xA910] =	vst v0  }
0x23: {  	[tilespmem:$0xA920] =	vst v0  }
0x24: {  	[tilespmem:$0xA930] =	vst v0  }
0x25: {  	[tilespmem:$0xA940] =	vst v0  }
0x26: {  	[tilespmem:$0xA950] =	vst v0  }
0x27: {  	[tilespmem:$0xA960] =	vst v0  }
0x28: {  	[tilespmem:$0xA970] =	vst v0  }
0x29: {  	[tilespmem:$0xA980] =	vst v0  }
0x2a: {  	[tilespmem:$0xA990] =	vst v0  }
0x2b: {  	[tilespmem:$0xA9A0] =	vst v0  }
0x2c: {  	[tilespmem:$0xA9B0] =	vst v0  }
0x2d: {  	[tilespmem:$0xA9C0] =	vst v0  }
0x2e: {  	[tilespmem:$0xA9D0] =	vst v0  }
0x2f: {  	[tilespmem:$0xA9E0] =	vst v0  }
0x30: {  	[tilespmem:$0xA9F0] =	vst v0  }
0x31: {  	[tilespmem:$0xAA00] =	vst v0  }
0x32: {  	[tilespmem:$0xAA10] =	vst v0  }
0x33: {  	[tilespmem:$0xAA20] =	vst v0  }
0x34: {  	[tilespmem:$0xAA30] =	vst v0  }
0x35: {  	[tilespmem:$0xAA40] =	vst v0  }
0x36: {  	[tilespmem:$0xAA50] =	vst v0  }
0x37: {  	[tilespmem:$0xAA60] =	vst v0  }
0x38: {  	[tilespmem:$0xAA70] =	vst v0  }
0x39: {  	[tilespmem:$0xAA80] =	vst v0  }
0x3a: {  	[tilespmem:$0xAA90] =	vst v0  }
0x3b: {  	[tilespmem:$0xAAA0] =	vst v0  }
0x3c: {  	[tilespmem:$0xAAB0] =	vst v0  }
0x3d: {  	[tilespmem:$0xAAC0] =	vst v0  }
0x3e: {  	[tilespmem:$0xAAD0] =	vst v0  }
0x3f: {  	[tilespmem:$0xAAE0] =	vst v0  }
0x40: {  	[tilespmem:$0xAAF0] =	vst v0  }
0x41: {  	[tilespmem:$0xAB00] =	vst v0  }
0x42: {  	[tilespmem:$0xAB10] =	vst v0  }
0x43: {  	[tilespmem:$0xAB20] =	vst v0  }
0x44: {  	[tilespmem:$0xAB30] =	vst v0  }
0x45: {  	[tilespmem:$0xAB40] =	vst v0  }
0x46: {  	[tilespmem:$0xAB50] =	vst v0  }
0x47: {  	[tilespmem:$0xAB60] =	vst v0  }
0x48: {  	[tilespmem:$0xAB70] =	vst v0  }
0x49: {  	[tilespmem:$0xAB80] =	vst v0  }
0x4a: {  	[tilespmem:$0xAB90] =	vst v0  }
0x4b: {  	[tilespmem:$0xABA0] =	vst v0  }
0x4c: {  	[tilespmem:$0xABB0] =	vst v0  }
0x4d: {  	[tilespmem:$0xABC0] =	vst v0  }
0x4e: {  	[tilespmem:$0xABD0] =	vst v0  }
0x4f: {  	[tilespmem:$0xABE0] =	vst v0  }
0x50: {  	[tilespmem:$0xABF0] =	vst v0;
	s25 =	sadd.s32 $0x0, s7  }
0x51: {  	[spmem:s25] =	stream.linear.scatter [tilespmem:s11], [sflag:$0x5], $0x400, $0x38;
	[tilespmem:$0x1E800] =	vst v63  }
0x52: {  	s25 =	simm.s32 $0x1000;
	_ =	swait.ge [sflag:s12], $0x400  }
.LBB2_2:
0x53: {  	s26 =	sshra.s32 s25, $0x2;
	[sflag:s12] =	ssyncset.done $0x0;
	p1 =	sne.s32 s25, $0x4E000  }
.Ltmp0:
0x54: {  	s26 =	sadd.s32 s26, s7;
	[sflag:s12] =	ssyncadd.s32 $0xFFFFFC00;
	(pc) =	sbr.rel @p1 .LBB2_2-.Ltmp0, $3  }
0x55: {  	[spmem:s26] =	stream.linear.scatter [tilespmem:s11], [sflag:$0x5], $0x400, $0x38;
	[tilespmem:$0x1E800] =	vst v63  }
0x56: {  	s25 =	sadd.s32 $0x1000, s25;
	_ =	sdelay $0x1  }
0x57: {  	_ =	swait.ge [sflag:s12], $0x400  }
0x58: {  	[sflag:s12] =	ssyncset.done $0x0  }
0x59: {  	[sflag:s12] =	ssyncadd.s32 $0xFFFFFC00  }
0x5a: {  	s25 =	simm.s32 $0x0;
	s26 =	simm.s32 $0x0;
	[bflag:$0x0] =	sbarrier.arrive $0xFFFF  }
.LBB2_4:
0x5b: {  	s28 =	smul.u32 $0x1400, s26;
	_ =	sdelay $0x1  }
0x5c: {  	s28 =	sadd.s32 s8, s28  }
0x5d: {  	s28 =	sshrl.u32 s28, $0x3  }
0x5e: {  	s29 =	sadd.s32 s5, s28  }
0x5f: {  	[tilespmem:s25], [sflag:$0x5] =	stream.linear.gather [hbm4b:s29+s25], $0x1400, $0x38;
	[tilespmem:$0x1E800] =	vst v63  }
0x60: {  	_ =	swait.ge [sflag:s12], $0x1400  }
0x61: {  	[sflag:s12] =	ssyncset.done $0x0  }
0x62: {  	s28 =	sadd.s32 s6, s28;
	[sflag:s12] =	ssyncadd.s32 $0xFFFFEC00  }
0x63: {  	[tilespmem:s13], [sflag:$0x5] =	stream.linear.gather [hbm4b:s28+s25], $0x1400, $0x38;
	[tilespmem:$0x1E800] =	vst v63  }
0x64: {  	_ =	swait.ge [sflag:s12], $0x1400  }
0x65: {  	[sflag:s12] =	ssyncset.done $0x0  }
0x66: {  	[sflag:s12] =	ssyncadd.s32 $0xFFFFEC00  }
0x67: {  	[tilespmem:s15], [sflag:$0x1] =	stream.indirect.gather [hbm4b:s0+s14], $0x80, s25, s14, $0xb8;
	[tilespmem:$0x1E800] =	vst v63  }
0x68: {  	_ = 	snop  }
0x69: {  	[tilespmem:s16], [sflag:$0x2] =	stream.indirect.gather [hbm4b:s0+s14], $0x80, s14, s14, $0xb8;
	[tilespmem:$0x1E800] =	vst v63  }
0x6a: {  	_ =	swait.ge [sflag:s17], $0x4000  }
0x6b: {  	[sflag:s17] =	ssyncset.done $0x0  }
0x6c: {  	s28 =	simm.s32 $0x1400;
	[sflag:s17] =	ssyncadd.s32 $0xFFFFC000  }
0x6d: {  	[spmem:s3] =	stream.indirect.scatter.add.f32 [tilespmem:s15], [sflag:$0x3], $0x80, s28, s14, $0xb8;
	[tilespmem:$0x1E800] =	vst v63  }
0x6e: {  	_ =	swait.ge [sflag:s18], $0x4000  }
0x6f: {  	[sflag:s18] =	ssyncset.done $0x0  }
0x70: {  	s28 =	simm.s32 $0x1480;
	[sflag:s18] =	ssyncadd.s32 $0xFFFFC000  }
0x71: {  	[spmem:s3] =	stream.indirect.scatter.add.f32 [tilespmem:s16], [sflag:$0x4], $0x80, s28, s14, $0xb8;
	[tilespmem:$0x1E800] =	vst v63  }
0x72: {  	_ =	swait.ge [sflag:s19], $0x4000  }
0x73: {  	[sflag:s19] =	ssyncset.done $0x0  }
0x74: {  	s28 =	simm.s32 $0x100;
	[sflag:s19] =	ssyncadd.s32 $0xFFFFC000  }
0x75: {  	[tilespmem:s15], [sflag:$0x1] =	stream.indirect.gather [hbm4b:s0+s14], $0x80, s28, s14, $0xb8;
	[tilespmem:$0x1E800] =	vst v63  }
0x76: {  	_ =	swait.ge [sflag:s20], $0x4000  }
0x77: {  	[sflag:s20] =	ssyncset.done $0x0  }
0x78: {  	s29 =	simm.s32 $0x180;
	s28 =	simm.s32 $0x400;
	[sflag:s20] =	ssyncadd.s32 $0xFFFFC000  }
.LBB2_5:
0x79: {  	[tilespmem:s16], [sflag:$0x2] =	stream.indirect.gather [hbm4b:s0+s14], $0x80, s29, s14, $0xb8;
	[tilespmem:$0x1E800] =	vst v63  }
0x7a: {  	s29 =	smov.u32 s28  }
0x7b: {  	p1 =	sne.s32 s28, $0x4800;
	s28 =	sadd.s32 $0x400, s28;
	_ =	swait.ge [sflag:s17], $0x4000  }
0x7c: {  	s29 =	sshra.s32 s29, $0x2;
	[sflag:s17] =	ssyncset.done $0x0  }
0x7d: {  	s30 =	sadd.s32 $0x1400, s29;
	[sflag:s17] =	ssyncadd.s32 $0xFFFFC000  }
0x7e: {  	[spmem:s3] =	stream.indirect.scatter.add.f32 [tilespmem:s15], [sflag:$0x3], $0x80, s30, s14, $0xb8;
	[tilespmem:$0x1E800] =	vst v63  }
0x7f: {  	_ =	swait.ge [sflag:s18], $0x4000  }
0x80: {  	[sflag:s18] =	ssyncset.done $0x0  }
0x81: {  	s30 =	sadd.s32 $0x1480, s29;
	[sflag:s18] =	ssyncadd.s32 $0xFFFFC000  }
0x82: {  	[spmem:s3] =	stream.indirect.scatter.add.f32 [tilespmem:s16], [sflag:$0x4], $0x80, s30, s14, $0xb8;
	[tilespmem:$0x1E800] =	vst v63  }
0x83: {  	_ =	swait.ge [sflag:s19], $0x4000  }
0x84: {  	[sflag:s19] =	ssyncset.done $0x0  }
.Ltmp1:
0x85: {  	s30 =	sadd.s32 $0x100, s29;
	[sflag:s19] =	ssyncadd.s32 $0xFFFFC000;
	(pc) =	sbr.rel @p1 .LBB2_5-.Ltmp1, $4  }
0x86: {  	[tilespmem:s15], [sflag:$0x1] =	stream.indirect.gather [hbm4b:s0+s14], $0x80, s30, s14, $0xb8;
	[tilespmem:$0x1E800] =	vst v63  }
0x87: {  	_ =	swait.ge [sflag:s20], $0x4000  }
0x88: {  	[sflag:s20] =	ssyncset.done $0x0  }
0x89: {  	s29 =	sadd.s32 $0x180, s29;
	[sflag:s20] =	ssyncadd.s32 $0xFFFFC000  }
0x8a: {  	[tilespmem:s16], [sflag:$0x2] =	stream.indirect.gather [hbm4b:s0+s14], $0x80, s29, s14, $0xb8;
	[tilespmem:$0x1E800] =	vst v63  }
0x8b: {  	_ =	swait.ge [sflag:s17], $0x4000  }
0x8c: {  	[sflag:s17] =	ssyncset.done $0x0  }
0x8d: {  	[sflag:s17] =	ssyncadd.s32 $0xFFFFC000  }
0x8e: {  	[spmem:s3] =	stream.indirect.scatter.add.f32 [tilespmem:s15], [sflag:$0x3], $0x80, s21, s14, $0xb8;
	[tilespmem:$0x1E800] =	vst v63  }
0x8f: {  	_ =	swait.ge [sflag:s18], $0x4000  }
0x90: {  	[sflag:s18] =	ssyncset.done $0x0  }
0x91: {  	[sflag:s18] =	ssyncadd.s32 $0xFFFFC000  }
0x92: {  	[spmem:s3] =	stream.indirect.scatter.add.f32 [tilespmem:s16], [sflag:$0x4], $0x80, s22, s14, $0xb8;
	[tilespmem:$0x1E800] =	vst v63  }
0x93: {  	_ =	swait.ge [sflag:s19], $0x4000  }
0x94: {  	[sflag:s19] =	ssyncset.done $0x0  }
0x95: {  	[sflag:s19] =	ssyncadd.s32 $0xFFFFC000  }
0x96: {  	[tilespmem:s15], [sflag:$0x1] =	stream.indirect.gather [hbm4b:s0+s14], $0x80, s4, s14, $0xb8;
	[tilespmem:$0x1E800] =	vst v63  }
0x97: {  	_ =	swait.ge [sflag:s20], $0x4000  }
0x98: {  	[sflag:s20] =	ssyncset.done $0x0  }
0x99: {  	p1 =	slt.u32 @!p0 s26, $0x2;
	[sflag:s20] =	ssyncadd.s32 $0xFFFFC000  }
0x9a: {  	[tilespmem:s16], [sflag:$0x2] =	stream.indirect.gather [hbm4b:s0+s14], $0x80, s14, s14, $0xb8;
	[tilespmem:$0x1E800] =	vst v63  }
0x9b: {  	p1 =	por p0, !p1;
	_ =	swait.ge [sflag:s17], $0x4000  }
.Ltmp2:
0x9c: {  	[sflag:s17] =	ssyncset.done $0x0;
	(pc) =	sbr.rel @!p1 .LBB2_4-.Ltmp2, $4  }
0x9d: {  	[sflag:s17] =	ssyncadd.s32 $0xFFFFC000  }
0x9e: {  	_ =	swait.ge [sflag:s18], $0x4000  }
0x9f: {  	[sflag:s18] =	ssyncset.done $0x0  }
0xa0: {  	s26 =	sadd.s32 $0x1, s26;
	[sflag:s18] =	ssyncadd.s32 $0xFFFFC000  }
0xa1: {  	s24 =	sadd.s32 $0x1, s24  }
0xa2: {  	p1 =	sne.s32 s24, s10  }
.Ltmp3:
0xa3: {  	[bflag:$0x0] =	sbarrier.arrive $0xFFFF;
	s25 =	sshrl.u32 s7, $0x3;
	(pc) =	sbr.rel @p1 .LBB2_1-.Ltmp3, $4  }
0xa4: {  	[hbm:s9], [sflag:s23] =	dma.local [spmem:s25], $0x2780  }
0xa5: {  	_ =	swait.ge [sflag:s12], $0x2780  }
0xa6: {  	[sflag:s12] =	ssyncset.done $0x0  }
0xa7: {  	[sflag:s12] =	ssyncadd.s32 $0xFFFFD880  }
0xa8: {  	_ =	sfence.sel $0x180000  }
0xa9: {  	[bflag:$0x0] =	sbarrier.arrive $0xFFFF  }
0xaa: {  	p0 =	sne.s32 s2, $0x0;
	_ =	strace $0x9000004A  }
0xab: {  	s0 =	sadd.s32 @!p0 $0x100000, s1;
	[bflag:$0x2] =	sbarrier.arrive $0xFFFF  }
0xac: {  	[sflag:s0] =	ssyncadd.tile.s32 @!p0 $0x1;
	_ =	shalt  }
.Lfunc_end2:
_tile_overlayer_lowered:
.L_overlay_start_2:
0xad: {  	(tag) =	ssettag $0x2  }
0xae: {  	s0 =	rddreg [dreg:$0x0];
	s2 =	stileid.u32  }
0xaf: {  	s1 =	rddreg [dreg:$0x1];
	p0 =	sne.s32 s2, $0x0  }
0xb0: {  	s3 =	rddreg [dreg:$0x2];
	[bflag:$0x3] =	sbarrier.arrive $0xFFFF;
	s2 =	simm.s32 @!p0 $0x1C05  }
0xb1: {  	[timem:s3], [sflag:s2] =	dma.local @!p0 [hbm:s0], s1  }
0xb2: {  	s0 =	simm.s32 @!p0 $0x5  }
0xb3: {  	_ =	swait.ge @!p0 [sflag:s0], s1  }
0xb4: {  	s1 =	ssub.s32 @!p0 $0x0, s1;
	[sflag:s0] =	ssyncset.done @!p0 $0x0  }
0xb5: {  	[sflag:s0] =	ssyncadd.s32 @!p0 s1  }
0xb6: {  	[bflag:$0x3] =	sbarrier.arrive $0xFFFF  }
0xb7: {  	_ =	shalt  }

// kernel: kernel.15.cloned.1.call-start
scs
__scs_entry_jumppad:
0x0: {  	(pc) =	sbr.rel $0x88, $3  }
0x1: {  	(tag) =	ssettag $0x0;
	lr =	simm.s32 $0x1  }
0x2: {  	[smem:$0x3F99] =	sst lr;
	_ =	strace $0xD0000000  }
0x3: {  	_ = 	snop  }
0x4: {  	_ = 	snop  }
0x5: {  	_ = 	snop  }
0x6: {  	_ = 	snop  }
0x7: {  	_ = 	snop  }
__scs_overlays_trampoline_lowered:
0x8: {  	[smem:$0x3FA8] =	sst s0  }
0x9: {  	[smem:$0x3FA9] =	sst s1  }
0xa: {  	[smem:$0x3FAA] =	sst s2  }
0xb: {  	[smem:$0x3FAB] =	sst s3  }
0xc: {  	[smem:$0x3FAC] =	sst s4  }
0xd: {  	[smem:$0x3FAD] =	sst s5  }
0xe: {  	[smem:$0x3FAE] =	sst s6  }
0xf: {  	[smem:$0x3FAF] =	sst s7  }
0x10: {  	[smem:$0x3FB0] =	sst s8  }
0x11: {  	[smem:$0x3FB1] =	sst s9;
	s0 =	simm.s32 @!p0 $0x0  }
0x12: {  	s1 =	sld [smem:$0x3F97];
	s0 =	simm.s32 @p0 $0x1  }
0x13: {  	[smem:$0x3FB2] =	sst s0;
	s0 =	simm.s32 @!p1 $0x0  }
0x14: {  	s2 =	sld [smem:$0x3F96];
	s0 =	simm.s32 @p1 $0x1  }
0x15: {  	[smem:$0x3FB3] =	sst s0;
	s0 =	simm.s32 @!p2 $0x0  }
0x16: {  	s3 =	sld [smem:$0x3FDB];
	s0 =	simm.s32 @p2 $0x1  }
0x17: {  	s4 =	simm.s32 $0x1BF5;
	[smem:$0x3FB5] =	sst s0  }
0x18: {  	s0 =	sld [smem:$0x3F98];
	_ =	swait.ge [sflag:s4], $0x0  }
0x19: {  	s7 =	sld [smem:$0x3F99]  }
0x1a: {  	s8 =	sadd.s32 $0xFFFFE003, lr  }
0x1b: {  	s9 =	sadd.s32 $0xFFFFFEF7, lr;
	s5 =	simm.s32 $0xFFFFFFFF;
	p2 =	slt.u32 s8, $0xFFFFF086  }
0x1c: {  	p1 =	slt.u32 s9, $0xF7A;
	s5 =	simm.s32 @!p2 $0x0  }
0x1d: {  	s5 =	simm.s32 @p1 $0x1;
	p0 =	seq.s32 s7, s2  }
0x1e: {  	s7 =	smul.u32 @!p0 $0xF7A, s2;
	p2 =	seq.s32 @!p0 s5, $0x0  }
0x1f: {  	s9 =	smul.u32 $0xF7A, s1;
	s8 =	simm.s32 @!p0 $0x1BF5;
	p2 =	por !p2, p0  }
0x20: {  	[sflag:s8] =	ssyncset.s32 @!p0 $0xFFFFF086;
	s6 =	sadd.s32 @!p0 s3, s7;
	s7 =	simm.s32 @!p0 $0x108  }
0x21: {  	s3 =	sadd.s32 s3, s9;
	s6 =	sadd.s32 @!p0 $0x88, s6;
	s7 =	simm.s32 @p2 $0x1082  }
0x22: {  	[simem:s7], [sflag:s8] =	dma.local @!p0 [hbm:s6], $0xF7A  }
0x23: {  	s9 =	sor.u32 $0xD0000000, s2;
	s6 =	simm.s32 $0x108;
	_ =	swait.ge @!p0 [sflag:s8], $0x0  }
0x24: {  	s3 =	sadd.s32 $0x88, s3;
	s6 =	simm.s32 @!p1 $0x1082;
	[sflag:s4] =	ssyncset.s32 $0xFFFFF086  }
0x25: {  	[simem:s6], [sflag:s4] =	dma.local [hbm:s3], $0xF7A  }
0x26: {  	[smem:$0x3F99] =	sst s1;
	(tag) =	ssettag s2;
	_ =	strace s9  }
0x27: {  	s1 =	sld [smem:$0x3FA9]  }
0x28: {  	s2 =	sld [smem:$0x3FAA]  }
0x29: {  	s4 =	sld [smem:$0x3FAC]  }
0x2a: {  	p0 =	seq.s32 s5, $0x0;
	s5 =	sld [smem:$0x3FAD]  }
0x2b: {  	s6 =	sld [smem:$0x3FAE]  }
0x2c: {  	s7 =	sld [smem:$0x3FAF]  }
0x2d: {  	s3 =	simm.s32 $0x108;
	s8 =	sld [smem:$0x3FB0]  }
0x2e: {  	s3 =	simm.s32 @!p0 $0x1082;
	s9 =	sld [smem:$0x3FB1]  }
0x2f: {  	lr =	sadd.s32 s0, s3;
	s0 =	sld [smem:$0x3FA8]  }
0x30: {  	s3 =	sld [smem:$0x3FAB]  }
0x31: {  	[smem:$0x3FB4] =	sst s10  }
0x32: {  	s10 =	sld [smem:$0x3FB2];
	_ =	sdelay $0x3  }
0x33: {  	p0 =	seq.s32 s10, $0x1;
	s10 =	sld [smem:$0x3FB4];
	_ =	sdelay $0x3  }
0x34: {  	[smem:$0x3FB4] =	sst s10  }
0x35: {  	s10 =	sld [smem:$0x3FB3];
	_ =	sdelay $0x3  }
0x36: {  	p1 =	seq.s32 s10, $0x1;
	s10 =	sld [smem:$0x3FB4];
	_ =	sdelay $0x3  }
0x37: {  	[smem:$0x3FB4] =	sst s10  }
0x38: {  	s10 =	sld [smem:$0x3FB5]  }
0x39: {  	_ = 	snop;
	(pc) =	sbr.ind lr, $3  }
0x3a: {  	_ = 	snop  }
0x3b: {  	_ = 	snop  }
0x3c: {  	p2 =	seq.s32 s10, $0x1;
	s10 =	sld [smem:$0x3FB4]  }
0x3d: {  	_ =	shalt  }
0x3e: {  	_ =	shalt  }
0x3f: {  	_ =	shalt  }
0x40: {  	_ =	shalt  }
0x41: {  	_ =	shalt  }
0x42: {  	_ =	shalt  }
0x43: {  	_ =	shalt  }
0x44: {  	_ =	shalt  }
0x45: {  	_ =	shalt  }
0x46: {  	_ =	shalt  }
0x47: {  	_ =	shalt  }
0x48: {  	_ =	shalt  }
0x49: {  	_ =	shalt  }
0x4a: {  	_ =	shalt  }
0x4b: {  	_ =	shalt  }
0x4c: {  	_ =	shalt  }
0x4d: {  	_ =	shalt  }
0x4e: {  	_ =	shalt  }
0x4f: {  	_ =	shalt  }
0x50: {  	_ =	shalt  }
0x51: {  	_ =	shalt  }
0x52: {  	_ =	shalt  }
0x53: {  	_ =	shalt  }
0x54: {  	_ =	shalt  }
0x55: {  	_ =	shalt  }
0x56: {  	_ =	shalt  }
0x57: {  	_ =	shalt  }
0x58: {  	_ =	shalt  }
0x59: {  	_ =	shalt  }
0x5a: {  	_ =	shalt  }
0x5b: {  	_ =	shalt  }
0x5c: {  	_ =	shalt  }
0x5d: {  	_ =	shalt  }
0x5e: {  	_ =	shalt  }
0x5f: {  	_ =	shalt  }
0x60: {  	_ =	shalt  }
0x61: {  	_ =	shalt  }
0x62: {  	_ =	shalt  }
0x63: {  	_ =	shalt  }
0x64: {  	_ =	shalt  }
0x65: {  	_ =	shalt  }
0x66: {  	_ =	shalt  }
0x67: {  	_ =	shalt  }
0x68: {  	_ =	shalt  }
0x69: {  	_ =	shalt  }
0x6a: {  	_ =	shalt  }
0x6b: {  	_ =	shalt  }
0x6c: {  	_ =	shalt  }
0x6d: {  	_ =	shalt  }
0x6e: {  	_ =	shalt  }
0x6f: {  	_ =	shalt  }
0x70: {  	_ =	shalt  }
0x71: {  	_ =	shalt  }
0x72: {  	_ =	shalt  }
0x73: {  	_ =	shalt  }
0x74: {  	_ =	shalt  }
0x75: {  	_ =	shalt  }
0x76: {  	_ =	shalt  }
0x77: {  	_ =	shalt  }
0x78: {  	_ =	shalt  }
0x79: {  	_ =	shalt  }
0x7a: {  	_ =	shalt  }
0x7b: {  	_ =	shalt  }
0x7c: {  	_ =	shalt  }
0x7d: {  	_ =	shalt  }
0x7e: {  	_ =	shalt  }
0x7f: {  	_ =	shalt  }
0x80: {  	_ =	shalt  }
0x81: {  	_ =	shalt  }
0x82: {  	_ =	shalt  }
0x83: {  	_ =	shalt  }
0x84: {  	_ =	shalt  }
0x85: {  	_ =	shalt  }
0x86: {  	_ =	shalt  }
0x87: {  	_ =	shalt  }
.Lfunc_end0:
.L_simem_size_0:
called_computation.2_lowered:
.L_overlay_start_0:
0x88: {  	s2 =	sld [smem:$0x3FD9]  }
0x89: {  	s3 =	sld [smem:$0x3FFE];
	_ =	sdelay $0x1  }
0x8a: {  	s1 =	srdreg.scid  }
0x8b: {  	s0 =	sand.u32 $0x1, s1  }
0x8c: {  	s17 =	sshll.u32 s0, $0xA;
	s2 =	sadd.s32 s3, s2  }
0x8d: {  	s2 =	sadd.s32 s2, s17  }
0x8e: {  	[smem:$0x3FC0] =	sst s2  }
0x8f: {  	_ = 	snop  }
0x90: {  	s2 =	sld [smem:$0x3FD0];
	(tm) =	ssettm $0x1  }
0x91: {  	s18 =	sld [smem:$0x3FFB];
	_ =	sdelay $0x3  }
0x92: {  	_ =	strace s18  }
0x93: {  	s3 =	sld [smem:$0x3FFC];
	_ =	sdelay $0x3  }
0x94: {  	_ =	strace s3  }
0x95: {  	s3 =	sld [smem:$0x3FFD];
	_ =	sdelay $0x3  }
0x96: {  	_ =	strace s3  }
0x97: {  	_ =	strace $0x8FFFFFFF  }
0x98: {  	s19 =	sld [smem:$0x3FDB];
	_ =	sdelay $0x1  }
0x99: {  	s4 =	simm.s32 $_scs_section_size  }
0x9a: {  	s5 =	simm.s32 $_size__tile_overlayer_lowered;
	s6 =	simm.s32 $_tile_overlayer_lowered  }
0x9b: {  	s22 =	simm.s32 $0x1BFF;
	s21 =	sshll.u32 s6, $0x1;
	s3 =	sadd.s32 s4, s19  }
0x9c: {  	s7 =	simm.s32 $0x0;
	s20 =	sshll.u32 s5, $0x1;
	s5 =	sadd.s32 s21, s3  }
0x9d: {  	[timem:s7], [sflag:s22] =	dma.local [hbm:s5], s20  }
0x9e: {  	_ =	swait.ge [sflag:s22], s20  }
0x9f: {  	s4 =	ssub.s32 $0x0, s20;
	[sflag:s22] =	ssyncset.done $0x0  }
0xa0: {  	[sflag:s22] =	ssyncadd.s32 s4;
	_ =	sdelay $0x1  }
0xa1: {  	s23 =	simm.s32 $0x1B8B  }
0xa2: {  	_ =	swait.ge [sflag:s23], $0x1  }
0xa3: {  	[sflag:s23] =	ssyncset.done $0x0  }
0xa4: {  	s25 =	simm.s32 $0x1B8E;
	s24 =	sld [smem:$0x3FFE];
	[sflag:s23] =	ssyncadd.s32 $0xFFFFFFFF  }
0xa5: {  	s26 =	simm.s32 $execute0_lowered;
	[smem:$0x3FD2] =	sst s25  }
0xa6: {  	s5 =	sshll.u32 s26, $0x1;
	_ =	strace $0x8000004C;
	[dreg:$0x1] =	wrdreg $0xFFFFFFFF  }
0xa7: {  	s28 =	simm.s32 $_size_execute0_lowered;
	s3 =	sadd.s32 s3, s5;
	[dreg:$0x0] =	wrdreg $0x0  }
0xa8: {  	s5 =	sshll.u32 s28, $0x1;
	[dreg:$0x2] =	wrdreg s3  }
0xa9: {  	[dreg:$0x3] =	wrdreg s5  }
0xaa: {  	[dreg:$0x4] =	wrdreg $0xC0  }
0xab: {  	_ =	task [dreg:s7], $0x5FFFF  }
0xac: {  	[dreg:$0x1] =	wrdreg $0xFFFFFFFF  }
0xad: {  	[dreg:$0x0] =	wrdreg $0x60  }
0xae: {  	[dreg:$0x2] =	wrdreg s2  }
0xaf: {  	[dreg:$0x3] =	wrdreg s24  }
0xb0: {  	[dreg:$0x4] =	wrdreg $0xAC000  }
0xb1: {  	[dreg:$0x5] =	wrdreg $0x9  }
0xb2: {  	_ =	task.clear_ibuf [dreg:s7], $0x6FFFF;
	_ =	strace $0x9000004C  }
0xb3: {  	s29 =	simm.s32 $0x9;
	_ =	strace $0x8000004E  }
0xb4: {  	_ =	swait.ge [sflag:s29], $0x1  }
0xb5: {  	[sflag:s29] =	ssyncadd.s32 $0xFFFFFFFF  }
0xb6: {  	_ =	strace $0x9000004E  }
0xb7: {  	_ =	sfence  }
0xb8: {  	s30 =	sld [smem:$0x0];
	_ =	sdelay $0x2  }
0xb9: {  	s31 =	sshll.u32 s1, $0xD;
	s1 =	sshrl.u32 s1, $0x2  }
0xba: {  	s3 =	sand.u32 $0x4000, s31;
	s1 =	sadd.s32 s1, s30  }
0xbb: {  	s0 =	sor.u32 s3, s0;
	s1 =	sshll.u32 s1, $0x11  }
0xbc: {  	s0 =	sor.u32 s1, s0  }
0xbd: {  	s0 =	sadd.s32 $0x8F2B, s0  }
0xbe: {  	[sflag:s0] =	ssyncadd.remote.s32 $0x1  }
0xbf: {  	_ =	sfence.sel $0xFFFF  }
0xc0: {  	[dreg:$0x0] =	wrdreg $0xFFFFFFFF;
	(pc) =	sbr.abs _section_cstart, $3  }
0xc1: {  	[dreg:$0x1] =	wrdreg $0xFFFFFFFF  }
0xc2: {  	_ =	task.clear_ibuf [dreg:s7], $0x2FFFF;
	_ =	strace $0x9FFFFFFF  }
0xc3: {  	(tm) =	ssettm $0x7FFFFFFF  }
tec
execute0_lowered:
.L_overlay_start_1:
0x0: {  	(tag) =	ssettag $0x1  }
0x1: {  	s0 =	rddreg [dreg:$0x0]  }
0x2: {  	s7 =	rddreg [dreg:$0x1];
	s1 =	srdreg.scid  }
0x3: {  	s3 =	rddreg [dreg:$0x2];
	s2 =	stileid.u32  }
0x4: {  	s4 =	simm.s32 $0x0;
	s12 =	simm.s32 $0x5;
	s13 =	simm.s32 $0x1400  }
0x5: {  	s14 =	simm.s32 $0x80;
	s15 =	simm.s32 $0x2800;
	s16 =	simm.s32 $0x6800  }
0x6: {  	s17 =	simm.s32 $0x1;
	s18 =	simm.s32 $0x2;
	s19 =	simm.s32 $0x3  }
0x7: {  	s20 =	simm.s32 $0x4;
	s22 =	simm.s32 $0x2780;
	s24 =	simm.s32 $0x0  }
0x8: {  	s21 =	sand.u32 $0x1, s1;
	s1 =	rddreg [dreg:$0x3];
	s8 =	smul.u32 $0x13C00, s2  }
0x9: {  	[smem:$0x7FF] =	sst s4;
	s5 =	sadd.s32 $0x60C00, s7;
	s9 =	smul.u32 $0x4F000, s2  }
0xa: {  	s23 =	sshll.u32 s2, $0x6;
	s6 =	smul.u32 $0x13C000, s21;
	_ =	strace $0x8000004D  }
0xb: {  	s30 =	ssub.s32 $0x2, s21;
	s31 =	sshll.u32 s21, $0x4;
	p0 =	sne.s32 s21, $0x0  }
0xc: {  	s21 =	simm.s32 $0x2700;
	s23 =	sor.u32 $0x1C05, s23;
	s8 =	sadd.s32 s8, s6  }
0xd: {  	s11 =	sshrl.u32 s30, $0x1;
	s9 =	sshrl.u32 s9, $0x2;
	s8 =	sshrl.u32 s8, $0x3  }
0xe: {  	s6 =	sadd.s32 $0x51C00, s7;
	s10 =	sadd.s32 s8, s7;
	s8 =	sor.u32 s2, s31  }
0xf: {  	s11 =	ssub.s32 s30, s11;
	s7 =	sadd.s32 s9, s3;
	s8 =	smul.u32 $0x3C00, s8  }
0x10: {  	v0 =	vimm.f32 $0.0e+00;
	s9 =	sadd.s32 $0x2C00, s10;
	s10 =	smax.u32 s11, $0x1;
	s11 =	simm.s32 $0xA800  }
.LBB2_1:
0x11: {  	[tilespmem:$0xA800] =	vst v0  }
0x12: {  	[tilespmem:$0xA810] =	vst v0  }
0x13: {  	[tilespmem:$0xA820] =	vst v0  }
0x14: {  	[tilespmem:$0xA830] =	vst v0  }
0x15: {  	[tilespmem:$0xA840] =	vst v0  }
0x16: {  	[tilespmem:$0xA850] =	vst v0  }
0x17: {  	[tilespmem:$0xA860] =	vst v0  }
0x18: {  	[tilespmem:$0xA870] =	vst v0  }
0x19: {  	[tilespmem:$0xA880] =	vst v0  }
0x1a: {  	[tilespmem:$0xA890] =	vst v0  }
0x1b: {  	[tilespmem:$0xA8A0] =	vst v0  }
0x1c: {  	[tilespmem:$0xA8B0] =	vst v0  }
0x1d: {  	[tilespmem:$0xA8C0] =	vst v0  }
0x1e: {  	[tilespmem:$0xA8D0] =	vst v0  }
0x1f: {  	[tilespmem:$0xA8E0] =	vst v0  }
0x20: {  	[tilespmem:$0xA8F0] =	vst v0  }
0x21: {  	[tilespmem:$0xA900] =	vst v0  }
0x22: {  	[tilespmem:$0xA910] =	vst v0  }
0x23: {  	[tilespmem:$0xA920] =	vst v0  }
0x24: {  	[tilespmem:$0xA930] =	vst v0  }
0x25: {  	[tilespmem:$0xA940] =	vst v0  }
0x26: {  	[tilespmem:$0xA950] =	vst v0  }
0x27: {  	[tilespmem:$0xA960] =	vst v0  }
0x28: {  	[tilespmem:$0xA970] =	vst v0  }
0x29: {  	[tilespmem:$0xA980] =	vst v0  }
0x2a: {  	[tilespmem:$0xA990] =	vst v0  }
0x2b: {  	[tilespmem:$0xA9A0] =	vst v0  }
0x2c: {  	[tilespmem:$0xA9B0] =	vst v0  }
0x2d: {  	[tilespmem:$0xA9C0] =	vst v0  }
0x2e: {  	[tilespmem:$0xA9D0] =	vst v0  }
0x2f: {  	[tilespmem:$0xA9E0] =	vst v0  }
0x30: {  	[tilespmem:$0xA9F0] =	vst v0  }
0x31: {  	[tilespmem:$0xAA00] =	vst v0  }
0x32: {  	[tilespmem:$0xAA10] =	vst v0  }
0x33: {  	[tilespmem:$0xAA20] =	vst v0  }
0x34: {  	[tilespmem:$0xAA30] =	vst v0  }
0x35: {  	[tilespmem:$0xAA40] =	vst v0  }
0x36: {  	[tilespmem:$0xAA50] =	vst v0  }
0x37: {  	[tilespmem:$0xAA60] =	vst v0  }
0x38: {  	[tilespmem:$0xAA70] =	vst v0  }
0x39: {  	[tilespmem:$0xAA80] =	vst v0  }
0x3a: {  	[tilespmem:$0xAA90] =	vst v0  }
0x3b: {  	[tilespmem:$0xAAA0] =	vst v0  }
0x3c: {  	[tilespmem:$0xAAB0] =	vst v0  }
0x3d: {  	[tilespmem:$0xAAC0] =	vst v0  }
0x3e: {  	[tilespmem:$0xAAD0] =	vst v0  }
0x3f: {  	[tilespmem:$0xAAE0] =	vst v0  }
0x40: {  	[tilespmem:$0xAAF0] =	vst v0  }
0x41: {  	[tilespmem:$0xAB00] =	vst v0  }
0x42: {  	[tilespmem:$0xAB10] =	vst v0  }
0x43: {  	[tilespmem:$0xAB20] =	vst v0  }
0x44: {  	[tilespmem:$0xAB30] =	vst v0  }
0x45: {  	[tilespmem:$0xAB40] =	vst v0  }
0x46: {  	[tilespmem:$0xAB50] =	vst v0  }
0x47: {  	[tilespmem:$0xAB60] =	vst v0  }
0x48: {  	[tilespmem:$0xAB70] =	vst v0  }
0x49: {  	[tilespmem:$0xAB80] =	vst v0  }
0x4a: {  	[tilespmem:$0xAB90] =	vst v0  }
0x4b: {  	[tilespmem:$0xABA0] =	vst v0  }
0x4c: {  	[tilespmem:$0xABB0] =	vst v0  }
0x4d: {  	[tilespmem:$0xABC0] =	vst v0  }
0x4e: {  	[tilespmem:$0xABD0] =	vst v0  }
0x4f: {  	[tilespmem:$0xABE0] =	vst v0  }
0x50: {  	[tilespmem:$0xABF0] =	vst v0;
	s25 =	sadd.s32 $0x0, s7  }
0x51: {  	[spmem:s25] =	stream.linear.scatter [tilespmem:s11], [sflag:$0x5], $0x400, $0x38;
	[tilespmem:$0x1E800] =	vst v63  }
0x52: {  	s25 =	simm.s32 $0x1000;
	_ =	swait.ge [sflag:s12], $0x400  }
.LBB2_2:
0x53: {  	s26 =	sshra.s32 s25, $0x2;
	[sflag:s12] =	ssyncset.done $0x0;
	p1 =	sne.s32 s25, $0x4E000  }
.Ltmp0:
0x54: {  	s26 =	sadd.s32 s26, s7;
	[sflag:s12] =	ssyncadd.s32 $0xFFFFFC00;
	(pc) =	sbr.rel @p1 .LBB2_2-.Ltmp0, $3  }
0x55: {  	[spmem:s26] =	stream.linear.scatter [tilespmem:s11], [sflag:$0x5], $0x400, $0x38;
	[tilespmem:$0x1E800] =	vst v63  }
0x56: {  	s25 =	sadd.s32 $0x1000, s25;
	_ =	sdelay $0x1  }
0x57: {  	_ =	swait.ge [sflag:s12], $0x400  }
0x58: {  	[sflag:s12] =	ssyncset.done $0x0  }
0x59: {  	[sflag:s12] =	ssyncadd.s32 $0xFFFFFC00  }
0x5a: {  	s25 =	simm.s32 $0x0;
	s26 =	simm.s32 $0x0;
	[bflag:$0x0] =	sbarrier.arrive $0xFFFF  }
.LBB2_4:
0x5b: {  	s28 =	smul.u32 $0x1400, s26;
	_ =	sdelay $0x1  }
0x5c: {  	s28 =	sadd.s32 s8, s28  }
0x5d: {  	s28 =	sshrl.u32 s28, $0x3  }
0x5e: {  	s29 =	sadd.s32 s5, s28  }
0x5f: {  	[tilespmem:s25], [sflag:$0x5] =	stream.linear.gather [hbm4b:s29+s25], $0x1400, $0x38;
	[tilespmem:$0x1E800] =	vst v63  }
0x60: {  	_ =	swait.ge [sflag:s12], $0x1400  }
0x61: {  	[sflag:s12] =	ssyncset.done $0x0  }
0x62: {  	s28 =	sadd.s32 s6, s28;
	[sflag:s12] =	ssyncadd.s32 $0xFFFFEC00  }
0x63: {  	[tilespmem:s13], [sflag:$0x5] =	stream.linear.gather [hbm4b:s28+s25], $0x1400, $0x38;
	[tilespmem:$0x1E800] =	vst v63  }
0x64: {  	_ =	swait.ge [sflag:s12], $0x1400  }
0x65: {  	[sflag:s12] =	ssyncset.done $0x0  }
0x66: {  	[sflag:s12] =	ssyncadd.s32 $0xFFFFEC00  }
0x67: {  	[tilespmem:s15], [sflag:$0x1] =	stream.indirect.gather [hbm4b:s0+s14], $0x80, s25, s14, $0xb8;
	[tilespmem:$0x1E800] =	vst v63  }
0x68: {  	_ = 	snop  }
0x69: {  	[tilespmem:s16], [sflag:$0x2] =	stream.indirect.gather [hbm4b:s0+s14], $0x80, s14, s14, $0xb8;
	[tilespmem:$0x1E800] =	vst v63  }
0x6a: {  	_ =	swait.ge [sflag:s17], $0x4000  }
0x6b: {  	[sflag:s17] =	ssyncset.done $0x0  }
0x6c: {  	s28 =	simm.s32 $0x1400;
	[sflag:s17] =	ssyncadd.s32 $0xFFFFC000  }
0x6d: {  	[spmem:s3] =	stream.indirect.scatter.add.f32 [tilespmem:s15], [sflag:$0x3], $0x80, s28, s14, $0xb8;
	[tilespmem:$0x1E800] =	vst v63  }
0x6e: {  	_ =	swait.ge [sflag:s18], $0x4000  }
0x6f: {  	[sflag:s18] =	ssyncset.done $0x0  }
0x70: {  	s28 =	simm.s32 $0x1480;
	[sflag:s18] =	ssyncadd.s32 $0xFFFFC000  }
0x71: {  	[spmem:s3] =	stream.indirect.scatter.add.f32 [tilespmem:s16], [sflag:$0x4], $0x80, s28, s14, $0xb8;
	[tilespmem:$0x1E800] =	vst v63  }
0x72: {  	_ =	swait.ge [sflag:s19], $0x4000  }
0x73: {  	[sflag:s19] =	ssyncset.done $0x0  }
0x74: {  	s28 =	simm.s32 $0x100;
	[sflag:s19] =	ssyncadd.s32 $0xFFFFC000  }
0x75: {  	[tilespmem:s15], [sflag:$0x1] =	stream.indirect.gather [hbm4b:s0+s14], $0x80, s28, s14, $0xb8;
	[tilespmem:$0x1E800] =	vst v63  }
0x76: {  	_ =	swait.ge [sflag:s20], $0x4000  }
0x77: {  	[sflag:s20] =	ssyncset.done $0x0  }
0x78: {  	s29 =	simm.s32 $0x180;
	s28 =	simm.s32 $0x400;
	[sflag:s20] =	ssyncadd.s32 $0xFFFFC000  }
.LBB2_5:
0x79: {  	[tilespmem:s16], [sflag:$0x2] =	stream.indirect.gather [hbm4b:s0+s14], $0x80, s29, s14, $0xb8;
	[tilespmem:$0x1E800] =	vst v63  }
0x7a: {  	s29 =	smov.u32 s28  }
0x7b: {  	p1 =	sne.s32 s28, $0x4800;
	s28 =	sadd.s32 $0x400, s28;
	_ =	swait.ge [sflag:s17], $0x4000  }
0x7c: {  	s29 =	sshra.s32 s29, $0x2;
	[sflag:s17] =	ssyncset.done $0x0  }
0x7d: {  	s30 =	sadd.s32 $0x1400, s29;
	[sflag:s17] =	ssyncadd.s32 $0xFFFFC000  }
0x7e: {  	[spmem:s3] =	stream.indirect.scatter.add.f32 [tilespmem:s15], [sflag:$0x3], $0x80, s30, s14, $0xb8;
	[tilespmem:$0x1E800] =	vst v63  }
0x7f: {  	_ =	swait.ge [sflag:s18], $0x4000  }
0x80: {  	[sflag:s18] =	ssyncset.done $0x0  }
0x81: {  	s30 =	sadd.s32 $0x1480, s29;
	[sflag:s18] =	ssyncadd.s32 $0xFFFFC000  }
0x82: {  	[spmem:s3] =	stream.indirect.scatter.add.f32 [tilespmem:s16], [sflag:$0x4], $0x80, s30, s14, $0xb8;
	[tilespmem:$0x1E800] =	vst v63  }
0x83: {  	_ =	swait.ge [sflag:s19], $0x4000  }
0x84: {  	[sflag:s19] =	ssyncset.done $0x0  }
.Ltmp1:
0x85: {  	s30 =	sadd.s32 $0x100, s29;
	[sflag:s19] =	ssyncadd.s32 $0xFFFFC000;
	(pc) =	sbr.rel @p1 .LBB2_5-.Ltmp1, $4  }
0x86: {  	[tilespmem:s15], [sflag:$0x1] =	stream.indirect.gather [hbm4b:s0+s14], $0x80, s30, s14, $0xb8;
	[tilespmem:$0x1E800] =	vst v63  }
0x87: {  	_ =	swait.ge [sflag:s20], $0x4000  }
0x88: {  	[sflag:s20] =	ssyncset.done $0x0  }
0x89: {  	s29 =	sadd.s32 $0x180, s29;
	[sflag:s20] =	ssyncadd.s32 $0xFFFFC000  }
0x8a: {  	[tilespmem:s16], [sflag:$0x2] =	stream.indirect.gather [hbm4b:s0+s14], $0x80, s29, s14, $0xb8;
	[tilespmem:$0x1E800] =	vst v63  }
0x8b: {  	_ =	swait.ge [sflag:s17], $0x4000  }
0x8c: {  	[sflag:s17] =	ssyncset.done $0x0  }
0x8d: {  	[sflag:s17] =	ssyncadd.s32 $0xFFFFC000  }
0x8e: {  	[spmem:s3] =	stream.indirect.scatter.add.f32 [tilespmem:s15], [sflag:$0x3], $0x80, s21, s14, $0xb8;
	[tilespmem:$0x1E800] =	vst v63  }
0x8f: {  	_ =	swait.ge [sflag:s18], $0x4000  }
0x90: {  	[sflag:s18] =	ssyncset.done $0x0  }
0x91: {  	[sflag:s18] =	ssyncadd.s32 $0xFFFFC000  }
0x92: {  	[spmem:s3] =	stream.indirect.scatter.add.f32 [tilespmem:s16], [sflag:$0x4], $0x80, s22, s14, $0xb8;
	[tilespmem:$0x1E800] =	vst v63  }
0x93: {  	_ =	swait.ge [sflag:s19], $0x4000  }
0x94: {  	[sflag:s19] =	ssyncset.done $0x0  }
0x95: {  	[sflag:s19] =	ssyncadd.s32 $0xFFFFC000  }
0x96: {  	[tilespmem:s15], [sflag:$0x1] =	stream.indirect.gather [hbm4b:s0+s14], $0x80, s4, s14, $0xb8;
	[tilespmem:$0x1E800] =	vst v63  }
0x97: {  	_ =	swait.ge [sflag:s20], $0x4000  }
0x98: {  	[sflag:s20] =	ssyncset.done $0x0  }
0x99: {  	p1 =	slt.u32 @!p0 s26, $0x2;
	[sflag:s20] =	ssyncadd.s32 $0xFFFFC000  }
0x9a: {  	[tilespmem:s16], [sflag:$0x2] =	stream.indirect.gather [hbm4b:s0+s14], $0x80, s14, s14, $0xb8;
	[tilespmem:$0x1E800] =	vst v63  }
0x9b: {  	p1 =	por p0, !p1;
	_ =	swait.ge [sflag:s17], $0x4000  }
.Ltmp2:
0x9c: {  	[sflag:s17] =	ssyncset.done $0x0;
	(pc) =	sbr.rel @!p1 .LBB2_4-.Ltmp2, $4  }
0x9d: {  	[sflag:s17] =	ssyncadd.s32 $0xFFFFC000  }
0x9e: {  	_ =	swait.ge [sflag:s18], $0x4000  }
0x9f: {  	[sflag:s18] =	ssyncset.done $0x0  }
0xa0: {  	s26 =	sadd.s32 $0x1, s26;
	[sflag:s18] =	ssyncadd.s32 $0xFFFFC000  }
0xa1: {  	s24 =	sadd.s32 $0x1, s24  }
0xa2: {  	p1 =	sne.s32 s24, s10  }
.Ltmp3:
0xa3: {  	[bflag:$0x0] =	sbarrier.arrive $0xFFFF;
	s25 =	sshrl.u32 s7, $0x3;
	(pc) =	sbr.rel @p1 .LBB2_1-.Ltmp3, $4  }
0xa4: {  	[hbm:s9], [sflag:s23] =	dma.local [spmem:s25], $0x2780  }
0xa5: {  	_ =	swait.ge [sflag:s12], $0x2780  }
0xa6: {  	[sflag:s12] =	ssyncset.done $0x0  }
0xa7: {  	[sflag:s12] =	ssyncadd.s32 $0xFFFFD880  }
0xa8: {  	_ =	sfence.sel $0x180000  }
0xa9: {  	[bflag:$0x0] =	sbarrier.arrive $0xFFFF  }
0xaa: {  	p0 =	sne.s32 s2, $0x0;
	_ =	strace $0x9000004D  }
0xab: {  	s0 =	sadd.s32 @!p0 $0x100000, s1;
	[bflag:$0x2] =	sbarrier.arrive $0xFFFF  }
0xac: {  	[sflag:s0] =	ssyncadd.tile.s32 @!p0 $0x1;
	_ =	shalt  }
.Lfunc_end2:
_tile_overlayer_lowered:
.L_overlay_start_2:
0xad: {  	(tag) =	ssettag $0x2  }
0xae: {  	s0 =	rddreg [dreg:$0x0];
	s2 =	stileid.u32  }
0xaf: {  	s1 =	rddreg [dreg:$0x1];
	p0 =	sne.s32 s2, $0x0  }
0xb0: {  	s3 =	rddreg [dreg:$0x2];
	[bflag:$0x3] =	sbarrier.arrive $0xFFFF;
	s2 =	simm.s32 @!p0 $0x1C05  }
0xb1: {  	[timem:s3], [sflag:s2] =	dma.local @!p0 [hbm:s0], s1  }
0xb2: {  	s0 =	simm.s32 @!p0 $0x5  }
0xb3: {  	_ =	swait.ge @!p0 [sflag:s0], s1  }
0xb4: {  	s1 =	ssub.s32 @!p0 $0x0, s1;
	[sflag:s0] =	ssyncset.done @!p0 $0x0  }
0xb5: {  	[sflag:s0] =	ssyncadd.s32 @!p0 s1  }
0xb6: {  	[bflag:$0x3] =	sbarrier.arrive $0xFFFF  }
0xb7: {  	_ =	shalt  }

// kernel: kernel.9.cloned.1.call-start
scs
__scs_entry_jumppad:
0x0: {  	(pc) =	sbr.rel $0x88, $3  }
0x1: {  	(tag) =	ssettag $0x0;
	lr =	simm.s32 $0x1  }
0x2: {  	[smem:$0x3F99] =	sst lr;
	_ =	strace $0xD0000000  }
0x3: {  	_ = 	snop  }
0x4: {  	_ = 	snop  }
0x5: {  	_ = 	snop  }
0x6: {  	_ = 	snop  }
0x7: {  	_ = 	snop  }
__scs_overlays_trampoline_lowered:
0x8: {  	[smem:$0x3FA8] =	sst s0  }
0x9: {  	[smem:$0x3FA9] =	sst s1  }
0xa: {  	[smem:$0x3FAA] =	sst s2  }
0xb: {  	[smem:$0x3FAB] =	sst s3  }
0xc: {  	[smem:$0x3FAC] =	sst s4  }
0xd: {  	[smem:$0x3FAD] =	sst s5  }
0xe: {  	[smem:$0x3FAE] =	sst s6  }
0xf: {  	[smem:$0x3FAF] =	sst s7  }
0x10: {  	[smem:$0x3FB0] =	sst s8  }
0x11: {  	[smem:$0x3FB1] =	sst s9;
	s0 =	simm.s32 @!p0 $0x0  }
0x12: {  	s1 =	sld [smem:$0x3F97];
	s0 =	simm.s32 @p0 $0x1  }
0x13: {  	[smem:$0x3FB2] =	sst s0;
	s0 =	simm.s32 @!p1 $0x0  }
0x14: {  	s2 =	sld [smem:$0x3F96];
	s0 =	simm.s32 @p1 $0x1  }
0x15: {  	[smem:$0x3FB3] =	sst s0;
	s0 =	simm.s32 @!p2 $0x0  }
0x16: {  	s3 =	sld [smem:$0x3FDB];
	s0 =	simm.s32 @p2 $0x1  }
0x17: {  	s4 =	simm.s32 $0x1BF5;
	[smem:$0x3FB5] =	sst s0  }
0x18: {  	s0 =	sld [smem:$0x3F98];
	_ =	swait.ge [sflag:s4], $0x0  }
0x19: {  	s7 =	sld [smem:$0x3F99]  }
0x1a: {  	s8 =	sadd.s32 $0xFFFFE003, lr  }
0x1b: {  	s9 =	sadd.s32 $0xFFFFFEF7, lr;
	s5 =	simm.s32 $0xFFFFFFFF;
	p2 =	slt.u32 s8, $0xFFFFF086  }
0x1c: {  	p1 =	slt.u32 s9, $0xF7A;
	s5 =	simm.s32 @!p2 $0x0  }
0x1d: {  	s5 =	simm.s32 @p1 $0x1;
	p0 =	seq.s32 s7, s2  }
0x1e: {  	s7 =	smul.u32 @!p0 $0xF7A, s2;
	p2 =	seq.s32 @!p0 s5, $0x0  }
0x1f: {  	s9 =	smul.u32 $0xF7A, s1;
	s8 =	simm.s32 @!p0 $0x1BF5;
	p2 =	por !p2, p0  }
0x20: {  	[sflag:s8] =	ssyncset.s32 @!p0 $0xFFFFF086;
	s6 =	sadd.s32 @!p0 s3, s7;
	s7 =	simm.s32 @!p0 $0x108  }
0x21: {  	s3 =	sadd.s32 s3, s9;
	s6 =	sadd.s32 @!p0 $0x88, s6;
	s7 =	simm.s32 @p2 $0x1082  }
0x22: {  	[simem:s7], [sflag:s8] =	dma.local @!p0 [hbm:s6], $0xF7A  }
0x23: {  	s9 =	sor.u32 $0xD0000000, s2;
	s6 =	simm.s32 $0x108;
	_ =	swait.ge @!p0 [sflag:s8], $0x0  }
0x24: {  	s3 =	sadd.s32 $0x88, s3;
	s6 =	simm.s32 @!p1 $0x1082;
	[sflag:s4] =	ssyncset.s32 $0xFFFFF086  }
0x25: {  	[simem:s6], [sflag:s4] =	dma.local [hbm:s3], $0xF7A  }
0x26: {  	[smem:$0x3F99] =	sst s1;
	(tag) =	ssettag s2;
	_ =	strace s9  }
0x27: {  	s1 =	sld [smem:$0x3FA9]  }
0x28: {  	s2 =	sld [smem:$0x3FAA]  }
0x29: {  	s4 =	sld [smem:$0x3FAC]  }
0x2a: {  	p0 =	seq.s32 s5, $0x0;
	s5 =	sld [smem:$0x3FAD]  }
0x2b: {  	s6 =	sld [smem:$0x3FAE]  }
0x2c: {  	s7 =	sld [smem:$0x3FAF]  }
0x2d: {  	s3 =	simm.s32 $0x108;
	s8 =	sld [smem:$0x3FB0]  }
0x2e: {  	s3 =	simm.s32 @!p0 $0x1082;
	s9 =	sld [smem:$0x3FB1]  }
0x2f: {  	lr =	sadd.s32 s0, s3;
	s0 =	sld [smem:$0x3FA8]  }
0x30: {  	s3 =	sld [smem:$0x3FAB]  }
0x31: {  	[smem:$0x3FB4] =	sst s10  }
0x32: {  	s10 =	sld [smem:$0x3FB2];
	_ =	sdelay $0x3  }
0x33: {  	p0 =	seq.s32 s10, $0x1;
	s10 =	sld [smem:$0x3FB4];
	_ =	sdelay $0x3  }
0x34: {  	[smem:$0x3FB4] =	sst s10  }
0x35: {  	s10 =	sld [smem:$0x3FB3];
	_ =	sdelay $0x3  }
0x36: {  	p1 =	seq.s32 s10, $0x1;
	s10 =	sld [smem:$0x3FB4];
	_ =	sdelay $0x3  }
0x37: {  	[smem:$0x3FB4] =	sst s10  }
0x38: {  	s10 =	sld [smem:$0x3FB5]  }
0x39: {  	_ = 	snop;
	(pc) =	sbr.ind lr, $3  }
0x3a: {  	_ = 	snop  }
0x3b: {  	_ = 	snop  }
0x3c: {  	p2 =	seq.s32 s10, $0x1;
	s10 =	sld [smem:$0x3FB4]  }
0x3d: {  	_ =	shalt  }
0x3e: {  	_ =	shalt  }
0x3f: {  	_ =	shalt  }
0x40: {  	_ =	shalt  }
0x41: {  	_ =	shalt  }
0x42: {  	_ =	shalt  }
0x43: {  	_ =	shalt  }
0x44: {  	_ =	shalt  }
0x45: {  	_ =	shalt  }
0x46: {  	_ =	shalt  }
0x47: {  	_ =	shalt  }
0x48: {  	_ =	shalt  }
0x49: {  	_ =	shalt  }
0x4a: {  	_ =	shalt  }
0x4b: {  	_ =	shalt  }
0x4c: {  	_ =	shalt  }
0x4d: {  	_ =	shalt  }
0x4e: {  	_ =	shalt  }
0x4f: {  	_ =	shalt  }
0x50: {  	_ =	shalt  }
0x51: {  	_ =	shalt  }
0x52: {  	_ =	shalt  }
0x53: {  	_ =	shalt  }
0x54: {  	_ =	shalt  }
0x55: {  	_ =	shalt  }
0x56: {  	_ =	shalt  }
0x57: {  	_ =	shalt  }
0x58: {  	_ =	shalt  }
0x59: {  	_ =	shalt  }
0x5a: {  	_ =	shalt  }
0x5b: {  	_ =	shalt  }
0x5c: {  	_ =	shalt  }
0x5d: {  	_ =	shalt  }
0x5e: {  	_ =	shalt  }
0x5f: {  	_ =	shalt  }
0x60: {  	_ =	shalt  }
0x61: {  	_ =	shalt  }
0x62: {  	_ =	shalt  }
0x63: {  	_ =	shalt  }
0x64: {  	_ =	shalt  }
0x65: {  	_ =	shalt  }
0x66: {  	_ =	shalt  }
0x67: {  	_ =	shalt  }
0x68: {  	_ =	shalt  }
0x69: {  	_ =	shalt  }
0x6a: {  	_ =	shalt  }
0x6b: {  	_ =	shalt  }
0x6c: {  	_ =	shalt  }
0x6d: {  	_ =	shalt  }
0x6e: {  	_ =	shalt  }
0x6f: {  	_ =	shalt  }
0x70: {  	_ =	shalt  }
0x71: {  	_ =	shalt  }
0x72: {  	_ =	shalt  }
0x73: {  	_ =	shalt  }
0x74: {  	_ =	shalt  }
0x75: {  	_ =	shalt  }
0x76: {  	_ =	shalt  }
0x77: {  	_ =	shalt  }
0x78: {  	_ =	shalt  }
0x79: {  	_ =	shalt  }
0x7a: {  	_ =	shalt  }
0x7b: {  	_ =	shalt  }
0x7c: {  	_ =	shalt  }
0x7d: {  	_ =	shalt  }
0x7e: {  	_ =	shalt  }
0x7f: {  	_ =	shalt  }
0x80: {  	_ =	shalt  }
0x81: {  	_ =	shalt  }
0x82: {  	_ =	shalt  }
0x83: {  	_ =	shalt  }
0x84: {  	_ =	shalt  }
0x85: {  	_ =	shalt  }
0x86: {  	_ =	shalt  }
0x87: {  	_ =	shalt  }
.Lfunc_end0:
.L_simem_size_0:
called_computation_lowered:
.L_overlay_start_0:
0x88: {  	s2 =	sld [smem:$0x3FD9]  }
0x89: {  	s3 =	sld [smem:$0x3FFE];
	_ =	sdelay $0x1  }
0x8a: {  	s1 =	srdreg.scid  }
0x8b: {  	s0 =	sand.u32 $0x1, s1  }
0x8c: {  	s17 =	sshll.u32 s0, $0xA;
	s2 =	sadd.s32 s3, s2  }
0x8d: {  	s2 =	sadd.s32 s2, s17  }
0x8e: {  	[smem:$0x3FC0] =	sst s2  }
0x8f: {  	_ = 	snop  }
0x90: {  	s2 =	sld [smem:$0x3FD0];
	(tm) =	ssettm $0x1  }
0x91: {  	s18 =	sld [smem:$0x3FFB];
	_ =	sdelay $0x3  }
0x92: {  	_ =	strace s18  }
0x93: {  	s3 =	sld [smem:$0x3FFC];
	_ =	sdelay $0x3  }
0x94: {  	_ =	strace s3  }
0x95: {  	s3 =	sld [smem:$0x3FFD];
	_ =	sdelay $0x3  }
0x96: {  	_ =	strace s3  }
0x97: {  	_ =	strace $0x8FFFFFFF  }
0x98: {  	s19 =	sld [smem:$0x3FDB];
	_ =	sdelay $0x1  }
0x99: {  	s4 =	simm.s32 $_scs_section_size  }
0x9a: {  	s5 =	simm.s32 $_size__tile_overlayer_lowered;
	s6 =	simm.s32 $_tile_overlayer_lowered  }
0x9b: {  	s22 =	simm.s32 $0x1BFF;
	s21 =	sshll.u32 s6, $0x1;
	s3 =	sadd.s32 s4, s19  }
0x9c: {  	s7 =	simm.s32 $0x0;
	s20 =	sshll.u32 s5, $0x1;
	s5 =	sadd.s32 s21, s3  }
0x9d: {  	[timem:s7], [sflag:s22] =	dma.local [hbm:s5], s20  }
0x9e: {  	_ =	swait.ge [sflag:s22], s20  }
0x9f: {  	s4 =	ssub.s32 $0x0, s20;
	[sflag:s22] =	ssyncset.done $0x0  }
0xa0: {  	[sflag:s22] =	ssyncadd.s32 s4;
	_ =	sdelay $0x1  }
0xa1: {  	s23 =	simm.s32 $0x1B8B  }
0xa2: {  	_ =	swait.ge [sflag:s23], $0x1  }
0xa3: {  	[sflag:s23] =	ssyncset.done $0x0  }
0xa4: {  	s25 =	simm.s32 $0x1B8E;
	s24 =	sld [smem:$0x3FFE];
	[sflag:s23] =	ssyncadd.s32 $0xFFFFFFFF  }
0xa5: {  	s26 =	simm.s32 $execute0_lowered;
	[smem:$0x3FD2] =	sst s25  }
0xa6: {  	s5 =	sshll.u32 s26, $0x1;
	_ =	strace $0x80000046;
	[dreg:$0x1] =	wrdreg $0xFFFFFFFF  }
0xa7: {  	s28 =	simm.s32 $_size_execute0_lowered;
	s3 =	sadd.s32 s3, s5;
	[dreg:$0x0] =	wrdreg $0x0  }
0xa8: {  	s5 =	sshll.u32 s28, $0x1;
	[dreg:$0x2] =	wrdreg s3  }
0xa9: {  	[dreg:$0x3] =	wrdreg s5  }
0xaa: {  	[dreg:$0x4] =	wrdreg $0xC0  }
0xab: {  	_ =	task [dreg:s7], $0x5FFFF  }
0xac: {  	[dreg:$0x1] =	wrdreg $0xFFFFFFFF  }
0xad: {  	[dreg:$0x0] =	wrdreg $0x60  }
0xae: {  	[dreg:$0x2] =	wrdreg s2  }
0xaf: {  	[dreg:$0x3] =	wrdreg s24  }
0xb0: {  	[dreg:$0x4] =	wrdreg $0x6C000  }
0xb1: {  	[dreg:$0x5] =	wrdreg $0x9  }
0xb2: {  	_ =	task.clear_ibuf [dreg:s7], $0x6FFFF;
	_ =	strace $0x90000046  }
0xb3: {  	s29 =	simm.s32 $0x9;
	_ =	strace $0x80000048  }
0xb4: {  	_ =	swait.ge [sflag:s29], $0x1  }
0xb5: {  	[sflag:s29] =	ssyncadd.s32 $0xFFFFFFFF  }
0xb6: {  	_ =	strace $0x90000048  }
0xb7: {  	_ =	sfence  }
0xb8: {  	s30 =	sld [smem:$0x0];
	_ =	sdelay $0x2  }
0xb9: {  	s31 =	sshll.u32 s1, $0xD;
	s1 =	sshrl.u32 s1, $0x2  }
0xba: {  	s3 =	sand.u32 $0x4000, s31;
	s1 =	sadd.s32 s1, s30  }
0xbb: {  	s0 =	sor.u32 s3, s0;
	s1 =	sshll.u32 s1, $0x11  }
0xbc: {  	s0 =	sor.u32 s1, s0  }
0xbd: {  	s0 =	sadd.s32 $0x8F2B, s0  }
0xbe: {  	[sflag:s0] =	ssyncadd.remote.s32 $0x1  }
0xbf: {  	_ =	sfence.sel $0xFFFF  }
0xc0: {  	[dreg:$0x0] =	wrdreg $0xFFFFFFFF;
	(pc) =	sbr.abs _section_cstart, $3  }
0xc1: {  	[dreg:$0x1] =	wrdreg $0xFFFFFFFF  }
0xc2: {  	_ =	task.clear_ibuf [dreg:s7], $0x2FFFF;
	_ =	strace $0x9FFFFFFF  }
0xc3: {  	(tm) =	ssettm $0x7FFFFFFF  }
tec
execute0_lowered:
.L_overlay_start_1:
0x0: {  	(tag) =	ssettag $0x1  }
0x1: {  	s4 =	rddreg [dreg:$0x0]  }
0x2: {  	s5 =	rddreg [dreg:$0x1];
	s0 =	srdreg.scid  }
0x3: {  	s2 =	rddreg [dreg:$0x2];
	s1 =	stileid.u32  }
0x4: {  	s3 =	simm.s32 $0x0;
	s11 =	simm.s32 $0x2800;
	s14 =	simm.s32 $0x0  }
0x5: {  	s6 =	sand.u32 $0x1, s0;
	s0 =	rddreg [dreg:$0x3];
	s8 =	smul.u32 $0x13C00, s1  }
0x6: {  	[smem:$0x7FF] =	sst s3;
	s9 =	smul.u32 $0x4F000, s1;
	s12 =	sshll.u32 s1, $0x6  }
0x7: {  	s7 =	smul.u32 $0x13C000, s6;
	s30 =	sshll.u32 s6, $0x4;
	s6 =	ssub.s32 $0x2, s6  }
0x8: {  	_ =	strace $0x80000047;
	s12 =	sor.u32 $0x1C01, s12;
	s10 =	sshrl.u32 s6, $0x1  }
0x9: {  	s31 =	sshrl.u32 s9, $0x2;
	s7 =	sadd.s32 s8, s7;
	s8 =	sor.u32 s1, s30  }
0xa: {  	s9 =	simm.s32 $0x6800;
	s7 =	sshrl.u32 s7, $0x3;
	s8 =	smul.u32 $0x500, s8  }
0xb: {  	s10 =	ssub.s32 s6, s10;
	s7 =	sadd.s32 s7, s5;
	s5 =	sadd.s32 s31, s2  }
0xc: {  	s4 =	sadd.s32 s4, s8;
	s6 =	sadd.s32 $0x2C00, s7;
	s7 =	smax.u32 s10, $0x1  }
0xd: {  	v0 =	vimm.f32 $1.000000000e+00;
	v1 =	vimm.f32 $0.0e+00;
	s8 =	simm.s32 $0x1;
	s10 =	simm.s32 $0x80;
	s13 =	sshrl.u32 s5, $0x3  }
.LBB2_1:
0xe: {  	[tilespmem:s3], [sflag:$0x1] =	stream.linear.gather [hbm4b:s4+s3], $0x2800, $0x38;
	[tilespmem:$0x1A800] =	vst v63  }
0xf: {  	s15 =	simm.s32 $0x0  }
0x10: {  	s16 =	sand.u32 $0xFFFFFF80, s15  }
0x11: {  	_ =	swait.ge [sflag:s8], $0x2800;
	s16 =	ssub.s32 $0x0, s16  }
0x12: {  	s15 =	sand.u32 $0x3FFFFF80, s15;
	[sflag:s8] =	ssyncset.done $0x0;
	s16 =	sand.u32 $0xFFFFFF80, s16  }
0x13: {  	s17 =	sand.u32 $0x70, s3;
	[sflag:s8] =	ssyncadd.s32 $0xFFFFD800;
	s16 =	sadd.s32 s16, s15  }
0x14: {  	s15 =	simm.s32 $0x1;
	s17 =	sor.u32 s17, s16;
	s16 =	simm.s32 $0x0  }
.LBB2_2:
0x15: {  	s18 =	sshll.u32 s15, $0x4;
	p0 =	sne.s32 s15, $0x3FF;
	s15 =	sadd.s32 $0x1, s15;
	[tilespmem:s17+$0x2800] =	vst v0  }
.Ltmp0:
0x16: {  	s16 =	sadd.s32 $0x10, s16;
	s17 =	sand.u32 $0xFFFFFF80, s18;
	(pc) =	sbr.rel @p0 .LBB2_2-.Ltmp0, $4  }
0x17: {  	s17 =	ssub.s32 s16, s17  }
0x18: {  	s18 =	sand.u32 $0x3FFFFF80, s18;
	s17 =	sand.u32 $0xFFFFFF80, s17  }
0x19: {  	s19 =	sand.u32 $0x70, s16;
	s17 =	sadd.s32 s17, s18  }
0x1a: {  	s17 =	sor.u32 s19, s17  }
0x1b: {  	[tilespmem:s17+$0x2800] =	vst v0  }
0x1c: {  	[tilespmem:$0x6800] =	vst v1  }
0x1d: {  	[tilespmem:$0x6810] =	vst v1  }
0x1e: {  	[tilespmem:$0x6820] =	vst v1  }
0x1f: {  	[tilespmem:$0x6830] =	vst v1  }
0x20: {  	[tilespmem:$0x6840] =	vst v1  }
0x21: {  	[tilespmem:$0x6850] =	vst v1  }
0x22: {  	[tilespmem:$0x6860] =	vst v1  }
0x23: {  	[tilespmem:$0x6870] =	vst v1  }
0x24: {  	[tilespmem:$0x6880] =	vst v1  }
0x25: {  	[tilespmem:$0x6890] =	vst v1  }
0x26: {  	[tilespmem:$0x68A0] =	vst v1  }
0x27: {  	[tilespmem:$0x68B0] =	vst v1  }
0x28: {  	[tilespmem:$0x68C0] =	vst v1  }
0x29: {  	[tilespmem:$0x68D0] =	vst v1  }
0x2a: {  	[tilespmem:$0x68E0] =	vst v1  }
0x2b: {  	[tilespmem:$0x68F0] =	vst v1  }
0x2c: {  	[tilespmem:$0x6900] =	vst v1  }
0x2d: {  	[tilespmem:$0x6910] =	vst v1  }
0x2e: {  	[tilespmem:$0x6920] =	vst v1  }
0x2f: {  	[tilespmem:$0x6930] =	vst v1  }
0x30: {  	[tilespmem:$0x6940] =	vst v1  }
0x31: {  	[tilespmem:$0x6950] =	vst v1  }
0x32: {  	[tilespmem:$0x6960] =	vst v1  }
0x33: {  	[tilespmem:$0x6970] =	vst v1  }
0x34: {  	[tilespmem:$0x6980] =	vst v1  }
0x35: {  	[tilespmem:$0x6990] =	vst v1  }
0x36: {  	[tilespmem:$0x69A0] =	vst v1  }
0x37: {  	[tilespmem:$0x69B0] =	vst v1  }
0x38: {  	[tilespmem:$0x69C0] =	vst v1  }
0x39: {  	[tilespmem:$0x69D0] =	vst v1  }
0x3a: {  	[tilespmem:$0x69E0] =	vst v1  }
0x3b: {  	[tilespmem:$0x69F0] =	vst v1  }
0x3c: {  	[tilespmem:$0x6A00] =	vst v1  }
0x3d: {  	[tilespmem:$0x6A10] =	vst v1  }
0x3e: {  	[tilespmem:$0x6A20] =	vst v1  }
0x3f: {  	[tilespmem:$0x6A30] =	vst v1  }
0x40: {  	[tilespmem:$0x6A40] =	vst v1  }
0x41: {  	[tilespmem:$0x6A50] =	vst v1  }
0x42: {  	[tilespmem:$0x6A60] =	vst v1  }
0x43: {  	[tilespmem:$0x6A70] =	vst v1  }
0x44: {  	[tilespmem:$0x6A80] =	vst v1  }
0x45: {  	[tilespmem:$0x6A90] =	vst v1  }
0x46: {  	[tilespmem:$0x6AA0] =	vst v1  }
0x47: {  	[tilespmem:$0x6AB0] =	vst v1  }
0x48: {  	[tilespmem:$0x6AC0] =	vst v1  }
0x49: {  	[tilespmem:$0x6AD0] =	vst v1  }
0x4a: {  	[tilespmem:$0x6AE0] =	vst v1  }
0x4b: {  	[tilespmem:$0x6AF0] =	vst v1  }
0x4c: {  	[tilespmem:$0x6B00] =	vst v1  }
0x4d: {  	[tilespmem:$0x6B10] =	vst v1  }
0x4e: {  	[tilespmem:$0x6B20] =	vst v1  }
0x4f: {  	[tilespmem:$0x6B30] =	vst v1  }
0x50: {  	[tilespmem:$0x6B40] =	vst v1  }
0x51: {  	[tilespmem:$0x6B50] =	vst v1  }
0x52: {  	[tilespmem:$0x6B60] =	vst v1  }
0x53: {  	[tilespmem:$0x6B70] =	vst v1  }
0x54: {  	[tilespmem:$0x6B80] =	vst v1  }
0x55: {  	[tilespmem:$0x6B90] =	vst v1  }
0x56: {  	[tilespmem:$0x6BA0] =	vst v1  }
0x57: {  	[tilespmem:$0x6BB0] =	vst v1  }
0x58: {  	[tilespmem:$0x6BC0] =	vst v1  }
0x59: {  	[tilespmem:$0x6BD0] =	vst v1  }
0x5a: {  	[tilespmem:$0x6BE0] =	vst v1  }
0x5b: {  	s15 =	sadd.s32 $0x0, s5;
	[tilespmem:$0x6BF0] =	vst v1  }
0x5c: {  	[spmem:s15] =	stream.linear.scatter [tilespmem:s9], [sflag:$0x1], $0x400, $0x38;
	[tilespmem:$0x1A800] =	vst v63  }
0x5d: {  	s15 =	simm.s32 $0x1000;
	_ =	swait.ge [sflag:s8], $0x400  }
.LBB2_4:
0x5e: {  	s16 =	sshra.s32 s15, $0x2;
	[sflag:s8] =	ssyncset.done $0x0;
	p0 =	sne.s32 s15, $0x4E000  }
.Ltmp1:
0x5f: {  	s16 =	sadd.s32 s16, s5;
	[sflag:s8] =	ssyncadd.s32 $0xFFFFFC00;
	(pc) =	sbr.rel @p0 .LBB2_4-.Ltmp1, $3  }
0x60: {  	[spmem:s16] =	stream.linear.scatter [tilespmem:s9], [sflag:$0x1], $0x400, $0x38;
	[tilespmem:$0x1A800] =	vst v63  }
0x61: {  	s15 =	sadd.s32 $0x1000, s15;
	_ =	sdelay $0x1  }
0x62: {  	_ =	swait.ge [sflag:s8], $0x400  }
0x63: {  	[sflag:s8] =	ssyncset.done $0x0  }
0x64: {  	[sflag:s8] =	ssyncadd.s32 $0xFFFFFC00  }
0x65: {  	s15 =	simm.s32 $0x0;
	[bflag:$0x0] =	sbarrier.arrive $0xFFFF  }
0x66: {  	[spmem:s2] =	stream.indirect.scatter.add.f32 [tilespmem:s11], [sflag:$0x1], $0x80, s15, s10, $0xb8;
	[tilespmem:$0x1A800] =	vst v63  }
0x67: {  	_ =	swait.ge [sflag:s8], $0x4000  }
0x68: {  	s15 =	simm.s32 $0x200;
	[sflag:s8] =	ssyncset.done $0x0  }
.LBB2_6:
0x69: {  	s16 =	sshra.s32 s15, $0x2;
	[sflag:s8] =	ssyncadd.s32 $0xFFFFC000;
	p0 =	sne.s32 s15, $0x9E00  }
0x6a: {  	[spmem:s2] =	stream.indirect.scatter.add.f32 [tilespmem:s11], [sflag:$0x1], $0x80, s16, s10, $0xb8;
	[tilespmem:$0x1A800] =	vst v63  }
.Ltmp2:
0x6b: {  	_ = 	snop;
	(pc) =	sbr.rel @p0 .LBB2_6-.Ltmp2, $4  }
0x6c: {  	_ = 	snop  }
0x6d: {  	s15 =	sadd.s32 $0x200, s15  }
0x6e: {  	_ =	swait.ge [sflag:s8], $0x4000  }
0x6f: {  	[sflag:s8] =	ssyncset.done $0x0  }
0x70: {  	s14 =	sadd.s32 $0x1, s14  }
0x71: {  	[sflag:s8] =	ssyncadd.s32 $0xFFFFC000;
	p0 =	sne.s32 s14, s7  }
.Ltmp3:
0x72: {  	[bflag:$0x0] =	sbarrier.arrive $0xFFFF;
	(pc) =	sbr.rel @p0 .LBB2_1-.Ltmp3, $4  }
0x73: {  	[hbm:s6], [sflag:s12] =	dma.local [spmem:s13], $0x2780  }
0x74: {  	_ =	swait.ge [sflag:s8], $0x2780  }
0x75: {  	[sflag:s8] =	ssyncset.done $0x0  }
0x76: {  	[sflag:s8] =	ssyncadd.s32 $0xFFFFD880  }
0x77: {  	_ =	sfence.sel $0x180000  }
0x78: {  	[bflag:$0x0] =	sbarrier.arrive $0xFFFF  }
0x79: {  	p0 =	sne.s32 s1, $0x0;
	_ =	strace $0x90000047  }
0x7a: {  	s0 =	sadd.s32 @!p0 $0x100000, s0;
	[bflag:$0x2] =	sbarrier.arrive $0xFFFF  }
0x7b: {  	[sflag:s0] =	ssyncadd.tile.s32 @!p0 $0x1;
	_ =	shalt  }
.Lfunc_end2:
_tile_overlayer_lowered:
.L_overlay_start_2:
0x7c: {  	(tag) =	ssettag $0x2  }
0x7d: {  	s0 =	rddreg [dreg:$0x0];
	s2 =	stileid.u32  }
0x7e: {  	s1 =	rddreg [dreg:$0x1];
	p0 =	sne.s32 s2, $0x0  }
0x7f: {  	s3 =	rddreg [dreg:$0x2];
	[bflag:$0x3] =	sbarrier.arrive $0xFFFF;
	s2 =	simm.s32 @!p0 $0x1C01  }
0x80: {  	[timem:s3], [sflag:s2] =	dma.local @!p0 [hbm:s0], s1  }
0x81: {  	s0 =	simm.s32 @!p0 $0x1  }
0x82: {  	_ =	swait.ge @!p0 [sflag:s0], s1  }
0x83: {  	s1 =	ssub.s32 @!p0 $0x0, s1;
	[sflag:s0] =	ssyncset.done @!p0 $0x0  }
0x84: {  	[sflag:s0] =	ssyncadd.s32 @!p0 s1  }
0x85: {  	[bflag:$0x3] =	sbarrier.arrive $0xFFFF  }
0x86: {  	_ =	shalt  }

</sc_bundles>
